<compile_context>
chip_gen: v7x
topology: tpu7x:2x2x1
jax: 0.10.2.dev20260603
libtpu: 0.0.44.dev20260713+nightly
codegen_flags: <defaults>
</compile_context>

<pallas_src>
import functools

import jax
import jax.numpy as jnp
from jax import lax
from jax.experimental import pallas as pl
from jax.experimental.pallas import tpu as pltpu, tpu_sc as plsc

_MU = 5.0
_D = 256
_C = 64
_NW = 32


def _tec_body(xT_hbm, xS_hbm, idx_hbm, w_hbm, out_hbm,
              tIdx_v, sIdx_v, wA_v, wB_v, rowsT_v, rowsS_v, tr_v, acc_v,
              semsT, semsS, *, ppw, total):
    wid = lax.axis_index("s") * 2 + lax.axis_index("c")
    base = wid * ppw
    nchunks = ppw // _C
    lane = lax.iota(jnp.int32, 16)
    zero16 = jnp.zeros((16,), jnp.float32)

    pltpu.sync_copy(idx_hbm.at[pl.ds(base, ppw)], tIdx_v)
    pltpu.sync_copy(idx_hbm.at[pl.ds(total + base, ppw)], sIdx_v)
    pltpu.sync_copy(w_hbm.at[pl.ds(base, ppw)], wA_v)
    pltpu.sync_copy(w_hbm.at[pl.ds(total + base, ppw)], wB_v)

    def start(c, b):
        pltpu.async_copy(xT_hbm.at[tIdx_v.at[pl.ds(c * _C, _C)]],
                         rowsT_v.at[b], semsT.at[b])
        pltpu.async_copy(xS_hbm.at[sIdx_v.at[pl.ds(c * _C, _C)]],
                         rowsS_v.at[b], semsS.at[b])

    def wait(b):
        pltpu.make_async_copy(xT_hbm.at[pl.ds(0, _C)], rowsT_v.at[b],
                              semsT.at[b]).wait()
        pltpu.make_async_copy(xS_hbm.at[pl.ds(0, _C)], rowsS_v.at[b],
                              semsS.at[b]).wait()

    lane17 = lane * 17

    def compute(c, b, acc_total):
        for g in range(_C // 16):
            @pl.loop(0, 16)
            def p_loop(p):
                row = g * 16 + p
                acc = zero16
                for k in range(_D // 32):
                    a = rowsT_v[b, row, pl.ds(k * 32, 32)]
                    bb = rowsS_v[b, row, pl.ds(k * 32, 32)]
                    d = a - bb
                    dlo, dhi = plsc.unpack(d, format=plsc.PackFormat.INTERLEAVED)
                    acc = acc + dlo * dlo + dhi * dhi
                tr_v[pl.ds(p * 17, 16)] = acc
            d2 = plsc.load_gather(tr_v, [lane17])
            for k in range(1, 16):
                d2 = d2 + plsc.load_gather(tr_v, [lane17 + k])
            wA = wA_v[pl.ds(c * _C + g * 16, 16)]
            wB = wB_v[pl.ds(c * _C + g * 16, 16)]
            acc_total = acc_total + wA * d2 + wB * jnp.maximum(_MU - d2, 0.0)
        return acc_total

    start(0, 0)

    @pl.loop(0, nchunks // 2, init_carry=zero16)
    def chunk_loop(h, acc_total):
        for b in range(2):
            c = 2 * h + b

            @pl.when(c + 1 < nchunks)
            def _():
                start(c + 1, 1 - b)

            wait(b)
            acc_total = compute(c, b, acc_total)
        return acc_total

    acc_v[...] = chunk_loop
    pltpu.sync_copy(acc_v, out_hbm.at[wid])


def kernel(xS, xT, p_, n_):
    numP = p_.shape[0]
    numN = n_.shape[0]
    total = numP + numN
    assert total % (_NW * 2 * _C) == 0
    ppw = total // _NW

    yN = 0.2 * jax.random.uniform(jax.random.key(42), (numN,), dtype=jnp.float32)
    p32 = p_.astype(jnp.int32)
    n32 = n_.astype(jnp.int32)
    idx = jnp.concatenate([p32[:, 0], n32[:, 0], p32[:, 1], n32[:, 1]])
    w = jnp.concatenate([jnp.full((numP,), 1.0 / numP, jnp.float32),
                         yN / numN,
                         jnp.zeros((numP,), jnp.float32),
                         (1.0 - yN) / numN])

    mesh = plsc.VectorSubcoreMesh(core_axis_name="c", subcore_axis_name="s")
    run = pl.kernel(
        functools.partial(_tec_body, ppw=ppw, total=total),
        out_type=jax.ShapeDtypeStruct((_NW, 16), jnp.float32),
        mesh=mesh,
        compiler_params=pltpu.CompilerParams(use_tc_tiling_on_sc=False,
                                             needs_layout_passes=False),
        scratch_types=[
            pltpu.VMEM((ppw,), jnp.int32),
            pltpu.VMEM((ppw,), jnp.int32),
            pltpu.VMEM((ppw,), jnp.float32),
            pltpu.VMEM((ppw,), jnp.float32),
            pltpu.VMEM((2, _C, _D), jnp.bfloat16),
            pltpu.VMEM((2, _C, _D), jnp.bfloat16),
            pltpu.VMEM((16 * 17,), jnp.float32),
            pltpu.VMEM((16,), jnp.float32),
            pltpu.SemaphoreType.DMA((2,)),
            pltpu.SemaphoreType.DMA((2,)),
        ],
    )
    partials = run(xT.astype(jnp.bfloat16), xS.astype(jnp.bfloat16),
                   idx, w)
    return jnp.sum(partials, dtype=jnp.float32).reshape((1,))

# --- scband reference (transcript-rebuilt; emitter-appended) ---
"""Pipeline reference for scband-twin-loss-6390911336488 (READ-ONLY COPY).

The authoritative reference and input builder live on the scoring server;
editing this copy changes nothing except your own understanding.
"""

import jax, jax.numpy as jnp
import numpy as np

MU = 5.0

def setup_inputs(seed: int = 0) -> dict:
    key = jax.random.key(seed)
    k1, k2, k3, k4 = jax.random.split(key, 4)
    xS = jax.random.normal(k1, (16384, 256), dtype=jnp.float32)
    xT = jax.random.normal(k2, (16384, 256), dtype=jnp.float32)
    p_ = jax.random.randint(k3, (65536, 2), 0, 16384, dtype=jnp.int64)
    n_ = jax.random.randint(k4, (65536, 2), 0, 16384, dtype=jnp.int64)
    return {"xS": xS, "xT": xT, "p_": p_, "n_": n_}

def reference(xS, xT, p_, n_):
    numP = p_.shape[0]
    numN = n_.shape[0]
    out = jnp.zeros((1,), dtype=jnp.float32)
    # positive-pair term: mean squared distance over gathered pairs
    lP = jnp.sum(jnp.power(xT[p_[:, 0], :] - xS[p_[:, 1], :], 2)) / numP
    out = out + lP
    # negative-pair term with random mixing weights yN (torch.rand in original;
    # replicated with a fixed jax PRNG key for determinism)
    yN = 0.2 * jax.random.uniform(jax.random.key(42), (numN,), dtype=jnp.float32)
    lN = jnp.sum(jnp.power(xT[n_[:, 0], :] - xS[n_[:, 1], :], 2), axis=1)
    lN1 = jnp.sum(lN * yN)
    lN2 = jnp.sum(jax.nn.relu(jnp.ones_like(lN) * MU - lN) * (jnp.ones_like(yN) - yN))
    out = out + (lN1 + lN2) / numN
    return out

if __name__ == "__main__":
    import jax
    _d = setup_inputs()
    print(jax.jit(kernel)(*tuple(_d.values())))

</pallas_src>

<mosaic_0001>
#map = affine_map<(d0, d1) -> (0, 0)>
#map1 = affine_map<(d0, d1) -> (0)>
module attributes {stable_mosaic.version = 14 : i64} {
  func.func @_tec_body(%arg0: i32, %arg1: i32, %arg2: memref<16384x256xbf16, #tpu.memory_space<hbm>>, %arg3: memref<16384x256xbf16, #tpu.memory_space<hbm>>, %arg4: memref<262144xi32, #tpu.memory_space<hbm>>, %arg5: memref<262144xf32, #tpu.memory_space<hbm>>, %arg6: memref<32x16xf32, #tpu.memory_space<hbm>>, %arg7: memref<4096xi32, #tpu.memory_space<vmem>>, %arg8: memref<4096xi32, #tpu.memory_space<vmem>>, %arg9: memref<4096xf32, #tpu.memory_space<vmem>>, %arg10: memref<4096xf32, #tpu.memory_space<vmem>>, %arg11: memref<2x64x256xbf16, #tpu.memory_space<vmem>>, %arg12: memref<2x64x256xbf16, #tpu.memory_space<vmem>>, %arg13: memref<272xf32, #tpu.memory_space<vmem>>, %arg14: memref<16xf32, #tpu.memory_space<vmem>>, %arg15: memref<2x!tpu.dma_semaphore, #tpu.memory_space<semaphore_mem>>, %arg16: memref<2x!tpu.dma_semaphore, #tpu.memory_space<semaphore_mem>>) attributes {dimension_semantics = [#tpu.dimension_semantics<core_parallel>, #tpu.dimension_semantics<subcore_parallel>], iteration_bounds = array<i64: 2, 16>, scalar_prefetch = 0 : i64, scratch_operands = 10 : i64, tpu.core_type = #tpu.core_type<sc_vector_subcore>, window_params = [{transform_indices = #map}, {transform_indices = #map}, {transform_indices = #map1}, {transform_indices = #map1}, {transform_indices = #map}]} {
    %mul3A = arith.constant 2 : i32
    %mul3A_0 = arith.muli %arg1, %mul3A : i32
    %add3A = arith.addi %mul3A_0, %arg0 : i32
    %mul3A_1 = arith.constant 4096 : i32
    %mul3A_2 = arith.muli %add3A, %mul3A_1 : i32
    %iota3A = tpu.iota {dimensions = array<i32: 0>} : vector<16xi32>
    %broadcast_in_dim3A = arith.constant 0.000000e+00 : f32
    %broadcast_in_dim3A_3 = vector.broadcast %broadcast_in_dim3A : f32 to vector<16xf32>
    "tpu.region"() ({
      %run_scoped3A = tpu.sem_alloc : memref<!tpu.dma_semaphore, #tpu.memory_space<semaphore_mem>>
      %dma_start3A_42 = tpu.memref_slice %arg4[%mul3A_2] : memref<262144xi32, #tpu.memory_space<hbm>> -> memref<4096xi32, #tpu.memory_space<hbm>>
      %dma_start3A_43 = tpu.memref_slice %arg4[%mul3A_2] : memref<262144xi32, #tpu.memory_space<hbm>> -> memref<4096xi32, #tpu.memory_space<hbm>>
      tpu.enqueue_dma source(%dma_start3A_43 : memref<4096xi32, #tpu.memory_space<hbm>>) target(%arg7 : memref<4096xi32, #tpu.memory_space<vmem>>) target_semaphore(%run_scoped3A : memref<!tpu.dma_semaphore, #tpu.memory_space<semaphore_mem>>)
      %dma_wait3A = tpu.memref_slice %arg4[%mul3A_2] : memref<262144xi32, #tpu.memory_space<hbm>> -> memref<4096xi32, #tpu.memory_space<hbm>>
      %dma_wait3A_44 = tpu.memref_slice %arg4[%mul3A_2] : memref<262144xi32, #tpu.memory_space<hbm>> -> memref<4096xi32, #tpu.memory_space<hbm>>
      tpu.wait_dma2 semaphore(%run_scoped3A : memref<!tpu.dma_semaphore, #tpu.memory_space<semaphore_mem>>) src(%dma_wait3A_44 : memref<4096xi32, #tpu.memory_space<hbm>>) dst(%arg7 : memref<4096xi32, #tpu.memory_space<vmem>>)
      tpu.yield
    }) : () -> ()
    %add3A_4 = arith.constant 131072 : i32
    %add3A_5 = arith.addi %add3A_4, %mul3A_2 : i32
    "tpu.region"() ({
      %run_scoped3A = tpu.sem_alloc : memref<!tpu.dma_semaphore, #tpu.memory_space<semaphore_mem>>
      %dma_start3A_42 = tpu.memref_slice %arg4[%add3A_5] : memref<262144xi32, #tpu.memory_space<hbm>> -> memref<4096xi32, #tpu.memory_space<hbm>>
      %dma_start3A_43 = tpu.memref_slice %arg4[%add3A_5] : memref<262144xi32, #tpu.memory_space<hbm>> -> memref<4096xi32, #tpu.memory_space<hbm>>
      tpu.enqueue_dma source(%dma_start3A_43 : memref<4096xi32, #tpu.memory_space<hbm>>) target(%arg8 : memref<4096xi32, #tpu.memory_space<vmem>>) target_semaphore(%run_scoped3A : memref<!tpu.dma_semaphore, #tpu.memory_space<semaphore_mem>>)
      %dma_wait3A = tpu.memref_slice %arg4[%add3A_5] : memref<262144xi32, #tpu.memory_space<hbm>> -> memref<4096xi32, #tpu.memory_space<hbm>>
      %dma_wait3A_44 = tpu.memref_slice %arg4[%add3A_5] : memref<262144xi32, #tpu.memory_space<hbm>> -> memref<4096xi32, #tpu.memory_space<hbm>>
      tpu.wait_dma2 semaphore(%run_scoped3A : memref<!tpu.dma_semaphore, #tpu.memory_space<semaphore_mem>>) src(%dma_wait3A_44 : memref<4096xi32, #tpu.memory_space<hbm>>) dst(%arg8 : memref<4096xi32, #tpu.memory_space<vmem>>)
      tpu.yield
    }) : () -> ()
    "tpu.region"() ({
      %run_scoped3A = tpu.sem_alloc : memref<!tpu.dma_semaphore, #tpu.memory_space<semaphore_mem>>
      %dma_start3A_42 = tpu.memref_slice %arg5[%mul3A_2] : memref<262144xf32, #tpu.memory_space<hbm>> -> memref<4096xf32, #tpu.memory_space<hbm>>
      %dma_start3A_43 = tpu.memref_slice %arg5[%mul3A_2] : memref<262144xf32, #tpu.memory_space<hbm>> -> memref<4096xf32, #tpu.memory_space<hbm>>
      tpu.enqueue_dma source(%dma_start3A_43 : memref<4096xf32, #tpu.memory_space<hbm>>) target(%arg9 : memref<4096xf32, #tpu.memory_space<vmem>>) target_semaphore(%run_scoped3A : memref<!tpu.dma_semaphore, #tpu.memory_space<semaphore_mem>>)
      %dma_wait3A = tpu.memref_slice %arg5[%mul3A_2] : memref<262144xf32, #tpu.memory_space<hbm>> -> memref<4096xf32, #tpu.memory_space<hbm>>
      %dma_wait3A_44 = tpu.memref_slice %arg5[%mul3A_2] : memref<262144xf32, #tpu.memory_space<hbm>> -> memref<4096xf32, #tpu.memory_space<hbm>>
      tpu.wait_dma2 semaphore(%run_scoped3A : memref<!tpu.dma_semaphore, #tpu.memory_space<semaphore_mem>>) src(%dma_wait3A_44 : memref<4096xf32, #tpu.memory_space<hbm>>) dst(%arg9 : memref<4096xf32, #tpu.memory_space<vmem>>)
      tpu.yield
    }) : () -> ()
    %add3A_6 = arith.constant 131072 : i32
    %add3A_7 = arith.addi %add3A_6, %mul3A_2 : i32
    "tpu.region"() ({
      %run_scoped3A = tpu.sem_alloc : memref<!tpu.dma_semaphore, #tpu.memory_space<semaphore_mem>>
      %dma_start3A_42 = tpu.memref_slice %arg5[%add3A_7] : memref<262144xf32, #tpu.memory_space<hbm>> -> memref<4096xf32, #tpu.memory_space<hbm>>
      %dma_start3A_43 = tpu.memref_slice %arg5[%add3A_7] : memref<262144xf32, #tpu.memory_space<hbm>> -> memref<4096xf32, #tpu.memory_space<hbm>>
      tpu.enqueue_dma source(%dma_start3A_43 : memref<4096xf32, #tpu.memory_space<hbm>>) target(%arg10 : memref<4096xf32, #tpu.memory_space<vmem>>) target_semaphore(%run_scoped3A : memref<!tpu.dma_semaphore, #tpu.memory_space<semaphore_mem>>)
      %dma_wait3A = tpu.memref_slice %arg5[%add3A_7] : memref<262144xf32, #tpu.memory_space<hbm>> -> memref<4096xf32, #tpu.memory_space<hbm>>
      %dma_wait3A_44 = tpu.memref_slice %arg5[%add3A_7] : memref<262144xf32, #tpu.memory_space<hbm>> -> memref<4096xf32, #tpu.memory_space<hbm>>
      tpu.wait_dma2 semaphore(%run_scoped3A : memref<!tpu.dma_semaphore, #tpu.memory_space<semaphore_mem>>) src(%dma_wait3A_44 : memref<4096xf32, #tpu.memory_space<hbm>>) dst(%arg10 : memref<4096xf32, #tpu.memory_space<vmem>>)
      tpu.yield
    }) : () -> ()
    %mul3A_8 = arith.constant 17 : i32
    %mul3A_9 = vector.broadcast %mul3A_8 : i32 to vector<16xi32>
    %mul3A_10 = arith.muli %iota3A, %mul3A_9 : vector<16xi32>
    %dma_start3A = arith.constant 0 : i32
    %dma_start3A_11 = arith.constant 0 : i32
    %dma_start3A_12 = arith.constant 0 : i32
    %dma_start3A_13 = arith.constant 0 : i32
    %dma_start3A_14 = tpu.memref_slice %arg11[%dma_start3A, %dma_start3A_12, %dma_start3A_13] : memref<2x64x256xbf16, #tpu.memory_space<vmem>> -> memref<1x64x256xbf16, #tpu.memory_space<vmem>>
    %dma_start3A_15 = tpu.memref_squeeze %dma_start3A_14 : memref<1x64x256xbf16, #tpu.memory_space<vmem>> -> memref<64x256xbf16, #tpu.memory_space<vmem>>
    %dma_start3A_16 = arith.constant 0 : i32
    %dma_start3A_17 = tpu.memref_slice %arg7[%dma_start3A_16] : memref<4096xi32, #tpu.memory_space<vmem>> -> memref<64xi32, #tpu.memory_space<vmem>>
    %dma_start3A_18 = arith.constant 0 : i32
    %dma_start3A_19 = arith.constant 0 : i32
    %dma_start3A_20 = tpu.memref_slice %arg2[%dma_start3A_18, %dma_start3A_19] : memref<16384x256xbf16, #tpu.memory_space<hbm>> -> memref<16384x256xbf16, #tpu.memory_space<hbm>>
    %dma_start3A_21 = tpu.memref_slice %arg15[%dma_start3A_11] : memref<2x!tpu.dma_semaphore, #tpu.memory_space<semaphore_mem>> -> memref<1x!tpu.dma_semaphore, #tpu.memory_space<semaphore_mem>>
    %dma_start3A_22 = tpu.memref_squeeze %dma_start3A_21 : memref<1x!tpu.dma_semaphore, #tpu.memory_space<semaphore_mem>> -> memref<!tpu.dma_semaphore, #tpu.memory_space<semaphore_mem>>
    tpu.enqueue_indirect_dma source(%dma_start3A_20 : memref<16384x256xbf16, #tpu.memory_space<hbm>>) target(%dma_start3A_15 : memref<64x256xbf16, #tpu.memory_space<vmem>>) offsets(%dma_start3A_17 : memref<64xi32, #tpu.memory_space<vmem>>) semaphore(%dma_start3A_22 : memref<!tpu.dma_semaphore, #tpu.memory_space<semaphore_mem>>)
    %dma_start3A_23 = arith.constant 0 : i32
    %dma_start3A_24 = arith.constant 0 : i32
    %dma_start3A_25 = arith.constant 0 : i32
    %dma_start3A_26 = arith.constant 0 : i32
    %dma_start3A_27 = tpu.memref_slice %arg12[%dma_start3A_23, %dma_start3A_25, %dma_start3A_26] : memref<2x64x256xbf16, #tpu.memory_space<vmem>> -> memref<1x64x256xbf16, #tpu.memory_space<vmem>>
    %dma_start3A_28 = tpu.memref_squeeze %dma_start3A_27 : memref<1x64x256xbf16, #tpu.memory_space<vmem>> -> memref<64x256xbf16, #tpu.memory_space<vmem>>
    %dma_start3A_29 = arith.constant 0 : i32
    %dma_start3A_30 = tpu.memref_slice %arg8[%dma_start3A_29] : memref<4096xi32, #tpu.memory_space<vmem>> -> memref<64xi32, #tpu.memory_space<vmem>>
    %dma_start3A_31 = arith.constant 0 : i32
    %dma_start3A_32 = arith.constant 0 : i32
    %dma_start3A_33 = tpu.memref_slice %arg3[%dma_start3A_31, %dma_start3A_32] : memref<16384x256xbf16, #tpu.memory_space<hbm>> -> memref<16384x256xbf16, #tpu.memory_space<hbm>>
    %dma_start3A_34 = tpu.memref_slice %arg16[%dma_start3A_24] : memref<2x!tpu.dma_semaphore, #tpu.memory_space<semaphore_mem>> -> memref<1x!tpu.dma_semaphore, #tpu.memory_space<semaphore_mem>>
    %dma_start3A_35 = tpu.memref_squeeze %dma_start3A_34 : memref<1x!tpu.dma_semaphore, #tpu.memory_space<semaphore_mem>> -> memref<!tpu.dma_semaphore, #tpu.memory_space<semaphore_mem>>
    tpu.enqueue_indirect_dma source(%dma_start3A_33 : memref<16384x256xbf16, #tpu.memory_space<hbm>>) target(%dma_start3A_28 : memref<64x256xbf16, #tpu.memory_space<vmem>>) offsets(%dma_start3A_30 : memref<64xi32, #tpu.memory_space<vmem>>) semaphore(%dma_start3A_35 : memref<!tpu.dma_semaphore, #tpu.memory_space<semaphore_mem>>)
    %scan3A = arith.constant 0 : i32
    %scan3A_36 = arith.constant 32 : i32
    %scan3A_37 = arith.addi %scan3A, %scan3A_36 : i32
    %scan3A_38 = arith.constant 1 : i32
    %scan3A_39 = scf.for %scan3A_42 = %scan3A to %scan3A_37 step %scan3A_38 iter_args(%scan3A_43 = %broadcast_in_dim3A_3) -> (vector<16xf32>)  : i32 {
      %mul3A_44 = arith.constant 1 : i32
      %mul3A_45 = arith.muli %scan3A_42, %mul3A_44 : i32
      %add3A_46 = arith.constant 0 : i32
      %add3A_47 = arith.addi %add3A_46, %mul3A_45 : i32
      %mul3A_48 = arith.constant 2 : i32
      %mul3A_49 = arith.muli %mul3A_48, %add3A_47 : i32
      %add3A_50 = arith.constant 0 : i32
      %add3A_51 = arith.addi %mul3A_49, %add3A_50 : i32
      %add3A_52 = arith.constant 1 : i32
      %add3A_53 = arith.addi %add3A_51, %add3A_52 : i32
      %lt3A = arith.constant 64 : i32
      %lt3A_54 = arith.cmpi slt, %add3A_53, %lt3A : i32
      %convert_element_type3A = arith.extui %lt3A_54 : i1 to i32
      %cond3A = arith.constant 0 : i32
      %cond3A_55 = arith.cmpi ne, %convert_element_type3A, %cond3A : i32
      scf.if %cond3A_55 {
        %add3A_958 = arith.constant 1 : i32
        %add3A_959 = arith.addi %add3A_51, %add3A_958 : i32
        %mul3A_960 = arith.constant 64 : i32
        %mul3A_961 = arith.muli %add3A_959, %mul3A_960 : i32
        %dma_start3A_962 = arith.constant 1 : i32
        %dma_start3A_963 = arith.constant 1 : i32
        %dma_start3A_964 = arith.constant 0 : i32
        %dma_start3A_965 = arith.constant 0 : i32
        %dma_start3A_966 = tpu.memref_slice %arg11[%dma_start3A_962, %dma_start3A_964, %dma_start3A_965] : memref<2x64x256xbf16, #tpu.memory_space<vmem>> -> memref<1x64x256xbf16, #tpu.memory_space<vmem>>
        %dma_start3A_967 = tpu.memref_squeeze %dma_start3A_966 : memref<1x64x256xbf16, #tpu.memory_space<vmem>> -> memref<64x256xbf16, #tpu.memory_space<vmem>>
        %dma_start3A_968 = tpu.memref_slice %arg7[%mul3A_961] : memref<4096xi32, #tpu.memory_space<vmem>> -> memref<64xi32, #tpu.memory_space<vmem>>
        %dma_start3A_969 = arith.constant 0 : i32
        %dma_start3A_970 = arith.constant 0 : i32
        %dma_start3A_971 = tpu.memref_slice %arg2[%dma_start3A_969, %dma_start3A_970] : memref<16384x256xbf16, #tpu.memory_space<hbm>> -> memref<16384x256xbf16, #tpu.memory_space<hbm>>
        %dma_start3A_972 = tpu.memref_slice %arg15[%dma_start3A_963] : memref<2x!tpu.dma_semaphore, #tpu.memory_space<semaphore_mem>> -> memref<1x!tpu.dma_semaphore, #tpu.memory_space<semaphore_mem>>
        %dma_start3A_973 = tpu.memref_squeeze %dma_start3A_972 : memref<1x!tpu.dma_semaphore, #tpu.memory_space<semaphore_mem>> -> memref<!tpu.dma_semaphore, #tpu.memory_space<semaphore_mem>>
        tpu.enqueue_indirect_dma source(%dma_start3A_971 : memref<16384x256xbf16, #tpu.memory_space<hbm>>) target(%dma_start3A_967 : memref<64x256xbf16, #tpu.memory_space<vmem>>) offsets(%dma_start3A_968 : memref<64xi32, #tpu.memory_space<vmem>>) semaphore(%dma_start3A_973 : memref<!tpu.dma_semaphore, #tpu.memory_space<semaphore_mem>>)
        %mul3A_974 = arith.constant 64 : i32
        %mul3A_975 = arith.muli %add3A_959, %mul3A_974 : i32
        %dma_start3A_976 = arith.constant 1 : i32
        %dma_start3A_977 = arith.constant 1 : i32
        %dma_start3A_978 = arith.constant 0 : i32
        %dma_start3A_979 = arith.constant 0 : i32
        %dma_start3A_980 = tpu.memref_slice %arg12[%dma_start3A_976, %dma_start3A_978, %dma_start3A_979] : memref<2x64x256xbf16, #tpu.memory_space<vmem>> -> memref<1x64x256xbf16, #tpu.memory_space<vmem>>
        %dma_start3A_981 = tpu.memref_squeeze %dma_start3A_980 : memref<1x64x256xbf16, #tpu.memory_space<vmem>> -> memref<64x256xbf16, #tpu.memory_space<vmem>>
        %dma_start3A_982 = tpu.memref_slice %arg8[%mul3A_975] : memref<4096xi32, #tpu.memory_space<vmem>> -> memref<64xi32, #tpu.memory_space<vmem>>
        %dma_start3A_983 = arith.constant 0 : i32
        %dma_start3A_984 = arith.constant 0 : i32
        %dma_start3A_985 = tpu.memref_slice %arg3[%dma_start3A_983, %dma_start3A_984] : memref<16384x256xbf16, #tpu.memory_space<hbm>> -> memref<16384x256xbf16, #tpu.memory_space<hbm>>
        %dma_start3A_986 = tpu.memref_slice %arg16[%dma_start3A_977] : memref<2x!tpu.dma_semaphore, #tpu.memory_space<semaphore_mem>> -> memref<1x!tpu.dma_semaphore, #tpu.memory_space<semaphore_mem>>
        %dma_start3A_987 = tpu.memref_squeeze %dma_start3A_986 : memref<1x!tpu.dma_semaphore, #tpu.memory_space<semaphore_mem>> -> memref<!tpu.dma_semaphore, #tpu.memory_space<semaphore_mem>>
        tpu.enqueue_indirect_dma source(%dma_start3A_985 : memref<16384x256xbf16, #tpu.memory_space<hbm>>) target(%dma_start3A_981 : memref<64x256xbf16, #tpu.memory_space<vmem>>) offsets(%dma_start3A_982 : memref<64xi32, #tpu.memory_space<vmem>>) semaphore(%dma_start3A_987 : memref<!tpu.dma_semaphore, #tpu.memory_space<semaphore_mem>>)
      } else {
      }
      %dma_wait3A = arith.constant 0 : i32
      %dma_wait3A_56 = arith.constant 0 : i32
      %dma_wait3A_57 = arith.constant 0 : i32
      %dma_wait3A_58 = arith.constant 0 : i32
      %dma_wait3A_59 = tpu.memref_slice %arg11[%dma_wait3A, %dma_wait3A_57, %dma_wait3A_58] : memref<2x64x256xbf16, #tpu.memory_space<vmem>> -> memref<1x64x256xbf16, #tpu.memory_space<vmem>>
      %dma_wait3A_60 = tpu.memref_squeeze %dma_wait3A_59 : memref<1x64x256xbf16, #tpu.memory_space<vmem>> -> memref<64x256xbf16, #tpu.memory_space<vmem>>
      %dma_wait3A_61 = arith.constant 0 : i32
      %dma_wait3A_62 = arith.constant 0 : i32
      %dma_wait3A_63 = tpu.memref_slice %arg2[%dma_wait3A_61, %dma_wait3A_62] : memref<16384x256xbf16, #tpu.memory_space<hbm>> -> memref<64x256xbf16, #tpu.memory_space<hbm>>
      %dma_wait3A_64 = tpu.memref_slice %arg15[%dma_wait3A_56] : memref<2x!tpu.dma_semaphore, #tpu.memory_space<semaphore_mem>> -> memref<1x!tpu.dma_semaphore, #tpu.memory_space<semaphore_mem>>
      %dma_wait3A_65 = tpu.memref_squeeze %dma_wait3A_64 : memref<1x!tpu.dma_semaphore, #tpu.memory_space<semaphore_mem>> -> memref<!tpu.dma_semaphore, #tpu.memory_space<semaphore_mem>>
      %dma_wait3A_66 = arith.constant 0 : i32
      %dma_wait3A_67 = arith.constant 0 : i32
      %dma_wait3A_68 = tpu.memref_slice %arg11[%dma_wait3A, %dma_wait3A_66, %dma_wait3A_67] : memref<2x64x256xbf16, #tpu.memory_space<vmem>> -> memref<1x64x256xbf16, #tpu.memory_space<vmem>>
      %dma_wait3A_69 = tpu.memref_squeeze %dma_wait3A_68 : memref<1x64x256xbf16, #tpu.memory_space<vmem>> -> memref<64x256xbf16, #tpu.memory_space<vmem>>
      %dma_wait3A_70 = arith.constant 0 : i32
      %dma_wait3A_71 = arith.constant 0 : i32
      %dma_wait3A_72 = tpu.memref_slice %arg2[%dma_wait3A_70, %dma_wait3A_71] : memref<16384x256xbf16, #tpu.memory_space<hbm>> -> memref<64x256xbf16, #tpu.memory_space<hbm>>
      tpu.wait_dma2 semaphore(%dma_wait3A_65 : memref<!tpu.dma_semaphore, #tpu.memory_space<semaphore_mem>>) src(%dma_wait3A_72 : memref<64x256xbf16, #tpu.memory_space<hbm>>) dst(%dma_wait3A_69 : memref<64x256xbf16, #tpu.memory_space<vmem>>)
      %dma_wait3A_73 = arith.constant 0 : i32
      %dma_wait3A_74 = arith.constant 0 : i32
      %dma_wait3A_75 = arith.constant 0 : i32
      %dma_wait3A_76 = arith.constant 0 : i32
      %dma_wait3A_77 = tpu.memref_slice %arg12[%dma_wait3A_73, %dma_wait3A_75, %dma_wait3A_76] : memref<2x64x256xbf16, #tpu.memory_space<vmem>> -> memref<1x64x256xbf16, #tpu.memory_space<vmem>>
      %dma_wait3A_78 = tpu.memref_squeeze %dma_wait3A_77 : memref<1x64x256xbf16, #tpu.memory_space<vmem>> -> memref<64x256xbf16, #tpu.memory_space<vmem>>
      %dma_wait3A_79 = arith.constant 0 : i32
      %dma_wait3A_80 = arith.constant 0 : i32
      %dma_wait3A_81 = tpu.memref_slice %arg3[%dma_wait3A_79, %dma_wait3A_80] : memref<16384x256xbf16, #tpu.memory_space<hbm>> -> memref<64x256xbf16, #tpu.memory_space<hbm>>
      %dma_wait3A_82 = tpu.memref_slice %arg16[%dma_wait3A_74] : memref<2x!tpu.dma_semaphore, #tpu.memory_space<semaphore_mem>> -> memref<1x!tpu.dma_semaphore, #tpu.memory_space<semaphore_mem>>
      %dma_wait3A_83 = tpu.memref_squeeze %dma_wait3A_82 : memref<1x!tpu.dma_semaphore, #tpu.memory_space<semaphore_mem>> -> memref<!tpu.dma_semaphore, #tpu.memory_space<semaphore_mem>>
      %dma_wait3A_84 = arith.constant 0 : i32
      %dma_wait3A_85 = arith.constant 0 : i32
      %dma_wait3A_86 = tpu.memref_slice %arg12[%dma_wait3A_73, %dma_wait3A_84, %dma_wait3A_85] : memref<2x64x256xbf16, #tpu.memory_space<vmem>> -> memref<1x64x256xbf16, #tpu.memory_space<vmem>>
      %dma_wait3A_87 = tpu.memref_squeeze %dma_wait3A_86 : memref<1x64x256xbf16, #tpu.memory_space<vmem>> -> memref<64x256xbf16, #tpu.memory_space<vmem>>
      %dma_wait3A_88 = arith.constant 0 : i32
      %dma_wait3A_89 = arith.constant 0 : i32
      %dma_wait3A_90 = tpu.memref_slice %arg3[%dma_wait3A_88, %dma_wait3A_89] : memref<16384x256xbf16, #tpu.memory_space<hbm>> -> memref<64x256xbf16, #tpu.memory_space<hbm>>
      tpu.wait_dma2 semaphore(%dma_wait3A_83 : memref<!tpu.dma_semaphore, #tpu.memory_space<semaphore_mem>>) src(%dma_wait3A_90 : memref<64x256xbf16, #tpu.memory_space<hbm>>) dst(%dma_wait3A_87 : memref<64x256xbf16, #tpu.memory_space<vmem>>)
      %scan3A_91 = arith.constant 0 : i32
      %scan3A_92 = arith.constant 16 : i32
      %scan3A_93 = arith.addi %scan3A_91, %scan3A_92 : i32
      %scan3A_94 = arith.constant 1 : i32
      scf.for %scan3A_958 = %scan3A_91 to %scan3A_93 step %scan3A_94  : i32 {
        %mul3A_959 = arith.constant 1 : i32
        %mul3A_960 = arith.muli %scan3A_958, %mul3A_959 : i32
        %add3A_961 = arith.constant 0 : i32
        %add3A_962 = arith.addi %add3A_961, %mul3A_960 : i32
        %add3A_963 = arith.constant 0 : i32
        %add3A_964 = arith.addi %add3A_963, %add3A_962 : i32
        %get3A_965 = arith.constant 0 : i32
        %get3A_966 = arith.index_cast %get3A_965 : i32 to index
        %get3A_967 = arith.index_cast %add3A_964 : i32 to index
        %get3A_968 = arith.constant 0 : index
        %get3A_969 = tpu.vector_load %arg11[%get3A_966, %get3A_967, %get3A_968] {strides = array<i32>} : memref<2x64x256xbf16, #tpu.memory_space<vmem>>, vector<32xbf16>,
        %get3A_970 = arith.constant 0 : i32
        %get3A_971 = arith.index_cast %get3A_970 : i32 to index
        %get3A_972 = arith.index_cast %add3A_964 : i32 to index
        %get3A_973 = arith.constant 0 : index
        %get3A_974 = tpu.vector_load %arg12[%get3A_971, %get3A_972, %get3A_973] {strides = array<i32>} : memref<2x64x256xbf16, #tpu.memory_space<vmem>>, vector<32xbf16>,
        %sub3A_975 = arith.subf %get3A_969, %get3A_974 : vector<32xbf16>
        %unpack3A = tpu.unpack_subelements %sub3A_975, 0 {pack_format = #tpu.pack_format<interleaved>} : vector<32xbf16> -> vector<16xf32>
        %unpack3A_976 = tpu.unpack_subelements %sub3A_975, 1 {pack_format = #tpu.pack_format<interleaved>} : vector<32xbf16> -> vector<16xf32>
        %mul3A_977 = arith.mulf %unpack3A, %unpack3A : vector<16xf32>
        %add3A_978 = arith.addf %broadcast_in_dim3A_3, %mul3A_977 : vector<16xf32>
        %mul3A_979 = arith.mulf %unpack3A_976, %unpack3A_976 : vector<16xf32>
        %add3A_980 = arith.addf %add3A_978, %mul3A_979 : vector<16xf32>
        %get3A_981 = arith.constant 0 : i32
        %get3A_982 = arith.index_cast %get3A_981 : i32 to index
        %get3A_983 = arith.index_cast %add3A_964 : i32 to index
        %get3A_984 = arith.constant 32 : index
        %get3A_985 = tpu.vector_load %arg11[%get3A_982, %get3A_983, %get3A_984] {strides = array<i32>} : memref<2x64x256xbf16, #tpu.memory_space<vmem>>, vector<32xbf16>,
        %get3A_986 = arith.constant 0 : i32
        %get3A_987 = arith.index_cast %get3A_986 : i32 to index
        %get3A_988 = arith.index_cast %add3A_964 : i32 to index
        %get3A_989 = arith.constant 32 : index
        %get3A_990 = tpu.vector_load %arg12[%get3A_987, %get3A_988, %get3A_989] {strides = array<i32>} : memref<2x64x256xbf16, #tpu.memory_space<vmem>>, vector<32xbf16>,
        %sub3A_991 = arith.subf %get3A_985, %get3A_990 : vector<32xbf16>
        %unpack3A_992 = tpu.unpack_subelements %sub3A_991, 0 {pack_format = #tpu.pack_format<interleaved>} : vector<32xbf16> -> vector<16xf32>
        %unpack3A_993 = tpu.unpack_subelements %sub3A_991, 1 {pack_format = #tpu.pack_format<interleaved>} : vector<32xbf16> -> vector<16xf32>
        %mul3A_994 = arith.mulf %unpack3A_992, %unpack3A_992 : vector<16xf32>
        %add3A_995 = arith.addf %add3A_980, %mul3A_994 : vector<16xf32>
        %mul3A_996 = arith.mulf %unpack3A_993, %unpack3A_993 : vector<16xf32>
        %add3A_997 = arith.addf %add3A_995, %mul3A_996 : vector<16xf32>
        %get3A_998 = arith.constant 0 : i32
        %get3A_999 = arith.index_cast %get3A_998 : i32 to index
        %get3A_1000 = arith.index_cast %add3A_964 : i32 to index
        %get3A_1001 = arith.constant 64 : index
        %get3A_1002 = tpu.vector_load %arg11[%get3A_999, %get3A_1000, %get3A_1001] {strides = array<i32>} : memref<2x64x256xbf16, #tpu.memory_space<vmem>>, vector<32xbf16>,
        %get3A_1003 = arith.constant 0 : i32
        %get3A_1004 = arith.index_cast %get3A_1003 : i32 to index
        %get3A_1005 = arith.index_cast %add3A_964 : i32 to index
        %get3A_1006 = arith.constant 64 : index
        %get3A_1007 = tpu.vector_load %arg12[%get3A_1004, %get3A_1005, %get3A_1006] {strides = array<i32>} : memref<2x64x256xbf16, #tpu.memory_space<vmem>>, vector<32xbf16>,
        %sub3A_1008 = arith.subf %get3A_1002, %get3A_1007 : vector<32xbf16>
        %unpack3A_1009 = tpu.unpack_subelements %sub3A_1008, 0 {pack_format = #tpu.pack_format<interleaved>} : vector<32xbf16> -> vector<16xf32>
        %unpack3A_1010 = tpu.unpack_subelements %sub3A_1008, 1 {pack_format = #tpu.pack_format<interleaved>} : vector<32xbf16> -> vector<16xf32>
        %mul3A_1011 = arith.mulf %unpack3A_1009, %unpack3A_1009 : vector<16xf32>
        %add3A_1012 = arith.addf %add3A_997, %mul3A_1011 : vector<16xf32>
        %mul3A_1013 = arith.mulf %unpack3A_1010, %unpack3A_1010 : vector<16xf32>
        %add3A_1014 = arith.addf %add3A_1012, %mul3A_1013 : vector<16xf32>
        %get3A_1015 = arith.constant 0 : i32
        %get3A_1016 = arith.index_cast %get3A_1015 : i32 to index
        %get3A_1017 = arith.index_cast %add3A_964 : i32 to index
        %get3A_1018 = arith.constant 96 : index
        %get3A_1019 = tpu.vector_load %arg11[%get3A_1016, %get3A_1017, %get3A_1018] {strides = array<i32>} : memref<2x64x256xbf16, #tpu.memory_space<vmem>>, vector<32xbf16>,
        %get3A_1020 = arith.constant 0 : i32
        %get3A_1021 = arith.index_cast %get3A_1020 : i32 to index
        %get3A_1022 = arith.index_cast %add3A_964 : i32 to index
        %get3A_1023 = arith.constant 96 : index
        %get3A_1024 = tpu.vector_load %arg12[%get3A_1021, %get3A_1022, %get3A_1023] {strides = array<i32>} : memref<2x64x256xbf16, #tpu.memory_space<vmem>>, vector<32xbf16>,
        %sub3A_1025 = arith.subf %get3A_1019, %get3A_1024 : vector<32xbf16>
        %unpack3A_1026 = tpu.unpack_subelements %sub3A_1025, 0 {pack_format = #tpu.pack_format<interleaved>} : vector<32xbf16> -> vector<16xf32>
        %unpack3A_1027 = tpu.unpack_subelements %sub3A_1025, 1 {pack_format = #tpu.pack_format<interleaved>} : vector<32xbf16> -> vector<16xf32>
        %mul3A_1028 = arith.mulf %unpack3A_1026, %unpack3A_1026 : vector<16xf32>
        %add3A_1029 = arith.addf %add3A_1014, %mul3A_1028 : vector<16xf32>
        %mul3A_1030 = arith.mulf %unpack3A_1027, %unpack3A_1027 : vector<16xf32>
        %add3A_1031 = arith.addf %add3A_1029, %mul3A_1030 : vector<16xf32>
        %get3A_1032 = arith.constant 0 : i32
        %get3A_1033 = arith.index_cast %get3A_1032 : i32 to index
        %get3A_1034 = arith.index_cast %add3A_964 : i32 to index
        %get3A_1035 = arith.constant 128 : index
        %get3A_1036 = tpu.vector_load %arg11[%get3A_1033, %get3A_1034, %get3A_1035] {strides = array<i32>} : memref<2x64x256xbf16, #tpu.memory_space<vmem>>, vector<32xbf16>,
        %get3A_1037 = arith.constant 0 : i32
        %get3A_1038 = arith.index_cast %get3A_1037 : i32 to index
        %get3A_1039 = arith.index_cast %add3A_964 : i32 to index
        %get3A_1040 = arith.constant 128 : index
        %get3A_1041 = tpu.vector_load %arg12[%get3A_1038, %get3A_1039, %get3A_1040] {strides = array<i32>} : memref<2x64x256xbf16, #tpu.memory_space<vmem>>, vector<32xbf16>,
        %sub3A_1042 = arith.subf %get3A_1036, %get3A_1041 : vector<32xbf16>
        %unpack3A_1043 = tpu.unpack_subelements %sub3A_1042, 0 {pack_format = #tpu.pack_format<interleaved>} : vector<32xbf16> -> vector<16xf32>
        %unpack3A_1044 = tpu.unpack_subelements %sub3A_1042, 1 {pack_format = #tpu.pack_format<interleaved>} : vector<32xbf16> -> vector<16xf32>
        %mul3A_1045 = arith.mulf %unpack3A_1043, %unpack3A_1043 : vector<16xf32>
        %add3A_1046 = arith.addf %add3A_1031, %mul3A_1045 : vector<16xf32>
        %mul3A_1047 = arith.mulf %unpack3A_1044, %unpack3A_1044 : vector<16xf32>
        %add3A_1048 = arith.addf %add3A_1046, %mul3A_1047 : vector<16xf32>
        %get3A_1049 = arith.constant 0 : i32
        %get3A_1050 = arith.index_cast %get3A_1049 : i32 to index
        %get3A_1051 = arith.index_cast %add3A_964 : i32 to index
        %get3A_1052 = arith.constant 160 : index
        %get3A_1053 = tpu.vector_load %arg11[%get3A_1050, %get3A_1051, %get3A_1052] {strides = array<i32>} : memref<2x64x256xbf16, #tpu.memory_space<vmem>>, vector<32xbf16>,
        %get3A_1054 = arith.constant 0 : i32
        %get3A_1055 = arith.index_cast %get3A_1054 : i32 to index
        %get3A_1056 = arith.index_cast %add3A_964 : i32 to index
        %get3A_1057 = arith.constant 160 : index
        %get3A_1058 = tpu.vector_load %arg12[%get3A_1055, %get3A_1056, %get3A_1057] {strides = array<i32>} : memref<2x64x256xbf16, #tpu.memory_space<vmem>>, vector<32xbf16>,
        %sub3A_1059 = arith.subf %get3A_1053, %get3A_1058 : vector<32xbf16>
        %unpack3A_1060 = tpu.unpack_subelements %sub3A_1059, 0 {pack_format = #tpu.pack_format<interleaved>} : vector<32xbf16> -> vector<16xf32>
        %unpack3A_1061 = tpu.unpack_subelements %sub3A_1059, 1 {pack_format = #tpu.pack_format<interleaved>} : vector<32xbf16> -> vector<16xf32>
        %mul3A_1062 = arith.mulf %unpack3A_1060, %unpack3A_1060 : vector<16xf32>
        %add3A_1063 = arith.addf %add3A_1048, %mul3A_1062 : vector<16xf32>
        %mul3A_1064 = arith.mulf %unpack3A_1061, %unpack3A_1061 : vector<16xf32>
        %add3A_1065 = arith.addf %add3A_1063, %mul3A_1064 : vector<16xf32>
        %get3A_1066 = arith.constant 0 : i32
        %get3A_1067 = arith.index_cast %get3A_1066 : i32 to index
        %get3A_1068 = arith.index_cast %add3A_964 : i32 to index
        %get3A_1069 = arith.constant 192 : index
        %get3A_1070 = tpu.vector_load %arg11[%get3A_1067, %get3A_1068, %get3A_1069] {strides = array<i32>} : memref<2x64x256xbf16, #tpu.memory_space<vmem>>, vector<32xbf16>,
        %get3A_1071 = arith.constant 0 : i32
        %get3A_1072 = arith.index_cast %get3A_1071 : i32 to index
        %get3A_1073 = arith.index_cast %add3A_964 : i32 to index
        %get3A_1074 = arith.constant 192 : index
        %get3A_1075 = tpu.vector_load %arg12[%get3A_1072, %get3A_1073, %get3A_1074] {strides = array<i32>} : memref<2x64x256xbf16, #tpu.memory_space<vmem>>, vector<32xbf16>,
        %sub3A_1076 = arith.subf %get3A_1070, %get3A_1075 : vector<32xbf16>
        %unpack3A_1077 = tpu.unpack_subelements %sub3A_1076, 0 {pack_format = #tpu.pack_format<interleaved>} : vector<32xbf16> -> vector<16xf32>
        %unpack3A_1078 = tpu.unpack_subelements %sub3A_1076, 1 {pack_format = #tpu.pack_format<interleaved>} : vector<32xbf16> -> vector<16xf32>
        %mul3A_1079 = arith.mulf %unpack3A_1077, %unpack3A_1077 : vector<16xf32>
        %add3A_1080 = arith.addf %add3A_1065, %mul3A_1079 : vector<16xf32>
        %mul3A_1081 = arith.mulf %unpack3A_1078, %unpack3A_1078 : vector<16xf32>
        %add3A_1082 = arith.addf %add3A_1080, %mul3A_1081 : vector<16xf32>
        %get3A_1083 = arith.constant 0 : i32
        %get3A_1084 = arith.index_cast %get3A_1083 : i32 to index
        %get3A_1085 = arith.index_cast %add3A_964 : i32 to index
        %get3A_1086 = arith.constant 224 : index
        %get3A_1087 = tpu.vector_load %arg11[%get3A_1084, %get3A_1085, %get3A_1086] {strides = array<i32>} : memref<2x64x256xbf16, #tpu.memory_space<vmem>>, vector<32xbf16>,
        %get3A_1088 = arith.constant 0 : i32
        %get3A_1089 = arith.index_cast %get3A_1088 : i32 to index
        %get3A_1090 = arith.index_cast %add3A_964 : i32 to index
        %get3A_1091 = arith.constant 224 : index
        %get3A_1092 = tpu.vector_load %arg12[%get3A_1089, %get3A_1090, %get3A_1091] {strides = array<i32>} : memref<2x64x256xbf16, #tpu.memory_space<vmem>>, vector<32xbf16>,
        %sub3A_1093 = arith.subf %get3A_1087, %get3A_1092 : vector<32xbf16>
        %unpack3A_1094 = tpu.unpack_subelements %sub3A_1093, 0 {pack_format = #tpu.pack_format<interleaved>} : vector<32xbf16> -> vector<16xf32>
        %unpack3A_1095 = tpu.unpack_subelements %sub3A_1093, 1 {pack_format = #tpu.pack_format<interleaved>} : vector<32xbf16> -> vector<16xf32>
        %mul3A_1096 = arith.mulf %unpack3A_1094, %unpack3A_1094 : vector<16xf32>
        %add3A_1097 = arith.addf %add3A_1082, %mul3A_1096 : vector<16xf32>
        %mul3A_1098 = arith.mulf %unpack3A_1095, %unpack3A_1095 : vector<16xf32>
        %add3A_1099 = arith.addf %add3A_1097, %mul3A_1098 : vector<16xf32>
        %mul3A_1100 = arith.constant 17 : i32
        %mul3A_1101 = arith.muli %add3A_962, %mul3A_1100 : i32
        %swap3A_1102 = arith.index_cast %mul3A_1101 : i32 to index
        %swap3A_1103 = tpu.vector_load %arg13[%swap3A_1102] {strides = array<i32>} : memref<272xf32, #tpu.memory_space<vmem>>, vector<16xf32>,
        tpu.vector_store %arg13[%swap3A_1102], %add3A_1099 {strides = array<i32>} : memref<272xf32, #tpu.memory_space<vmem>>, vector<16xf32>,
      }
      %scan3A_95 = arith.constant 16 : i32
      %gather3A = tpu.vector_load_idx %arg13[%mul3A_10] : memref<272xf32, #tpu.memory_space<vmem>>[vector<16xi32>], vector<16xf32>,
      %add3A_96 = arith.constant 1 : i32
      %add3A_97 = vector.broadcast %add3A_96 : i32 to vector<16xi32>
      %add3A_98 = arith.addi %mul3A_10, %add3A_97 : vector<16xi32>
      %gather3A_99 = tpu.vector_load_idx %arg13[%add3A_98] : memref<272xf32, #tpu.memory_space<vmem>>[vector<16xi32>], vector<16xf32>,
      %add3A_100 = arith.addf %gather3A, %gather3A_99 : vector<16xf32>
      %add3A_101 = arith.constant 2 : i32
      %add3A_102 = vector.broadcast %add3A_101 : i32 to vector<16xi32>
      %add3A_103 = arith.addi %mul3A_10, %add3A_102 : vector<16xi32>
      %gather3A_104 = tpu.vector_load_idx %arg13[%add3A_103] : memref<272xf32, #tpu.memory_space<vmem>>[vector<16xi32>], vector<16xf32>,
      %add3A_105 = arith.addf %add3A_100, %gather3A_104 : vector<16xf32>
      %add3A_106 = arith.constant 3 : i32
      %add3A_107 = vector.broadcast %add3A_106 : i32 to vector<16xi32>
      %add3A_108 = arith.addi %mul3A_10, %add3A_107 : vector<16xi32>
      %gather3A_109 = tpu.vector_load_idx %arg13[%add3A_108] : memref<272xf32, #tpu.memory_space<vmem>>[vector<16xi32>], vector<16xf32>,
      %add3A_110 = arith.addf %add3A_105, %gather3A_109 : vector<16xf32>
      %add3A_111 = arith.constant 4 : i32
      %add3A_112 = vector.broadcast %add3A_111 : i32 to vector<16xi32>
      %add3A_113 = arith.addi %mul3A_10, %add3A_112 : vector<16xi32>
      %gather3A_114 = tpu.vector_load_idx %arg13[%add3A_113] : memref<272xf32, #tpu.memory_space<vmem>>[vector<16xi32>], vector<16xf32>,
      %add3A_115 = arith.addf %add3A_110, %gather3A_114 : vector<16xf32>
      %add3A_116 = arith.constant 5 : i32
      %add3A_117 = vector.broadcast %add3A_116 : i32 to vector<16xi32>
      %add3A_118 = arith.addi %mul3A_10, %add3A_117 : vector<16xi32>
      %gather3A_119 = tpu.vector_load_idx %arg13[%add3A_118] : memref<272xf32, #tpu.memory_space<vmem>>[vector<16xi32>], vector<16xf32>,
      %add3A_120 = arith.addf %add3A_115, %gather3A_119 : vector<16xf32>
      %add3A_121 = arith.constant 6 : i32
      %add3A_122 = vector.broadcast %add3A_121 : i32 to vector<16xi32>
      %add3A_123 = arith.addi %mul3A_10, %add3A_122 : vector<16xi32>
      %gather3A_124 = tpu.vector_load_idx %arg13[%add3A_123] : memref<272xf32, #tpu.memory_space<vmem>>[vector<16xi32>], vector<16xf32>,
      %add3A_125 = arith.addf %add3A_120, %gather3A_124 : vector<16xf32>
      %add3A_126 = arith.constant 7 : i32
      %add3A_127 = vector.broadcast %add3A_126 : i32 to vector<16xi32>
      %add3A_128 = arith.addi %mul3A_10, %add3A_127 : vector<16xi32>
      %gather3A_129 = tpu.vector_load_idx %arg13[%add3A_128] : memref<272xf32, #tpu.memory_space<vmem>>[vector<16xi32>], vector<16xf32>,
      %add3A_130 = arith.addf %add3A_125, %gather3A_129 : vector<16xf32>
      %add3A_131 = arith.constant 8 : i32
      %add3A_132 = vector.broadcast %add3A_131 : i32 to vector<16xi32>
      %add3A_133 = arith.addi %mul3A_10, %add3A_132 : vector<16xi32>
      %gather3A_134 = tpu.vector_load_idx %arg13[%add3A_133] : memref<272xf32, #tpu.memory_space<vmem>>[vector<16xi32>], vector<16xf32>,
      %add3A_135 = arith.addf %add3A_130, %gather3A_134 : vector<16xf32>
      %add3A_136 = arith.constant 9 : i32
      %add3A_137 = vector.broadcast %add3A_136 : i32 to vector<16xi32>
      %add3A_138 = arith.addi %mul3A_10, %add3A_137 : vector<16xi32>
      %gather3A_139 = tpu.vector_load_idx %arg13[%add3A_138] : memref<272xf32, #tpu.memory_space<vmem>>[vector<16xi32>], vector<16xf32>,
      %add3A_140 = arith.addf %add3A_135, %gather3A_139 : vector<16xf32>
      %add3A_141 = arith.constant 10 : i32
      %add3A_142 = vector.broadcast %add3A_141 : i32 to vector<16xi32>
      %add3A_143 = arith.addi %mul3A_10, %add3A_142 : vector<16xi32>
      %gather3A_144 = tpu.vector_load_idx %arg13[%add3A_143] : memref<272xf32, #tpu.memory_space<vmem>>[vector<16xi32>], vector<16xf32>,
      %add3A_145 = arith.addf %add3A_140, %gather3A_144 : vector<16xf32>
      %add3A_146 = arith.constant 11 : i32
      %add3A_147 = vector.broadcast %add3A_146 : i32 to vector<16xi32>
      %add3A_148 = arith.addi %mul3A_10, %add3A_147 : vector<16xi32>
      %gather3A_149 = tpu.vector_load_idx %arg13[%add3A_148] : memref<272xf32, #tpu.memory_space<vmem>>[vector<16xi32>], vector<16xf32>,
      %add3A_150 = arith.addf %add3A_145, %gather3A_149 : vector<16xf32>
      %add3A_151 = arith.constant 12 : i32
      %add3A_152 = vector.broadcast %add3A_151 : i32 to vector<16xi32>
      %add3A_153 = arith.addi %mul3A_10, %add3A_152 : vector<16xi32>
      %gather3A_154 = tpu.vector_load_idx %arg13[%add3A_153] : memref<272xf32, #tpu.memory_space<vmem>>[vector<16xi32>], vector<16xf32>,
      %add3A_155 = arith.addf %add3A_150, %gather3A_154 : vector<16xf32>
      %add3A_156 = arith.constant 13 : i32
      %add3A_157 = vector.broadcast %add3A_156 : i32 to vector<16xi32>
      %add3A_158 = arith.addi %mul3A_10, %add3A_157 : vector<16xi32>
      %gather3A_159 = tpu.vector_load_idx %arg13[%add3A_158] : memref<272xf32, #tpu.memory_space<vmem>>[vector<16xi32>], vector<16xf32>,
      %add3A_160 = arith.addf %add3A_155, %gather3A_159 : vector<16xf32>
      %add3A_161 = arith.constant 14 : i32
      %add3A_162 = vector.broadcast %add3A_161 : i32 to vector<16xi32>
      %add3A_163 = arith.addi %mul3A_10, %add3A_162 : vector<16xi32>
      %gather3A_164 = tpu.vector_load_idx %arg13[%add3A_163] : memref<272xf32, #tpu.memory_space<vmem>>[vector<16xi32>], vector<16xf32>,
      %add3A_165 = arith.addf %add3A_160, %gather3A_164 : vector<16xf32>
      %add3A_166 = arith.constant 15 : i32
      %add3A_167 = vector.broadcast %add3A_166 : i32 to vector<16xi32>
      %add3A_168 = arith.addi %mul3A_10, %add3A_167 : vector<16xi32>
      %gather3A_169 = tpu.vector_load_idx %arg13[%add3A_168] : memref<272xf32, #tpu.memory_space<vmem>>[vector<16xi32>], vector<16xf32>,
      %add3A_170 = arith.addf %add3A_165, %gather3A_169 : vector<16xf32>
      %mul3A_171 = arith.constant 64 : i32
      %mul3A_172 = arith.muli %add3A_51, %mul3A_171 : i32
      %add3A_173 = arith.constant 0 : i32
      %add3A_174 = arith.addi %mul3A_172, %add3A_173 : i32
      %get3A = arith.index_cast %add3A_174 : i32 to index
      %get3A_175 = tpu.vector_load %arg9[%get3A] {strides = array<i32>} : memref<4096xf32, #tpu.memory_space<vmem>>, vector<16xf32>,
      %mul3A_176 = arith.constant 64 : i32
      %mul3A_177 = arith.muli %add3A_51, %mul3A_176 : i32
      %add3A_178 = arith.constant 0 : i32
      %add3A_179 = arith.addi %mul3A_177, %add3A_178 : i32
      %get3A_180 = arith.index_cast %add3A_179 : i32 to index
      %get3A_181 = tpu.vector_load %arg10[%get3A_180] {strides = array<i32>} : memref<4096xf32, #tpu.memory_space<vmem>>, vector<16xf32>,
      %mul3A_182 = arith.mulf %get3A_175, %add3A_170 : vector<16xf32>
      %add3A_183 = arith.addf %scan3A_43, %mul3A_182 : vector<16xf32>
      %sub3A = arith.constant 5.000000e+00 : f32
      %sub3A_184 = vector.broadcast %sub3A : f32 to vector<16xf32>
      %sub3A_185 = arith.subf %sub3A_184, %add3A_170 : vector<16xf32>
      %max3A = arith.constant 0.000000e+00 : f32
      %max3A_186 = vector.broadcast %max3A : f32 to vector<16xf32>
      %max3A_187 = arith.maximumf %sub3A_185, %max3A_186 : vector<16xf32>
      %mul3A_188 = arith.mulf %get3A_181, %max3A_187 : vector<16xf32>
      %add3A_189 = arith.addf %add3A_183, %mul3A_188 : vector<16xf32>
      %scan3A_190 = arith.constant 0 : i32
      %scan3A_191 = arith.constant 16 : i32
      %scan3A_192 = arith.addi %scan3A_190, %scan3A_191 : i32
      %scan3A_193 = arith.constant 1 : i32
      scf.for %scan3A_958 = %scan3A_190 to %scan3A_192 step %scan3A_193  : i32 {
        %mul3A_959 = arith.constant 1 : i32
        %mul3A_960 = arith.muli %scan3A_958, %mul3A_959 : i32
        %add3A_961 = arith.constant 0 : i32
        %add3A_962 = arith.addi %add3A_961, %mul3A_960 : i32
        %add3A_963 = arith.constant 16 : i32
        %add3A_964 = arith.addi %add3A_963, %add3A_962 : i32
        %get3A_965 = arith.constant 0 : i32
        %get3A_966 = arith.index_cast %get3A_965 : i32 to index
        %get3A_967 = arith.index_cast %add3A_964 : i32 to index
        %get3A_968 = arith.constant 0 : index
        %get3A_969 = tpu.vector_load %arg11[%get3A_966, %get3A_967, %get3A_968] {strides = array<i32>} : memref<2x64x256xbf16, #tpu.memory_space<vmem>>, vector<32xbf16>,
        %get3A_970 = arith.constant 0 : i32
        %get3A_971 = arith.index_cast %get3A_970 : i32 to index
        %get3A_972 = arith.index_cast %add3A_964 : i32 to index
        %get3A_973 = arith.constant 0 : index
        %get3A_974 = tpu.vector_load %arg12[%get3A_971, %get3A_972, %get3A_973] {strides = array<i32>} : memref<2x64x256xbf16, #tpu.memory_space<vmem>>, vector<32xbf16>,
        %sub3A_975 = arith.subf %get3A_969, %get3A_974 : vector<32xbf16>
        %unpack3A = tpu.unpack_subelements %sub3A_975, 0 {pack_format = #tpu.pack_format<interleaved>} : vector<32xbf16> -> vector<16xf32>
        %unpack3A_976 = tpu.unpack_subelements %sub3A_975, 1 {pack_format = #tpu.pack_format<interleaved>} : vector<32xbf16> -> vector<16xf32>
        %mul3A_977 = arith.mulf %unpack3A, %unpack3A : vector<16xf32>
        %add3A_978 = arith.addf %broadcast_in_dim3A_3, %mul3A_977 : vector<16xf32>
        %mul3A_979 = arith.mulf %unpack3A_976, %unpack3A_976 : vector<16xf32>
        %add3A_980 = arith.addf %add3A_978, %mul3A_979 : vector<16xf32>
        %get3A_981 = arith.constant 0 : i32
        %get3A_982 = arith.index_cast %get3A_981 : i32 to index
        %get3A_983 = arith.index_cast %add3A_964 : i32 to index
        %get3A_984 = arith.constant 32 : index
        %get3A_985 = tpu.vector_load %arg11[%get3A_982, %get3A_983, %get3A_984] {strides = array<i32>} : memref<2x64x256xbf16, #tpu.memory_space<vmem>>, vector<32xbf16>,
        %get3A_986 = arith.constant 0 : i32
        %get3A_987 = arith.index_cast %get3A_986 : i32 to index
        %get3A_988 = arith.index_cast %add3A_964 : i32 to index
        %get3A_989 = arith.constant 32 : index
        %get3A_990 = tpu.vector_load %arg12[%get3A_987, %get3A_988, %get3A_989] {strides = array<i32>} : memref<2x64x256xbf16, #tpu.memory_space<vmem>>, vector<32xbf16>,
        %sub3A_991 = arith.subf %get3A_985, %get3A_990 : vector<32xbf16>
        %unpack3A_992 = tpu.unpack_subelements %sub3A_991, 0 {pack_format = #tpu.pack_format<interleaved>} : vector<32xbf16> -> vector<16xf32>
        %unpack3A_993 = tpu.unpack_subelements %sub3A_991, 1 {pack_format = #tpu.pack_format<interleaved>} : vector<32xbf16> -> vector<16xf32>
        %mul3A_994 = arith.mulf %unpack3A_992, %unpack3A_992 : vector<16xf32>
        %add3A_995 = arith.addf %add3A_980, %mul3A_994 : vector<16xf32>
        %mul3A_996 = arith.mulf %unpack3A_993, %unpack3A_993 : vector<16xf32>
        %add3A_997 = arith.addf %add3A_995, %mul3A_996 : vector<16xf32>
        %get3A_998 = arith.constant 0 : i32
        %get3A_999 = arith.index_cast %get3A_998 : i32 to index
        %get3A_1000 = arith.index_cast %add3A_964 : i32 to index
        %get3A_1001 = arith.constant 64 : index
        %get3A_1002 = tpu.vector_load %arg11[%get3A_999, %get3A_1000, %get3A_1001] {strides = array<i32>} : memref<2x64x256xbf16, #tpu.memory_space<vmem>>, vector<32xbf16>,
        %get3A_1003 = arith.constant 0 : i32
        %get3A_1004 = arith.index_cast %get3A_1003 : i32 to index
        %get3A_1005 = arith.index_cast %add3A_964 : i32 to index
        %get3A_1006 = arith.constant 64 : index
        %get3A_1007 = tpu.vector_load %arg12[%get3A_1004, %get3A_1005, %get3A_1006] {strides = array<i32>} : memref<2x64x256xbf16, #tpu.memory_space<vmem>>, vector<32xbf16>,
        %sub3A_1008 = arith.subf %get3A_1002, %get3A_1007 : vector<32xbf16>
        %unpack3A_1009 = tpu.unpack_subelements %sub3A_1008, 0 {pack_format = #tpu.pack_format<interleaved>} : vector<32xbf16> -> vector<16xf32>
        %unpack3A_1010 = tpu.unpack_subelements %sub3A_1008, 1 {pack_format = #tpu.pack_format<interleaved>} : vector<32xbf16> -> vector<16xf32>
        %mul3A_1011 = arith.mulf %unpack3A_1009, %unpack3A_1009 : vector<16xf32>
        %add3A_1012 = arith.addf %add3A_997, %mul3A_1011 : vector<16xf32>
        %mul3A_1013 = arith.mulf %unpack3A_1010, %unpack3A_1010 : vector<16xf32>
        %add3A_1014 = arith.addf %add3A_1012, %mul3A_1013 : vector<16xf32>
        %get3A_1015 = arith.constant 0 : i32
        %get3A_1016 = arith.index_cast %get3A_1015 : i32 to index
        %get3A_1017 = arith.index_cast %add3A_964 : i32 to index
        %get3A_1018 = arith.constant 96 : index
        %get3A_1019 = tpu.vector_load %arg11[%get3A_1016, %get3A_1017, %get3A_1018] {strides = array<i32>} : memref<2x64x256xbf16, #tpu.memory_space<vmem>>, vector<32xbf16>,
        %get3A_1020 = arith.constant 0 : i32
        %get3A_1021 = arith.index_cast %get3A_1020 : i32 to index
        %get3A_1022 = arith.index_cast %add3A_964 : i32 to index
        %get3A_1023 = arith.constant 96 : index
        %get3A_1024 = tpu.vector_load %arg12[%get3A_1021, %get3A_1022, %get3A_1023] {strides = array<i32>} : memref<2x64x256xbf16, #tpu.memory_space<vmem>>, vector<32xbf16>,
        %sub3A_1025 = arith.subf %get3A_1019, %get3A_1024 : vector<32xbf16>
        %unpack3A_1026 = tpu.unpack_subelements %sub3A_1025, 0 {pack_format = #tpu.pack_format<interleaved>} : vector<32xbf16> -> vector<16xf32>
        %unpack3A_1027 = tpu.unpack_subelements %sub3A_1025, 1 {pack_format = #tpu.pack_format<interleaved>} : vector<32xbf16> -> vector<16xf32>
        %mul3A_1028 = arith.mulf %unpack3A_1026, %unpack3A_1026 : vector<16xf32>
        %add3A_1029 = arith.addf %add3A_1014, %mul3A_1028 : vector<16xf32>
        %mul3A_1030 = arith.mulf %unpack3A_1027, %unpack3A_1027 : vector<16xf32>
        %add3A_1031 = arith.addf %add3A_1029, %mul3A_1030 : vector<16xf32>
        %get3A_1032 = arith.constant 0 : i32
        %get3A_1033 = arith.index_cast %get3A_1032 : i32 to index
        %get3A_1034 = arith.index_cast %add3A_964 : i32 to index
        %get3A_1035 = arith.constant 128 : index
        %get3A_1036 = tpu.vector_load %arg11[%get3A_1033, %get3A_1034, %get3A_1035] {strides = array<i32>} : memref<2x64x256xbf16, #tpu.memory_space<vmem>>, vector<32xbf16>,
        %get3A_1037 = arith.constant 0 : i32
        %get3A_1038 = arith.index_cast %get3A_1037 : i32 to index
        %get3A_1039 = arith.index_cast %add3A_964 : i32 to index
        %get3A_1040 = arith.constant 128 : index
        %get3A_1041 = tpu.vector_load %arg12[%get3A_1038, %get3A_1039, %get3A_1040] {strides = array<i32>} : memref<2x64x256xbf16, #tpu.memory_space<vmem>>, vector<32xbf16>,
        %sub3A_1042 = arith.subf %get3A_1036, %get3A_1041 : vector<32xbf16>
        %unpack3A_1043 = tpu.unpack_subelements %sub3A_1042, 0 {pack_format = #tpu.pack_format<interleaved>} : vector<32xbf16> -> vector<16xf32>
        %unpack3A_1044 = tpu.unpack_subelements %sub3A_1042, 1 {pack_format = #tpu.pack_format<interleaved>} : vector<32xbf16> -> vector<16xf32>
        %mul3A_1045 = arith.mulf %unpack3A_1043, %unpack3A_1043 : vector<16xf32>
        %add3A_1046 = arith.addf %add3A_1031, %mul3A_1045 : vector<16xf32>
        %mul3A_1047 = arith.mulf %unpack3A_1044, %unpack3A_1044 : vector<16xf32>
        %add3A_1048 = arith.addf %add3A_1046, %mul3A_1047 : vector<16xf32>
        %get3A_1049 = arith.constant 0 : i32
        %get3A_1050 = arith.index_cast %get3A_1049 : i32 to index
        %get3A_1051 = arith.index_cast %add3A_964 : i32 to index
        %get3A_1052 = arith.constant 160 : index
        %get3A_1053 = tpu.vector_load %arg11[%get3A_1050, %get3A_1051, %get3A_1052] {strides = array<i32>} : memref<2x64x256xbf16, #tpu.memory_space<vmem>>, vector<32xbf16>,
        %get3A_1054 = arith.constant 0 : i32
        %get3A_1055 = arith.index_cast %get3A_1054 : i32 to index
        %get3A_1056 = arith.index_cast %add3A_964 : i32 to index
        %get3A_1057 = arith.constant 160 : index
        %get3A_1058 = tpu.vector_load %arg12[%get3A_1055, %get3A_1056, %get3A_1057] {strides = array<i32>} : memref<2x64x256xbf16, #tpu.memory_space<vmem>>, vector<32xbf16>,
        %sub3A_1059 = arith.subf %get3A_1053, %get3A_1058 : vector<32xbf16>
        %unpack3A_1060 = tpu.unpack_subelements %sub3A_1059, 0 {pack_format = #tpu.pack_format<interleaved>} : vector<32xbf16> -> vector<16xf32>
        %unpack3A_1061 = tpu.unpack_subelements %sub3A_1059, 1 {pack_format = #tpu.pack_format<interleaved>} : vector<32xbf16> -> vector<16xf32>
        %mul3A_1062 = arith.mulf %unpack3A_1060, %unpack3A_1060 : vector<16xf32>
        %add3A_1063 = arith.addf %add3A_1048, %mul3A_1062 : vector<16xf32>
        %mul3A_1064 = arith.mulf %unpack3A_1061, %unpack3A_1061 : vector<16xf32>
        %add3A_1065 = arith.addf %add3A_1063, %mul3A_1064 : vector<16xf32>
        %get3A_1066 = arith.constant 0 : i32
        %get3A_1067 = arith.index_cast %get3A_1066 : i32 to index
        %get3A_1068 = arith.index_cast %add3A_964 : i32 to index
        %get3A_1069 = arith.constant 192 : index
        %get3A_1070 = tpu.vector_load %arg11[%get3A_1067, %get3A_1068, %get3A_1069] {strides = array<i32>} : memref<2x64x256xbf16, #tpu.memory_space<vmem>>, vector<32xbf16>,
        %get3A_1071 = arith.constant 0 : i32
        %get3A_1072 = arith.index_cast %get3A_1071 : i32 to index
        %get3A_1073 = arith.index_cast %add3A_964 : i32 to index
        %get3A_1074 = arith.constant 192 : index
        %get3A_1075 = tpu.vector_load %arg12[%get3A_1072, %get3A_1073, %get3A_1074] {strides = array<i32>} : memref<2x64x256xbf16, #tpu.memory_space<vmem>>, vector<32xbf16>,
        %sub3A_1076 = arith.subf %get3A_1070, %get3A_1075 : vector<32xbf16>
        %unpack3A_1077 = tpu.unpack_subelements %sub3A_1076, 0 {pack_format = #tpu.pack_format<interleaved>} : vector<32xbf16> -> vector<16xf32>
        %unpack3A_1078 = tpu.unpack_subelements %sub3A_1076, 1 {pack_format = #tpu.pack_format<interleaved>} : vector<32xbf16> -> vector<16xf32>
        %mul3A_1079 = arith.mulf %unpack3A_1077, %unpack3A_1077 : vector<16xf32>
        %add3A_1080 = arith.addf %add3A_1065, %mul3A_1079 : vector<16xf32>
        %mul3A_1081 = arith.mulf %unpack3A_1078, %unpack3A_1078 : vector<16xf32>
        %add3A_1082 = arith.addf %add3A_1080, %mul3A_1081 : vector<16xf32>
        %get3A_1083 = arith.constant 0 : i32
        %get3A_1084 = arith.index_cast %get3A_1083 : i32 to index
        %get3A_1085 = arith.index_cast %add3A_964 : i32 to index
        %get3A_1086 = arith.constant 224 : index
        %get3A_1087 = tpu.vector_load %arg11[%get3A_1084, %get3A_1085, %get3A_1086] {strides = array<i32>} : memref<2x64x256xbf16, #tpu.memory_space<vmem>>, vector<32xbf16>,
        %get3A_1088 = arith.constant 0 : i32
        %get3A_1089 = arith.index_cast %get3A_1088 : i32 to index
        %get3A_1090 = arith.index_cast %add3A_964 : i32 to index
        %get3A_1091 = arith.constant 224 : index
        %get3A_1092 = tpu.vector_load %arg12[%get3A_1089, %get3A_1090, %get3A_1091] {strides = array<i32>} : memref<2x64x256xbf16, #tpu.memory_space<vmem>>, vector<32xbf16>,
        %sub3A_1093 = arith.subf %get3A_1087, %get3A_1092 : vector<32xbf16>
        %unpack3A_1094 = tpu.unpack_subelements %sub3A_1093, 0 {pack_format = #tpu.pack_format<interleaved>} : vector<32xbf16> -> vector<16xf32>
        %unpack3A_1095 = tpu.unpack_subelements %sub3A_1093, 1 {pack_format = #tpu.pack_format<interleaved>} : vector<32xbf16> -> vector<16xf32>
        %mul3A_1096 = arith.mulf %unpack3A_1094, %unpack3A_1094 : vector<16xf32>
        %add3A_1097 = arith.addf %add3A_1082, %mul3A_1096 : vector<16xf32>
        %mul3A_1098 = arith.mulf %unpack3A_1095, %unpack3A_1095 : vector<16xf32>
        %add3A_1099 = arith.addf %add3A_1097, %mul3A_1098 : vector<16xf32>
        %mul3A_1100 = arith.constant 17 : i32
        %mul3A_1101 = arith.muli %add3A_962, %mul3A_1100 : i32
        %swap3A_1102 = arith.index_cast %mul3A_1101 : i32 to index
        %swap3A_1103 = tpu.vector_load %arg13[%swap3A_1102] {strides = array<i32>} : memref<272xf32, #tpu.memory_space<vmem>>, vector<16xf32>,
        tpu.vector_store %arg13[%swap3A_1102], %add3A_1099 {strides = array<i32>} : memref<272xf32, #tpu.memory_space<vmem>>, vector<16xf32>,
      }
      %scan3A_194 = arith.constant 16 : i32
      %gather3A_195 = tpu.vector_load_idx %arg13[%mul3A_10] : memref<272xf32, #tpu.memory_space<vmem>>[vector<16xi32>], vector<16xf32>,
      %add3A_196 = arith.constant 1 : i32
      %add3A_197 = vector.broadcast %add3A_196 : i32 to vector<16xi32>
      %add3A_198 = arith.addi %mul3A_10, %add3A_197 : vector<16xi32>
      %gather3A_199 = tpu.vector_load_idx %arg13[%add3A_198] : memref<272xf32, #tpu.memory_space<vmem>>[vector<16xi32>], vector<16xf32>,
      %add3A_200 = arith.addf %gather3A_195, %gather3A_199 : vector<16xf32>
      %add3A_201 = arith.constant 2 : i32
      %add3A_202 = vector.broadcast %add3A_201 : i32 to vector<16xi32>
      %add3A_203 = arith.addi %mul3A_10, %add3A_202 : vector<16xi32>
      %gather3A_204 = tpu.vector_load_idx %arg13[%add3A_203] : memref<272xf32, #tpu.memory_space<vmem>>[vector<16xi32>], vector<16xf32>,
      %add3A_205 = arith.addf %add3A_200, %gather3A_204 : vector<16xf32>
      %add3A_206 = arith.constant 3 : i32
      %add3A_207 = vector.broadcast %add3A_206 : i32 to vector<16xi32>
      %add3A_208 = arith.addi %mul3A_10, %add3A_207 : vector<16xi32>
      %gather3A_209 = tpu.vector_load_idx %arg13[%add3A_208] : memref<272xf32, #tpu.memory_space<vmem>>[vector<16xi32>], vector<16xf32>,
      %add3A_210 = arith.addf %add3A_205, %gather3A_209 : vector<16xf32>
      %add3A_211 = arith.constant 4 : i32
      %add3A_212 = vector.broadcast %add3A_211 : i32 to vector<16xi32>
      %add3A_213 = arith.addi %mul3A_10, %add3A_212 : vector<16xi32>
      %gather3A_214 = tpu.vector_load_idx %arg13[%add3A_213] : memref<272xf32, #tpu.memory_space<vmem>>[vector<16xi32>], vector<16xf32>,
      %add3A_215 = arith.addf %add3A_210, %gather3A_214 : vector<16xf32>
      %add3A_216 = arith.constant 5 : i32
      %add3A_217 = vector.broadcast %add3A_216 : i32 to vector<16xi32>
      %add3A_218 = arith.addi %mul3A_10, %add3A_217 : vector<16xi32>
      %gather3A_219 = tpu.vector_load_idx %arg13[%add3A_218] : memref<272xf32, #tpu.memory_space<vmem>>[vector<16xi32>], vector<16xf32>,
      %add3A_220 = arith.addf %add3A_215, %gather3A_219 : vector<16xf32>
      %add3A_221 = arith.constant 6 : i32
      %add3A_222 = vector.broadcast %add3A_221 : i32 to vector<16xi32>
      %add3A_223 = arith.addi %mul3A_10, %add3A_222 : vector<16xi32>
      %gather3A_224 = tpu.vector_load_idx %arg13[%add3A_223] : memref<272xf32, #tpu.memory_space<vmem>>[vector<16xi32>], vector<16xf32>,
      %add3A_225 = arith.addf %add3A_220, %gather3A_224 : vector<16xf32>
      %add3A_226 = arith.constant 7 : i32
      %add3A_227 = vector.broadcast %add3A_226 : i32 to vector<16xi32>
      %add3A_228 = arith.addi %mul3A_10, %add3A_227 : vector<16xi32>
      %gather3A_229 = tpu.vector_load_idx %arg13[%add3A_228] : memref<272xf32, #tpu.memory_space<vmem>>[vector<16xi32>], vector<16xf32>,
      %add3A_230 = arith.addf %add3A_225, %gather3A_229 : vector<16xf32>
      %add3A_231 = arith.constant 8 : i32
      %add3A_232 = vector.broadcast %add3A_231 : i32 to vector<16xi32>
      %add3A_233 = arith.addi %mul3A_10, %add3A_232 : vector<16xi32>
      %gather3A_234 = tpu.vector_load_idx %arg13[%add3A_233] : memref<272xf32, #tpu.memory_space<vmem>>[vector<16xi32>], vector<16xf32>,
      %add3A_235 = arith.addf %add3A_230, %gather3A_234 : vector<16xf32>
      %add3A_236 = arith.constant 9 : i32
      %add3A_237 = vector.broadcast %add3A_236 : i32 to vector<16xi32>
      %add3A_238 = arith.addi %mul3A_10, %add3A_237 : vector<16xi32>
      %gather3A_239 = tpu.vector_load_idx %arg13[%add3A_238] : memref<272xf32, #tpu.memory_space<vmem>>[vector<16xi32>], vector<16xf32>,
      %add3A_240 = arith.addf %add3A_235, %gather3A_239 : vector<16xf32>
      %add3A_241 = arith.constant 10 : i32
      %add3A_242 = vector.broadcast %add3A_241 : i32 to vector<16xi32>
      %add3A_243 = arith.addi %mul3A_10, %add3A_242 : vector<16xi32>
      %gather3A_244 = tpu.vector_load_idx %arg13[%add3A_243] : memref<272xf32, #tpu.memory_space<vmem>>[vector<16xi32>], vector<16xf32>,
      %add3A_245 = arith.addf %add3A_240, %gather3A_244 : vector<16xf32>
      %add3A_246 = arith.constant 11 : i32
      %add3A_247 = vector.broadcast %add3A_246 : i32 to vector<16xi32>
      %add3A_248 = arith.addi %mul3A_10, %add3A_247 : vector<16xi32>
      %gather3A_249 = tpu.vector_load_idx %arg13[%add3A_248] : memref<272xf32, #tpu.memory_space<vmem>>[vector<16xi32>], vector<16xf32>,
      %add3A_250 = arith.addf %add3A_245, %gather3A_249 : vector<16xf32>
      %add3A_251 = arith.constant 12 : i32
      %add3A_252 = vector.broadcast %add3A_251 : i32 to vector<16xi32>
      %add3A_253 = arith.addi %mul3A_10, %add3A_252 : vector<16xi32>
      %gather3A_254 = tpu.vector_load_idx %arg13[%add3A_253] : memref<272xf32, #tpu.memory_space<vmem>>[vector<16xi32>], vector<16xf32>,
      %add3A_255 = arith.addf %add3A_250, %gather3A_254 : vector<16xf32>
      %add3A_256 = arith.constant 13 : i32
      %add3A_257 = vector.broadcast %add3A_256 : i32 to vector<16xi32>
      %add3A_258 = arith.addi %mul3A_10, %add3A_257 : vector<16xi32>
      %gather3A_259 = tpu.vector_load_idx %arg13[%add3A_258] : memref<272xf32, #tpu.memory_space<vmem>>[vector<16xi32>], vector<16xf32>,
      %add3A_260 = arith.addf %add3A_255, %gather3A_259 : vector<16xf32>
      %add3A_261 = arith.constant 14 : i32
      %add3A_262 = vector.broadcast %add3A_261 : i32 to vector<16xi32>
      %add3A_263 = arith.addi %mul3A_10, %add3A_262 : vector<16xi32>
      %gather3A_264 = tpu.vector_load_idx %arg13[%add3A_263] : memref<272xf32, #tpu.memory_space<vmem>>[vector<16xi32>], vector<16xf32>,
      %add3A_265 = arith.addf %add3A_260, %gather3A_264 : vector<16xf32>
      %add3A_266 = arith.constant 15 : i32
      %add3A_267 = vector.broadcast %add3A_266 : i32 to vector<16xi32>
      %add3A_268 = arith.addi %mul3A_10, %add3A_267 : vector<16xi32>
      %gather3A_269 = tpu.vector_load_idx %arg13[%add3A_268] : memref<272xf32, #tpu.memory_space<vmem>>[vector<16xi32>], vector<16xf32>,
      %add3A_270 = arith.addf %add3A_265, %gather3A_269 : vector<16xf32>
      %mul3A_271 = arith.constant 64 : i32
      %mul3A_272 = arith.muli %add3A_51, %mul3A_271 : i32
      %add3A_273 = arith.constant 16 : i32
      %add3A_274 = arith.addi %mul3A_272, %add3A_273 : i32
      %get3A_275 = arith.index_cast %add3A_274 : i32 to index
      %get3A_276 = tpu.vector_load %arg9[%get3A_275] {strides = array<i32>} : memref<4096xf32, #tpu.memory_space<vmem>>, vector<16xf32>,
      %mul3A_277 = arith.constant 64 : i32
      %mul3A_278 = arith.muli %add3A_51, %mul3A_277 : i32
      %add3A_279 = arith.constant 16 : i32
      %add3A_280 = arith.addi %mul3A_278, %add3A_279 : i32
      %get3A_281 = arith.index_cast %add3A_280 : i32 to index
      %get3A_282 = tpu.vector_load %arg10[%get3A_281] {strides = array<i32>} : memref<4096xf32, #tpu.memory_space<vmem>>, vector<16xf32>,
      %mul3A_283 = arith.mulf %get3A_276, %add3A_270 : vector<16xf32>
      %add3A_284 = arith.addf %add3A_189, %mul3A_283 : vector<16xf32>
      %sub3A_285 = arith.constant 5.000000e+00 : f32
      %sub3A_286 = vector.broadcast %sub3A_285 : f32 to vector<16xf32>
      %sub3A_287 = arith.subf %sub3A_286, %add3A_270 : vector<16xf32>
      %max3A_288 = arith.constant 0.000000e+00 : f32
      %max3A_289 = vector.broadcast %max3A_288 : f32 to vector<16xf32>
      %max3A_290 = arith.maximumf %sub3A_287, %max3A_289 : vector<16xf32>
      %mul3A_291 = arith.mulf %get3A_282, %max3A_290 : vector<16xf32>
      %add3A_292 = arith.addf %add3A_284, %mul3A_291 : vector<16xf32>
      %scan3A_293 = arith.constant 0 : i32
      %scan3A_294 = arith.constant 16 : i32
      %scan3A_295 = arith.addi %scan3A_293, %scan3A_294 : i32
      %scan3A_296 = arith.constant 1 : i32
      scf.for %scan3A_958 = %scan3A_293 to %scan3A_295 step %scan3A_296  : i32 {
        %mul3A_959 = arith.constant 1 : i32
        %mul3A_960 = arith.muli %scan3A_958, %mul3A_959 : i32
        %add3A_961 = arith.constant 0 : i32
        %add3A_962 = arith.addi %add3A_961, %mul3A_960 : i32
        %add3A_963 = arith.constant 32 : i32
        %add3A_964 = arith.addi %add3A_963, %add3A_962 : i32
        %get3A_965 = arith.constant 0 : i32
        %get3A_966 = arith.index_cast %get3A_965 : i32 to index
        %get3A_967 = arith.index_cast %add3A_964 : i32 to index
        %get3A_968 = arith.constant 0 : index
        %get3A_969 = tpu.vector_load %arg11[%get3A_966, %get3A_967, %get3A_968] {strides = array<i32>} : memref<2x64x256xbf16, #tpu.memory_space<vmem>>, vector<32xbf16>,
        %get3A_970 = arith.constant 0 : i32
        %get3A_971 = arith.index_cast %get3A_970 : i32 to index
        %get3A_972 = arith.index_cast %add3A_964 : i32 to index
        %get3A_973 = arith.constant 0 : index
        %get3A_974 = tpu.vector_load %arg12[%get3A_971, %get3A_972, %get3A_973] {strides = array<i32>} : memref<2x64x256xbf16, #tpu.memory_space<vmem>>, vector<32xbf16>,
        %sub3A_975 = arith.subf %get3A_969, %get3A_974 : vector<32xbf16>
        %unpack3A = tpu.unpack_subelements %sub3A_975, 0 {pack_format = #tpu.pack_format<interleaved>} : vector<32xbf16> -> vector<16xf32>
        %unpack3A_976 = tpu.unpack_subelements %sub3A_975, 1 {pack_format = #tpu.pack_format<interleaved>} : vector<32xbf16> -> vector<16xf32>
        %mul3A_977 = arith.mulf %unpack3A, %unpack3A : vector<16xf32>
        %add3A_978 = arith.addf %broadcast_in_dim3A_3, %mul3A_977 : vector<16xf32>
        %mul3A_979 = arith.mulf %unpack3A_976, %unpack3A_976 : vector<16xf32>
        %add3A_980 = arith.addf %add3A_978, %mul3A_979 : vector<16xf32>
        %get3A_981 = arith.constant 0 : i32
        %get3A_982 = arith.index_cast %get3A_981 : i32 to index
        %get3A_983 = arith.index_cast %add3A_964 : i32 to index
        %get3A_984 = arith.constant 32 : index
        %get3A_985 = tpu.vector_load %arg11[%get3A_982, %get3A_983, %get3A_984] {strides = array<i32>} : memref<2x64x256xbf16, #tpu.memory_space<vmem>>, vector<32xbf16>,
        %get3A_986 = arith.constant 0 : i32
        %get3A_987 = arith.index_cast %get3A_986 : i32 to index
        %get3A_988 = arith.index_cast %add3A_964 : i32 to index
        %get3A_989 = arith.constant 32 : index
        %get3A_990 = tpu.vector_load %arg12[%get3A_987, %get3A_988, %get3A_989] {strides = array<i32>} : memref<2x64x256xbf16, #tpu.memory_space<vmem>>, vector<32xbf16>,
        %sub3A_991 = arith.subf %get3A_985, %get3A_990 : vector<32xbf16>
        %unpack3A_992 = tpu.unpack_subelements %sub3A_991, 0 {pack_format = #tpu.pack_format<interleaved>} : vector<32xbf16> -> vector<16xf32>
        %unpack3A_993 = tpu.unpack_subelements %sub3A_991, 1 {pack_format = #tpu.pack_format<interleaved>} : vector<32xbf16> -> vector<16xf32>
        %mul3A_994 = arith.mulf %unpack3A_992, %unpack3A_992 : vector<16xf32>
        %add3A_995 = arith.addf %add3A_980, %mul3A_994 : vector<16xf32>
        %mul3A_996 = arith.mulf %unpack3A_993, %unpack3A_993 : vector<16xf32>
        %add3A_997 = arith.addf %add3A_995, %mul3A_996 : vector<16xf32>
        %get3A_998 = arith.constant 0 : i32
        %get3A_999 = arith.index_cast %get3A_998 : i32 to index
        %get3A_1000 = arith.index_cast %add3A_964 : i32 to index
        %get3A_1001 = arith.constant 64 : index
        %get3A_1002 = tpu.vector_load %arg11[%get3A_999, %get3A_1000, %get3A_1001] {strides = array<i32>} : memref<2x64x256xbf16, #tpu.memory_space<vmem>>, vector<32xbf16>,
        %get3A_1003 = arith.constant 0 : i32
        %get3A_1004 = arith.index_cast %get3A_1003 : i32 to index
        %get3A_1005 = arith.index_cast %add3A_964 : i32 to index
        %get3A_1006 = arith.constant 64 : index
        %get3A_1007 = tpu.vector_load %arg12[%get3A_1004, %get3A_1005, %get3A_1006] {strides = array<i32>} : memref<2x64x256xbf16, #tpu.memory_space<vmem>>, vector<32xbf16>,
        %sub3A_1008 = arith.subf %get3A_1002, %get3A_1007 : vector<32xbf16>
        %unpack3A_1009 = tpu.unpack_subelements %sub3A_1008, 0 {pack_format = #tpu.pack_format<interleaved>} : vector<32xbf16> -> vector<16xf32>
        %unpack3A_1010 = tpu.unpack_subelements %sub3A_1008, 1 {pack_format = #tpu.pack_format<interleaved>} : vector<32xbf16> -> vector<16xf32>
        %mul3A_1011 = arith.mulf %unpack3A_1009, %unpack3A_1009 : vector<16xf32>
        %add3A_1012 = arith.addf %add3A_997, %mul3A_1011 : vector<16xf32>
        %mul3A_1013 = arith.mulf %unpack3A_1010, %unpack3A_1010 : vector<16xf32>
        %add3A_1014 = arith.addf %add3A_1012, %mul3A_1013 : vector<16xf32>
        %get3A_1015 = arith.constant 0 : i32
        %get3A_1016 = arith.index_cast %get3A_1015 : i32 to index
        %get3A_1017 = arith.index_cast %add3A_964 : i32 to index
        %get3A_1018 = arith.constant 96 : index
        %get3A_1019 = tpu.vector_load %arg11[%get3A_1016, %get3A_1017, %get3A_1018] {strides = array<i32>} : memref<2x64x256xbf16, #tpu.memory_space<vmem>>, vector<32xbf16>,
        %get3A_1020 = arith.constant 0 : i32
        %get3A_1021 = arith.index_cast %get3A_1020 : i32 to index
        %get3A_1022 = arith.index_cast %add3A_964 : i32 to index
        %get3A_1023 = arith.constant 96 : index
        %get3A_1024 = tpu.vector_load %arg12[%get3A_1021, %get3A_1022, %get3A_1023] {strides = array<i32>} : memref<2x64x256xbf16, #tpu.memory_space<vmem>>, vector<32xbf16>,
        %sub3A_1025 = arith.subf %get3A_1019, %get3A_1024 : vector<32xbf16>
        %unpack3A_1026 = tpu.unpack_subelements %sub3A_1025, 0 {pack_format = #tpu.pack_format<interleaved>} : vector<32xbf16> -> vector<16xf32>
        %unpack3A_1027 = tpu.unpack_subelements %sub3A_1025, 1 {pack_format = #tpu.pack_format<interleaved>} : vector<32xbf16> -> vector<16xf32>
        %mul3A_1028 = arith.mulf %unpack3A_1026, %unpack3A_1026 : vector<16xf32>
        %add3A_1029 = arith.addf %add3A_1014, %mul3A_1028 : vector<16xf32>
        %mul3A_1030 = arith.mulf %unpack3A_1027, %unpack3A_1027 : vector<16xf32>
        %add3A_1031 = arith.addf %add3A_1029, %mul3A_1030 : vector<16xf32>
        %get3A_1032 = arith.constant 0 : i32
        %get3A_1033 = arith.index_cast %get3A_1032 : i32 to index
        %get3A_1034 = arith.index_cast %add3A_964 : i32 to index
        %get3A_1035 = arith.constant 128 : index
        %get3A_1036 = tpu.vector_load %arg11[%get3A_1033, %get3A_1034, %get3A_1035] {strides = array<i32>} : memref<2x64x256xbf16, #tpu.memory_space<vmem>>, vector<32xbf16>,
        %get3A_1037 = arith.constant 0 : i32
        %get3A_1038 = arith.index_cast %get3A_1037 : i32 to index
        %get3A_1039 = arith.index_cast %add3A_964 : i32 to index
        %get3A_1040 = arith.constant 128 : index
        %get3A_1041 = tpu.vector_load %arg12[%get3A_1038, %get3A_1039, %get3A_1040] {strides = array<i32>} : memref<2x64x256xbf16, #tpu.memory_space<vmem>>, vector<32xbf16>,
        %sub3A_1042 = arith.subf %get3A_1036, %get3A_1041 : vector<32xbf16>
        %unpack3A_1043 = tpu.unpack_subelements %sub3A_1042, 0 {pack_format = #tpu.pack_format<interleaved>} : vector<32xbf16> -> vector<16xf32>
        %unpack3A_1044 = tpu.unpack_subelements %sub3A_1042, 1 {pack_format = #tpu.pack_format<interleaved>} : vector<32xbf16> -> vector<16xf32>
        %mul3A_1045 = arith.mulf %unpack3A_1043, %unpack3A_1043 : vector<16xf32>
        %add3A_1046 = arith.addf %add3A_1031, %mul3A_1045 : vector<16xf32>
        %mul3A_1047 = arith.mulf %unpack3A_1044, %unpack3A_1044 : vector<16xf32>
        %add3A_1048 = arith.addf %add3A_1046, %mul3A_1047 : vector<16xf32>
        %get3A_1049 = arith.constant 0 : i32
        %get3A_1050 = arith.index_cast %get3A_1049 : i32 to index
        %get3A_1051 = arith.index_cast %add3A_964 : i32 to index
        %get3A_1052 = arith.constant 160 : index
        %get3A_1053 = tpu.vector_load %arg11[%get3A_1050, %get3A_1051, %get3A_1052] {strides = array<i32>} : memref<2x64x256xbf16, #tpu.memory_space<vmem>>, vector<32xbf16>,
        %get3A_1054 = arith.constant 0 : i32
        %get3A_1055 = arith.index_cast %get3A_1054 : i32 to index
        %get3A_1056 = arith.index_cast %add3A_964 : i32 to index
        %get3A_1057 = arith.constant 160 : index
        %get3A_1058 = tpu.vector_load %arg12[%get3A_1055, %get3A_1056, %get3A_1057] {strides = array<i32>} : memref<2x64x256xbf16, #tpu.memory_space<vmem>>, vector<32xbf16>,
        %sub3A_1059 = arith.subf %get3A_1053, %get3A_1058 : vector<32xbf16>
        %unpack3A_1060 = tpu.unpack_subelements %sub3A_1059, 0 {pack_format = #tpu.pack_format<interleaved>} : vector<32xbf16> -> vector<16xf32>
        %unpack3A_1061 = tpu.unpack_subelements %sub3A_1059, 1 {pack_format = #tpu.pack_format<interleaved>} : vector<32xbf16> -> vector<16xf32>
        %mul3A_1062 = arith.mulf %unpack3A_1060, %unpack3A_1060 : vector<16xf32>
        %add3A_1063 = arith.addf %add3A_1048, %mul3A_1062 : vector<16xf32>
        %mul3A_1064 = arith.mulf %unpack3A_1061, %unpack3A_1061 : vector<16xf32>
        %add3A_1065 = arith.addf %add3A_1063, %mul3A_1064 : vector<16xf32>
        %get3A_1066 = arith.constant 0 : i32
        %get3A_1067 = arith.index_cast %get3A_1066 : i32 to index
        %get3A_1068 = arith.index_cast %add3A_964 : i32 to index
        %get3A_1069 = arith.constant 192 : index
        %get3A_1070 = tpu.vector_load %arg11[%get3A_1067, %get3A_1068, %get3A_1069] {strides = array<i32>} : memref<2x64x256xbf16, #tpu.memory_space<vmem>>, vector<32xbf16>,
        %get3A_1071 = arith.constant 0 : i32
        %get3A_1072 = arith.index_cast %get3A_1071 : i32 to index
        %get3A_1073 = arith.index_cast %add3A_964 : i32 to index
        %get3A_1074 = arith.constant 192 : index
        %get3A_1075 = tpu.vector_load %arg12[%get3A_1072, %get3A_1073, %get3A_1074] {strides = array<i32>} : memref<2x64x256xbf16, #tpu.memory_space<vmem>>, vector<32xbf16>,
        %sub3A_1076 = arith.subf %get3A_1070, %get3A_1075 : vector<32xbf16>
        %unpack3A_1077 = tpu.unpack_subelements %sub3A_1076, 0 {pack_format = #tpu.pack_format<interleaved>} : vector<32xbf16> -> vector<16xf32>
        %unpack3A_1078 = tpu.unpack_subelements %sub3A_1076, 1 {pack_format = #tpu.pack_format<interleaved>} : vector<32xbf16> -> vector<16xf32>
        %mul3A_1079 = arith.mulf %unpack3A_1077, %unpack3A_1077 : vector<16xf32>
        %add3A_1080 = arith.addf %add3A_1065, %mul3A_1079 : vector<16xf32>
        %mul3A_1081 = arith.mulf %unpack3A_1078, %unpack3A_1078 : vector<16xf32>
        %add3A_1082 = arith.addf %add3A_1080, %mul3A_1081 : vector<16xf32>
        %get3A_1083 = arith.constant 0 : i32
        %get3A_1084 = arith.index_cast %get3A_1083 : i32 to index
        %get3A_1085 = arith.index_cast %add3A_964 : i32 to index
        %get3A_1086 = arith.constant 224 : index
        %get3A_1087 = tpu.vector_load %arg11[%get3A_1084, %get3A_1085, %get3A_1086] {strides = array<i32>} : memref<2x64x256xbf16, #tpu.memory_space<vmem>>, vector<32xbf16>,
        %get3A_1088 = arith.constant 0 : i32
        %get3A_1089 = arith.index_cast %get3A_1088 : i32 to index
        %get3A_1090 = arith.index_cast %add3A_964 : i32 to index
        %get3A_1091 = arith.constant 224 : index
        %get3A_1092 = tpu.vector_load %arg12[%get3A_1089, %get3A_1090, %get3A_1091] {strides = array<i32>} : memref<2x64x256xbf16, #tpu.memory_space<vmem>>, vector<32xbf16>,
        %sub3A_1093 = arith.subf %get3A_1087, %get3A_1092 : vector<32xbf16>
        %unpack3A_1094 = tpu.unpack_subelements %sub3A_1093, 0 {pack_format = #tpu.pack_format<interleaved>} : vector<32xbf16> -> vector<16xf32>
        %unpack3A_1095 = tpu.unpack_subelements %sub3A_1093, 1 {pack_format = #tpu.pack_format<interleaved>} : vector<32xbf16> -> vector<16xf32>
        %mul3A_1096 = arith.mulf %unpack3A_1094, %unpack3A_1094 : vector<16xf32>
        %add3A_1097 = arith.addf %add3A_1082, %mul3A_1096 : vector<16xf32>
        %mul3A_1098 = arith.mulf %unpack3A_1095, %unpack3A_1095 : vector<16xf32>
        %add3A_1099 = arith.addf %add3A_1097, %mul3A_1098 : vector<16xf32>
        %mul3A_1100 = arith.constant 17 : i32
        %mul3A_1101 = arith.muli %add3A_962, %mul3A_1100 : i32
        %swap3A_1102 = arith.index_cast %mul3A_1101 : i32 to index
        %swap3A_1103 = tpu.vector_load %arg13[%swap3A_1102] {strides = array<i32>} : memref<272xf32, #tpu.memory_space<vmem>>, vector<16xf32>,
        tpu.vector_store %arg13[%swap3A_1102], %add3A_1099 {strides = array<i32>} : memref<272xf32, #tpu.memory_space<vmem>>, vector<16xf32>,
      }
      %scan3A_297 = arith.constant 16 : i32
      %gather3A_298 = tpu.vector_load_idx %arg13[%mul3A_10] : memref<272xf32, #tpu.memory_space<vmem>>[vector<16xi32>], vector<16xf32>,
      %add3A_299 = arith.constant 1 : i32
      %add3A_300 = vector.broadcast %add3A_299 : i32 to vector<16xi32>
      %add3A_301 = arith.addi %mul3A_10, %add3A_300 : vector<16xi32>
      %gather3A_302 = tpu.vector_load_idx %arg13[%add3A_301] : memref<272xf32, #tpu.memory_space<vmem>>[vector<16xi32>], vector<16xf32>,
      %add3A_303 = arith.addf %gather3A_298, %gather3A_302 : vector<16xf32>
      %add3A_304 = arith.constant 2 : i32
      %add3A_305 = vector.broadcast %add3A_304 : i32 to vector<16xi32>
      %add3A_306 = arith.addi %mul3A_10, %add3A_305 : vector<16xi32>
      %gather3A_307 = tpu.vector_load_idx %arg13[%add3A_306] : memref<272xf32, #tpu.memory_space<vmem>>[vector<16xi32>], vector<16xf32>,
      %add3A_308 = arith.addf %add3A_303, %gather3A_307 : vector<16xf32>
      %add3A_309 = arith.constant 3 : i32
      %add3A_310 = vector.broadcast %add3A_309 : i32 to vector<16xi32>
      %add3A_311 = arith.addi %mul3A_10, %add3A_310 : vector<16xi32>
      %gather3A_312 = tpu.vector_load_idx %arg13[%add3A_311] : memref<272xf32, #tpu.memory_space<vmem>>[vector<16xi32>], vector<16xf32>,
      %add3A_313 = arith.addf %add3A_308, %gather3A_312 : vector<16xf32>
      %add3A_314 = arith.constant 4 : i32
      %add3A_315 = vector.broadcast %add3A_314 : i32 to vector<16xi32>
      %add3A_316 = arith.addi %mul3A_10, %add3A_315 : vector<16xi32>
      %gather3A_317 = tpu.vector_load_idx %arg13[%add3A_316] : memref<272xf32, #tpu.memory_space<vmem>>[vector<16xi32>], vector<16xf32>,
      %add3A_318 = arith.addf %add3A_313, %gather3A_317 : vector<16xf32>
      %add3A_319 = arith.constant 5 : i32
      %add3A_320 = vector.broadcast %add3A_319 : i32 to vector<16xi32>
      %add3A_321 = arith.addi %mul3A_10, %add3A_320 : vector<16xi32>
      %gather3A_322 = tpu.vector_load_idx %arg13[%add3A_321] : memref<272xf32, #tpu.memory_space<vmem>>[vector<16xi32>], vector<16xf32>,
      %add3A_323 = arith.addf %add3A_318, %gather3A_322 : vector<16xf32>
      %add3A_324 = arith.constant 6 : i32
      %add3A_325 = vector.broadcast %add3A_324 : i32 to vector<16xi32>
      %add3A_326 = arith.addi %mul3A_10, %add3A_325 : vector<16xi32>
      %gather3A_327 = tpu.vector_load_idx %arg13[%add3A_326] : memref<272xf32, #tpu.memory_space<vmem>>[vector<16xi32>], vector<16xf32>,
      %add3A_328 = arith.addf %add3A_323, %gather3A_327 : vector<16xf32>
      %add3A_329 = arith.constant 7 : i32
      %add3A_330 = vector.broadcast %add3A_329 : i32 to vector<16xi32>
      %add3A_331 = arith.addi %mul3A_10, %add3A_330 : vector<16xi32>
      %gather3A_332 = tpu.vector_load_idx %arg13[%add3A_331] : memref<272xf32, #tpu.memory_space<vmem>>[vector<16xi32>], vector<16xf32>,
      %add3A_333 = arith.addf %add3A_328, %gather3A_332 : vector<16xf32>
      %add3A_334 = arith.constant 8 : i32
      %add3A_335 = vector.broadcast %add3A_334 : i32 to vector<16xi32>
      %add3A_336 = arith.addi %mul3A_10, %add3A_335 : vector<16xi32>
      %gather3A_337 = tpu.vector_load_idx %arg13[%add3A_336] : memref<272xf32, #tpu.memory_space<vmem>>[vector<16xi32>], vector<16xf32>,
      %add3A_338 = arith.addf %add3A_333, %gather3A_337 : vector<16xf32>
      %add3A_339 = arith.constant 9 : i32
      %add3A_340 = vector.broadcast %add3A_339 : i32 to vector<16xi32>
      %add3A_341 = arith.addi %mul3A_10, %add3A_340 : vector<16xi32>
      %gather3A_342 = tpu.vector_load_idx %arg13[%add3A_341] : memref<272xf32, #tpu.memory_space<vmem>>[vector<16xi32>], vector<16xf32>,
      %add3A_343 = arith.addf %add3A_338, %gather3A_342 : vector<16xf32>
      %add3A_344 = arith.constant 10 : i32
      %add3A_345 = vector.broadcast %add3A_344 : i32 to vector<16xi32>
      %add3A_346 = arith.addi %mul3A_10, %add3A_345 : vector<16xi32>
      %gather3A_347 = tpu.vector_load_idx %arg13[%add3A_346] : memref<272xf32, #tpu.memory_space<vmem>>[vector<16xi32>], vector<16xf32>,
      %add3A_348 = arith.addf %add3A_343, %gather3A_347 : vector<16xf32>
      %add3A_349 = arith.constant 11 : i32
      %add3A_350 = vector.broadcast %add3A_349 : i32 to vector<16xi32>
      %add3A_351 = arith.addi %mul3A_10, %add3A_350 : vector<16xi32>
      %gather3A_352 = tpu.vector_load_idx %arg13[%add3A_351] : memref<272xf32, #tpu.memory_space<vmem>>[vector<16xi32>], vector<16xf32>,
      %add3A_353 = arith.addf %add3A_348, %gather3A_352 : vector<16xf32>
      %add3A_354 = arith.constant 12 : i32
      %add3A_355 = vector.broadcast %add3A_354 : i32 to vector<16xi32>
      %add3A_356 = arith.addi %mul3A_10, %add3A_355 : vector<16xi32>
      %gather3A_357 = tpu.vector_load_idx %arg13[%add3A_356] : memref<272xf32, #tpu.memory_space<vmem>>[vector<16xi32>], vector<16xf32>,
      %add3A_358 = arith.addf %add3A_353, %gather3A_357 : vector<16xf32>
      %add3A_359 = arith.constant 13 : i32
      %add3A_360 = vector.broadcast %add3A_359 : i32 to vector<16xi32>
      %add3A_361 = arith.addi %mul3A_10, %add3A_360 : vector<16xi32>
      %gather3A_362 = tpu.vector_load_idx %arg13[%add3A_361] : memref<272xf32, #tpu.memory_space<vmem>>[vector<16xi32>], vector<16xf32>,
      %add3A_363 = arith.addf %add3A_358, %gather3A_362 : vector<16xf32>
      %add3A_364 = arith.constant 14 : i32
      %add3A_365 = vector.broadcast %add3A_364 : i32 to vector<16xi32>
      %add3A_366 = arith.addi %mul3A_10, %add3A_365 : vector<16xi32>
      %gather3A_367 = tpu.vector_load_idx %arg13[%add3A_366] : memref<272xf32, #tpu.memory_space<vmem>>[vector<16xi32>], vector<16xf32>,
      %add3A_368 = arith.addf %add3A_363, %gather3A_367 : vector<16xf32>
      %add3A_369 = arith.constant 15 : i32
      %add3A_370 = vector.broadcast %add3A_369 : i32 to vector<16xi32>
      %add3A_371 = arith.addi %mul3A_10, %add3A_370 : vector<16xi32>
      %gather3A_372 = tpu.vector_load_idx %arg13[%add3A_371] : memref<272xf32, #tpu.memory_space<vmem>>[vector<16xi32>], vector<16xf32>,
      %add3A_373 = arith.addf %add3A_368, %gather3A_372 : vector<16xf32>
      %mul3A_374 = arith.constant 64 : i32
      %mul3A_375 = arith.muli %add3A_51, %mul3A_374 : i32
      %add3A_376 = arith.constant 32 : i32
      %add3A_377 = arith.addi %mul3A_375, %add3A_376 : i32
      %get3A_378 = arith.index_cast %add3A_377 : i32 to index
      %get3A_379 = tpu.vector_load %arg9[%get3A_378] {strides = array<i32>} : memref<4096xf32, #tpu.memory_space<vmem>>, vector<16xf32>,
      %mul3A_380 = arith.constant 64 : i32
      %mul3A_381 = arith.muli %add3A_51, %mul3A_380 : i32
      %add3A_382 = arith.constant 32 : i32
      %add3A_383 = arith.addi %mul3A_381, %add3A_382 : i32
      %get3A_384 = arith.index_cast %add3A_383 : i32 to index
      %get3A_385 = tpu.vector_load %arg10[%get3A_384] {strides = array<i32>} : memref<4096xf32, #tpu.memory_space<vmem>>, vector<16xf32>,
      %mul3A_386 = arith.mulf %get3A_379, %add3A_373 : vector<16xf32>
      %add3A_387 = arith.addf %add3A_292, %mul3A_386 : vector<16xf32>
      %sub3A_388 = arith.constant 5.000000e+00 : f32
      %sub3A_389 = vector.broadcast %sub3A_388 : f32 to vector<16xf32>
      %sub3A_390 = arith.subf %sub3A_389, %add3A_373 : vector<16xf32>
      %max3A_391 = arith.constant 0.000000e+00 : f32
      %max3A_392 = vector.broadcast %max3A_391 : f32 to vector<16xf32>
      %max3A_393 = arith.maximumf %sub3A_390, %max3A_392 : vector<16xf32>
      %mul3A_394 = arith.mulf %get3A_385, %max3A_393 : vector<16xf32>
      %add3A_395 = arith.addf %add3A_387, %mul3A_394 : vector<16xf32>
      %scan3A_396 = arith.constant 0 : i32
      %scan3A_397 = arith.constant 16 : i32
      %scan3A_398 = arith.addi %scan3A_396, %scan3A_397 : i32
      %scan3A_399 = arith.constant 1 : i32
      scf.for %scan3A_958 = %scan3A_396 to %scan3A_398 step %scan3A_399  : i32 {
        %mul3A_959 = arith.constant 1 : i32
        %mul3A_960 = arith.muli %scan3A_958, %mul3A_959 : i32
        %add3A_961 = arith.constant 0 : i32
        %add3A_962 = arith.addi %add3A_961, %mul3A_960 : i32
        %add3A_963 = arith.constant 48 : i32
        %add3A_964 = arith.addi %add3A_963, %add3A_962 : i32
        %get3A_965 = arith.constant 0 : i32
        %get3A_966 = arith.index_cast %get3A_965 : i32 to index
        %get3A_967 = arith.index_cast %add3A_964 : i32 to index
        %get3A_968 = arith.constant 0 : index
        %get3A_969 = tpu.vector_load %arg11[%get3A_966, %get3A_967, %get3A_968] {strides = array<i32>} : memref<2x64x256xbf16, #tpu.memory_space<vmem>>, vector<32xbf16>,
        %get3A_970 = arith.constant 0 : i32
        %get3A_971 = arith.index_cast %get3A_970 : i32 to index
        %get3A_972 = arith.index_cast %add3A_964 : i32 to index
        %get3A_973 = arith.constant 0 : index
        %get3A_974 = tpu.vector_load %arg12[%get3A_971, %get3A_972, %get3A_973] {strides = array<i32>} : memref<2x64x256xbf16, #tpu.memory_space<vmem>>, vector<32xbf16>,
        %sub3A_975 = arith.subf %get3A_969, %get3A_974 : vector<32xbf16>
        %unpack3A = tpu.unpack_subelements %sub3A_975, 0 {pack_format = #tpu.pack_format<interleaved>} : vector<32xbf16> -> vector<16xf32>
        %unpack3A_976 = tpu.unpack_subelements %sub3A_975, 1 {pack_format = #tpu.pack_format<interleaved>} : vector<32xbf16> -> vector<16xf32>
        %mul3A_977 = arith.mulf %unpack3A, %unpack3A : vector<16xf32>
        %add3A_978 = arith.addf %broadcast_in_dim3A_3, %mul3A_977 : vector<16xf32>
        %mul3A_979 = arith.mulf %unpack3A_976, %unpack3A_976 : vector<16xf32>
        %add3A_980 = arith.addf %add3A_978, %mul3A_979 : vector<16xf32>
        %get3A_981 = arith.constant 0 : i32
        %get3A_982 = arith.index_cast %get3A_981 : i32 to index
        %get3A_983 = arith.index_cast %add3A_964 : i32 to index
        %get3A_984 = arith.constant 32 : index
        %get3A_985 = tpu.vector_load %arg11[%get3A_982, %get3A_983, %get3A_984] {strides = array<i32>} : memref<2x64x256xbf16, #tpu.memory_space<vmem>>, vector<32xbf16>,
        %get3A_986 = arith.constant 0 : i32
        %get3A_987 = arith.index_cast %get3A_986 : i32 to index
        %get3A_988 = arith.index_cast %add3A_964 : i32 to index
        %get3A_989 = arith.constant 32 : index
        %get3A_990 = tpu.vector_load %arg12[%get3A_987, %get3A_988, %get3A_989] {strides = array<i32>} : memref<2x64x256xbf16, #tpu.memory_space<vmem>>, vector<32xbf16>,
        %sub3A_991 = arith.subf %get3A_985, %get3A_990 : vector<32xbf16>
        %unpack3A_992 = tpu.unpack_subelements %sub3A_991, 0 {pack_format = #tpu.pack_format<interleaved>} : vector<32xbf16> -> vector<16xf32>
        %unpack3A_993 = tpu.unpack_subelements %sub3A_991, 1 {pack_format = #tpu.pack_format<interleaved>} : vector<32xbf16> -> vector<16xf32>
        %mul3A_994 = arith.mulf %unpack3A_992, %unpack3A_992 : vector<16xf32>
        %add3A_995 = arith.addf %add3A_980, %mul3A_994 : vector<16xf32>
        %mul3A_996 = arith.mulf %unpack3A_993, %unpack3A_993 : vector<16xf32>
        %add3A_997 = arith.addf %add3A_995, %mul3A_996 : vector<16xf32>
        %get3A_998 = arith.constant 0 : i32
        %get3A_999 = arith.index_cast %get3A_998 : i32 to index
        %get3A_1000 = arith.index_cast %add3A_964 : i32 to index
        %get3A_1001 = arith.constant 64 : index
        %get3A_1002 = tpu.vector_load %arg11[%get3A_999, %get3A_1000, %get3A_1001] {strides = array<i32>} : memref<2x64x256xbf16, #tpu.memory_space<vmem>>, vector<32xbf16>,
        %get3A_1003 = arith.constant 0 : i32
        %get3A_1004 = arith.index_cast %get3A_1003 : i32 to index
        %get3A_1005 = arith.index_cast %add3A_964 : i32 to index
        %get3A_1006 = arith.constant 64 : index
        %get3A_1007 = tpu.vector_load %arg12[%get3A_1004, %get3A_1005, %get3A_1006] {strides = array<i32>} : memref<2x64x256xbf16, #tpu.memory_space<vmem>>, vector<32xbf16>,
        %sub3A_1008 = arith.subf %get3A_1002, %get3A_1007 : vector<32xbf16>
        %unpack3A_1009 = tpu.unpack_subelements %sub3A_1008, 0 {pack_format = #tpu.pack_format<interleaved>} : vector<32xbf16> -> vector<16xf32>
        %unpack3A_1010 = tpu.unpack_subelements %sub3A_1008, 1 {pack_format = #tpu.pack_format<interleaved>} : vector<32xbf16> -> vector<16xf32>
        %mul3A_1011 = arith.mulf %unpack3A_1009, %unpack3A_1009 : vector<16xf32>
        %add3A_1012 = arith.addf %add3A_997, %mul3A_1011 : vector<16xf32>
        %mul3A_1013 = arith.mulf %unpack3A_1010, %unpack3A_1010 : vector<16xf32>
        %add3A_1014 = arith.addf %add3A_1012, %mul3A_1013 : vector<16xf32>
        %get3A_1015 = arith.constant 0 : i32
        %get3A_1016 = arith.index_cast %get3A_1015 : i32 to index
        %get3A_1017 = arith.index_cast %add3A_964 : i32 to index
        %get3A_1018 = arith.constant 96 : index
        %get3A_1019 = tpu.vector_load %arg11[%get3A_1016, %get3A_1017, %get3A_1018] {strides = array<i32>} : memref<2x64x256xbf16, #tpu.memory_space<vmem>>, vector<32xbf16>,
        %get3A_1020 = arith.constant 0 : i32
        %get3A_1021 = arith.index_cast %get3A_1020 : i32 to index
        %get3A_1022 = arith.index_cast %add3A_964 : i32 to index
        %get3A_1023 = arith.constant 96 : index
        %get3A_1024 = tpu.vector_load %arg12[%get3A_1021, %get3A_1022, %get3A_1023] {strides = array<i32>} : memref<2x64x256xbf16, #tpu.memory_space<vmem>>, vector<32xbf16>,
        %sub3A_1025 = arith.subf %get3A_1019, %get3A_1024 : vector<32xbf16>
        %unpack3A_1026 = tpu.unpack_subelements %sub3A_1025, 0 {pack_format = #tpu.pack_format<interleaved>} : vector<32xbf16> -> vector<16xf32>
        %unpack3A_1027 = tpu.unpack_subelements %sub3A_1025, 1 {pack_format = #tpu.pack_format<interleaved>} : vector<32xbf16> -> vector<16xf32>
        %mul3A_1028 = arith.mulf %unpack3A_1026, %unpack3A_1026 : vector<16xf32>
        %add3A_1029 = arith.addf %add3A_1014, %mul3A_1028 : vector<16xf32>
        %mul3A_1030 = arith.mulf %unpack3A_1027, %unpack3A_1027 : vector<16xf32>
        %add3A_1031 = arith.addf %add3A_1029, %mul3A_1030 : vector<16xf32>
        %get3A_1032 = arith.constant 0 : i32
        %get3A_1033 = arith.index_cast %get3A_1032 : i32 to index
        %get3A_1034 = arith.index_cast %add3A_964 : i32 to index
        %get3A_1035 = arith.constant 128 : index
        %get3A_1036 = tpu.vector_load %arg11[%get3A_1033, %get3A_1034, %get3A_1035] {strides = array<i32>} : memref<2x64x256xbf16, #tpu.memory_space<vmem>>, vector<32xbf16>,
        %get3A_1037 = arith.constant 0 : i32
        %get3A_1038 = arith.index_cast %get3A_1037 : i32 to index
        %get3A_1039 = arith.index_cast %add3A_964 : i32 to index
        %get3A_1040 = arith.constant 128 : index
        %get3A_1041 = tpu.vector_load %arg12[%get3A_1038, %get3A_1039, %get3A_1040] {strides = array<i32>} : memref<2x64x256xbf16, #tpu.memory_space<vmem>>, vector<32xbf16>,
        %sub3A_1042 = arith.subf %get3A_1036, %get3A_1041 : vector<32xbf16>
        %unpack3A_1043 = tpu.unpack_subelements %sub3A_1042, 0 {pack_format = #tpu.pack_format<interleaved>} : vector<32xbf16> -> vector<16xf32>
        %unpack3A_1044 = tpu.unpack_subelements %sub3A_1042, 1 {pack_format = #tpu.pack_format<interleaved>} : vector<32xbf16> -> vector<16xf32>
        %mul3A_1045 = arith.mulf %unpack3A_1043, %unpack3A_1043 : vector<16xf32>
        %add3A_1046 = arith.addf %add3A_1031, %mul3A_1045 : vector<16xf32>
        %mul3A_1047 = arith.mulf %unpack3A_1044, %unpack3A_1044 : vector<16xf32>
        %add3A_1048 = arith.addf %add3A_1046, %mul3A_1047 : vector<16xf32>
        %get3A_1049 = arith.constant 0 : i32
        %get3A_1050 = arith.index_cast %get3A_1049 : i32 to index
        %get3A_1051 = arith.index_cast %add3A_964 : i32 to index
        %get3A_1052 = arith.constant 160 : index
        %get3A_1053 = tpu.vector_load %arg11[%get3A_1050, %get3A_1051, %get3A_1052] {strides = array<i32>} : memref<2x64x256xbf16, #tpu.memory_space<vmem>>, vector<32xbf16>,
        %get3A_1054 = arith.constant 0 : i32
        %get3A_1055 = arith.index_cast %get3A_1054 : i32 to index
        %get3A_1056 = arith.index_cast %add3A_964 : i32 to index
        %get3A_1057 = arith.constant 160 : index
        %get3A_1058 = tpu.vector_load %arg12[%get3A_1055, %get3A_1056, %get3A_1057] {strides = array<i32>} : memref<2x64x256xbf16, #tpu.memory_space<vmem>>, vector<32xbf16>,
        %sub3A_1059 = arith.subf %get3A_1053, %get3A_1058 : vector<32xbf16>
        %unpack3A_1060 = tpu.unpack_subelements %sub3A_1059, 0 {pack_format = #tpu.pack_format<interleaved>} : vector<32xbf16> -> vector<16xf32>
        %unpack3A_1061 = tpu.unpack_subelements %sub3A_1059, 1 {pack_format = #tpu.pack_format<interleaved>} : vector<32xbf16> -> vector<16xf32>
        %mul3A_1062 = arith.mulf %unpack3A_1060, %unpack3A_1060 : vector<16xf32>
        %add3A_1063 = arith.addf %add3A_1048, %mul3A_1062 : vector<16xf32>
        %mul3A_1064 = arith.mulf %unpack3A_1061, %unpack3A_1061 : vector<16xf32>
        %add3A_1065 = arith.addf %add3A_1063, %mul3A_1064 : vector<16xf32>
        %get3A_1066 = arith.constant 0 : i32
        %get3A_1067 = arith.index_cast %get3A_1066 : i32 to index
        %get3A_1068 = arith.index_cast %add3A_964 : i32 to index
        %get3A_1069 = arith.constant 192 : index
        %get3A_1070 = tpu.vector_load %arg11[%get3A_1067, %get3A_1068, %get3A_1069] {strides = array<i32>} : memref<2x64x256xbf16, #tpu.memory_space<vmem>>, vector<32xbf16>,
        %get3A_1071 = arith.constant 0 : i32
        %get3A_1072 = arith.index_cast %get3A_1071 : i32 to index
        %get3A_1073 = arith.index_cast %add3A_964 : i32 to index
        %get3A_1074 = arith.constant 192 : index
        %get3A_1075 = tpu.vector_load %arg12[%get3A_1072, %get3A_1073, %get3A_1074] {strides = array<i32>} : memref<2x64x256xbf16, #tpu.memory_space<vmem>>, vector<32xbf16>,
        %sub3A_1076 = arith.subf %get3A_1070, %get3A_1075 : vector<32xbf16>
        %unpack3A_1077 = tpu.unpack_subelements %sub3A_1076, 0 {pack_format = #tpu.pack_format<interleaved>} : vector<32xbf16> -> vector<16xf32>
        %unpack3A_1078 = tpu.unpack_subelements %sub3A_1076, 1 {pack_format = #tpu.pack_format<interleaved>} : vector<32xbf16> -> vector<16xf32>
        %mul3A_1079 = arith.mulf %unpack3A_1077, %unpack3A_1077 : vector<16xf32>
        %add3A_1080 = arith.addf %add3A_1065, %mul3A_1079 : vector<16xf32>
        %mul3A_1081 = arith.mulf %unpack3A_1078, %unpack3A_1078 : vector<16xf32>
        %add3A_1082 = arith.addf %add3A_1080, %mul3A_1081 : vector<16xf32>
        %get3A_1083 = arith.constant 0 : i32
        %get3A_1084 = arith.index_cast %get3A_1083 : i32 to index
        %get3A_1085 = arith.index_cast %add3A_964 : i32 to index
        %get3A_1086 = arith.constant 224 : index
        %get3A_1087 = tpu.vector_load %arg11[%get3A_1084, %get3A_1085, %get3A_1086] {strides = array<i32>} : memref<2x64x256xbf16, #tpu.memory_space<vmem>>, vector<32xbf16>,
        %get3A_1088 = arith.constant 0 : i32
        %get3A_1089 = arith.index_cast %get3A_1088 : i32 to index
        %get3A_1090 = arith.index_cast %add3A_964 : i32 to index
        %get3A_1091 = arith.constant 224 : index
        %get3A_1092 = tpu.vector_load %arg12[%get3A_1089, %get3A_1090, %get3A_1091] {strides = array<i32>} : memref<2x64x256xbf16, #tpu.memory_space<vmem>>, vector<32xbf16>,
        %sub3A_1093 = arith.subf %get3A_1087, %get3A_1092 : vector<32xbf16>
        %unpack3A_1094 = tpu.unpack_subelements %sub3A_1093, 0 {pack_format = #tpu.pack_format<interleaved>} : vector<32xbf16> -> vector<16xf32>
        %unpack3A_1095 = tpu.unpack_subelements %sub3A_1093, 1 {pack_format = #tpu.pack_format<interleaved>} : vector<32xbf16> -> vector<16xf32>
        %mul3A_1096 = arith.mulf %unpack3A_1094, %unpack3A_1094 : vector<16xf32>
        %add3A_1097 = arith.addf %add3A_1082, %mul3A_1096 : vector<16xf32>
        %mul3A_1098 = arith.mulf %unpack3A_1095, %unpack3A_1095 : vector<16xf32>
        %add3A_1099 = arith.addf %add3A_1097, %mul3A_1098 : vector<16xf32>
        %mul3A_1100 = arith.constant 17 : i32
        %mul3A_1101 = arith.muli %add3A_962, %mul3A_1100 : i32
        %swap3A_1102 = arith.index_cast %mul3A_1101 : i32 to index
        %swap3A_1103 = tpu.vector_load %arg13[%swap3A_1102] {strides = array<i32>} : memref<272xf32, #tpu.memory_space<vmem>>, vector<16xf32>,
        tpu.vector_store %arg13[%swap3A_1102], %add3A_1099 {strides = array<i32>} : memref<272xf32, #tpu.memory_space<vmem>>, vector<16xf32>,
      }
      %scan3A_400 = arith.constant 16 : i32
      %gather3A_401 = tpu.vector_load_idx %arg13[%mul3A_10] : memref<272xf32, #tpu.memory_space<vmem>>[vector<16xi32>], vector<16xf32>,
      %add3A_402 = arith.constant 1 : i32
      %add3A_403 = vector.broadcast %add3A_402 : i32 to vector<16xi32>
      %add3A_404 = arith.addi %mul3A_10, %add3A_403 : vector<16xi32>
      %gather3A_405 = tpu.vector_load_idx %arg13[%add3A_404] : memref<272xf32, #tpu.memory_space<vmem>>[vector<16xi32>], vector<16xf32>,
      %add3A_406 = arith.addf %gather3A_401, %gather3A_405 : vector<16xf32>
      %add3A_407 = arith.constant 2 : i32
      %add3A_408 = vector.broadcast %add3A_407 : i32 to vector<16xi32>
      %add3A_409 = arith.addi %mul3A_10, %add3A_408 : vector<16xi32>
      %gather3A_410 = tpu.vector_load_idx %arg13[%add3A_409] : memref<272xf32, #tpu.memory_space<vmem>>[vector<16xi32>], vector<16xf32>,
      %add3A_411 = arith.addf %add3A_406, %gather3A_410 : vector<16xf32>
      %add3A_412 = arith.constant 3 : i32
      %add3A_413 = vector.broadcast %add3A_412 : i32 to vector<16xi32>
      %add3A_414 = arith.addi %mul3A_10, %add3A_413 : vector<16xi32>
      %gather3A_415 = tpu.vector_load_idx %arg13[%add3A_414] : memref<272xf32, #tpu.memory_space<vmem>>[vector<16xi32>], vector<16xf32>,
      %add3A_416 = arith.addf %add3A_411, %gather3A_415 : vector<16xf32>
      %add3A_417 = arith.constant 4 : i32
      %add3A_418 = vector.broadcast %add3A_417 : i32 to vector<16xi32>
      %add3A_419 = arith.addi %mul3A_10, %add3A_418 : vector<16xi32>
      %gather3A_420 = tpu.vector_load_idx %arg13[%add3A_419] : memref<272xf32, #tpu.memory_space<vmem>>[vector<16xi32>], vector<16xf32>,
      %add3A_421 = arith.addf %add3A_416, %gather3A_420 : vector<16xf32>
      %add3A_422 = arith.constant 5 : i32
      %add3A_423 = vector.broadcast %add3A_422 : i32 to vector<16xi32>
      %add3A_424 = arith.addi %mul3A_10, %add3A_423 : vector<16xi32>
      %gather3A_425 = tpu.vector_load_idx %arg13[%add3A_424] : memref<272xf32, #tpu.memory_space<vmem>>[vector<16xi32>], vector<16xf32>,
      %add3A_426 = arith.addf %add3A_421, %gather3A_425 : vector<16xf32>
      %add3A_427 = arith.constant 6 : i32
      %add3A_428 = vector.broadcast %add3A_427 : i32 to vector<16xi32>
      %add3A_429 = arith.addi %mul3A_10, %add3A_428 : vector<16xi32>
      %gather3A_430 = tpu.vector_load_idx %arg13[%add3A_429] : memref<272xf32, #tpu.memory_space<vmem>>[vector<16xi32>], vector<16xf32>,
      %add3A_431 = arith.addf %add3A_426, %gather3A_430 : vector<16xf32>
      %add3A_432 = arith.constant 7 : i32
      %add3A_433 = vector.broadcast %add3A_432 : i32 to vector<16xi32>
      %add3A_434 = arith.addi %mul3A_10, %add3A_433 : vector<16xi32>
      %gather3A_435 = tpu.vector_load_idx %arg13[%add3A_434] : memref<272xf32, #tpu.memory_space<vmem>>[vector<16xi32>], vector<16xf32>,
      %add3A_436 = arith.addf %add3A_431, %gather3A_435 : vector<16xf32>
      %add3A_437 = arith.constant 8 : i32
      %add3A_438 = vector.broadcast %add3A_437 : i32 to vector<16xi32>
      %add3A_439 = arith.addi %mul3A_10, %add3A_438 : vector<16xi32>
      %gather3A_440 = tpu.vector_load_idx %arg13[%add3A_439] : memref<272xf32, #tpu.memory_space<vmem>>[vector<16xi32>], vector<16xf32>,
      %add3A_441 = arith.addf %add3A_436, %gather3A_440 : vector<16xf32>
      %add3A_442 = arith.constant 9 : i32
      %add3A_443 = vector.broadcast %add3A_442 : i32 to vector<16xi32>
      %add3A_444 = arith.addi %mul3A_10, %add3A_443 : vector<16xi32>
      %gather3A_445 = tpu.vector_load_idx %arg13[%add3A_444] : memref<272xf32, #tpu.memory_space<vmem>>[vector<16xi32>], vector<16xf32>,
      %add3A_446 = arith.addf %add3A_441, %gather3A_445 : vector<16xf32>
      %add3A_447 = arith.constant 10 : i32
      %add3A_448 = vector.broadcast %add3A_447 : i32 to vector<16xi32>
      %add3A_449 = arith.addi %mul3A_10, %add3A_448 : vector<16xi32>
      %gather3A_450 = tpu.vector_load_idx %arg13[%add3A_449] : memref<272xf32, #tpu.memory_space<vmem>>[vector<16xi32>], vector<16xf32>,
      %add3A_451 = arith.addf %add3A_446, %gather3A_450 : vector<16xf32>
      %add3A_452 = arith.constant 11 : i32
      %add3A_453 = vector.broadcast %add3A_452 : i32 to vector<16xi32>
      %add3A_454 = arith.addi %mul3A_10, %add3A_453 : vector<16xi32>
      %gather3A_455 = tpu.vector_load_idx %arg13[%add3A_454] : memref<272xf32, #tpu.memory_space<vmem>>[vector<16xi32>], vector<16xf32>,
      %add3A_456 = arith.addf %add3A_451, %gather3A_455 : vector<16xf32>
      %add3A_457 = arith.constant 12 : i32
      %add3A_458 = vector.broadcast %add3A_457 : i32 to vector<16xi32>
      %add3A_459 = arith.addi %mul3A_10, %add3A_458 : vector<16xi32>
      %gather3A_460 = tpu.vector_load_idx %arg13[%add3A_459] : memref<272xf32, #tpu.memory_space<vmem>>[vector<16xi32>], vector<16xf32>,
      %add3A_461 = arith.addf %add3A_456, %gather3A_460 : vector<16xf32>
      %add3A_462 = arith.constant 13 : i32
      %add3A_463 = vector.broadcast %add3A_462 : i32 to vector<16xi32>
      %add3A_464 = arith.addi %mul3A_10, %add3A_463 : vector<16xi32>
      %gather3A_465 = tpu.vector_load_idx %arg13[%add3A_464] : memref<272xf32, #tpu.memory_space<vmem>>[vector<16xi32>], vector<16xf32>,
      %add3A_466 = arith.addf %add3A_461, %gather3A_465 : vector<16xf32>
      %add3A_467 = arith.constant 14 : i32
      %add3A_468 = vector.broadcast %add3A_467 : i32 to vector<16xi32>
      %add3A_469 = arith.addi %mul3A_10, %add3A_468 : vector<16xi32>
      %gather3A_470 = tpu.vector_load_idx %arg13[%add3A_469] : memref<272xf32, #tpu.memory_space<vmem>>[vector<16xi32>], vector<16xf32>,
      %add3A_471 = arith.addf %add3A_466, %gather3A_470 : vector<16xf32>
      %add3A_472 = arith.constant 15 : i32
      %add3A_473 = vector.broadcast %add3A_472 : i32 to vector<16xi32>
      %add3A_474 = arith.addi %mul3A_10, %add3A_473 : vector<16xi32>
      %gather3A_475 = tpu.vector_load_idx %arg13[%add3A_474] : memref<272xf32, #tpu.memory_space<vmem>>[vector<16xi32>], vector<16xf32>,
      %add3A_476 = arith.addf %add3A_471, %gather3A_475 : vector<16xf32>
      %mul3A_477 = arith.constant 64 : i32
      %mul3A_478 = arith.muli %add3A_51, %mul3A_477 : i32
      %add3A_479 = arith.constant 48 : i32
      %add3A_480 = arith.addi %mul3A_478, %add3A_479 : i32
      %get3A_481 = arith.index_cast %add3A_480 : i32 to index
      %get3A_482 = tpu.vector_load %arg9[%get3A_481] {strides = array<i32>} : memref<4096xf32, #tpu.memory_space<vmem>>, vector<16xf32>,
      %mul3A_483 = arith.constant 64 : i32
      %mul3A_484 = arith.muli %add3A_51, %mul3A_483 : i32
      %add3A_485 = arith.constant 48 : i32
      %add3A_486 = arith.addi %mul3A_484, %add3A_485 : i32
      %get3A_487 = arith.index_cast %add3A_486 : i32 to index
      %get3A_488 = tpu.vector_load %arg10[%get3A_487] {strides = array<i32>} : memref<4096xf32, #tpu.memory_space<vmem>>, vector<16xf32>,
      %mul3A_489 = arith.mulf %get3A_482, %add3A_476 : vector<16xf32>
      %add3A_490 = arith.addf %add3A_395, %mul3A_489 : vector<16xf32>
      %sub3A_491 = arith.constant 5.000000e+00 : f32
      %sub3A_492 = vector.broadcast %sub3A_491 : f32 to vector<16xf32>
      %sub3A_493 = arith.subf %sub3A_492, %add3A_476 : vector<16xf32>
      %max3A_494 = arith.constant 0.000000e+00 : f32
      %max3A_495 = vector.broadcast %max3A_494 : f32 to vector<16xf32>
      %max3A_496 = arith.maximumf %sub3A_493, %max3A_495 : vector<16xf32>
      %mul3A_497 = arith.mulf %get3A_488, %max3A_496 : vector<16xf32>
      %add3A_498 = arith.addf %add3A_490, %mul3A_497 : vector<16xf32>
      %mul3A_499 = arith.constant 2 : i32
      %mul3A_500 = arith.muli %mul3A_499, %add3A_47 : i32
      %add3A_501 = arith.constant 1 : i32
      %add3A_502 = arith.addi %mul3A_500, %add3A_501 : i32
      %add3A_503 = arith.constant 1 : i32
      %add3A_504 = arith.addi %add3A_502, %add3A_503 : i32
      %lt3A_505 = arith.constant 64 : i32
      %lt3A_506 = arith.cmpi slt, %add3A_504, %lt3A_505 : i32
      %convert_element_type3A_507 = arith.extui %lt3A_506 : i1 to i32
      %cond3A_508 = arith.constant 0 : i32
      %cond3A_509 = arith.cmpi ne, %convert_element_type3A_507, %cond3A_508 : i32
      scf.if %cond3A_509 {
        %add3A_958 = arith.constant 1 : i32
        %add3A_959 = arith.addi %add3A_502, %add3A_958 : i32
        %mul3A_960 = arith.constant 64 : i32
        %mul3A_961 = arith.muli %add3A_959, %mul3A_960 : i32
        %dma_start3A_962 = arith.constant 0 : i32
        %dma_start3A_963 = arith.constant 0 : i32
        %dma_start3A_964 = arith.constant 0 : i32
        %dma_start3A_965 = arith.constant 0 : i32
        %dma_start3A_966 = tpu.memref_slice %arg11[%dma_start3A_962, %dma_start3A_964, %dma_start3A_965] : memref<2x64x256xbf16, #tpu.memory_space<vmem>> -> memref<1x64x256xbf16, #tpu.memory_space<vmem>>
        %dma_start3A_967 = tpu.memref_squeeze %dma_start3A_966 : memref<1x64x256xbf16, #tpu.memory_space<vmem>> -> memref<64x256xbf16, #tpu.memory_space<vmem>>
        %dma_start3A_968 = tpu.memref_slice %arg7[%mul3A_961] : memref<4096xi32, #tpu.memory_space<vmem>> -> memref<64xi32, #tpu.memory_space<vmem>>
        %dma_start3A_969 = arith.constant 0 : i32
        %dma_start3A_970 = arith.constant 0 : i32
        %dma_start3A_971 = tpu.memref_slice %arg2[%dma_start3A_969, %dma_start3A_970] : memref<16384x256xbf16, #tpu.memory_space<hbm>> -> memref<16384x256xbf16, #tpu.memory_space<hbm>>
        %dma_start3A_972 = tpu.memref_slice %arg15[%dma_start3A_963] : memref<2x!tpu.dma_semaphore, #tpu.memory_space<semaphore_mem>> -> memref<1x!tpu.dma_semaphore, #tpu.memory_space<semaphore_mem>>
        %dma_start3A_973 = tpu.memref_squeeze %dma_start3A_972 : memref<1x!tpu.dma_semaphore, #tpu.memory_space<semaphore_mem>> -> memref<!tpu.dma_semaphore, #tpu.memory_space<semaphore_mem>>
        tpu.enqueue_indirect_dma source(%dma_start3A_971 : memref<16384x256xbf16, #tpu.memory_space<hbm>>) target(%dma_start3A_967 : memref<64x256xbf16, #tpu.memory_space<vmem>>) offsets(%dma_start3A_968 : memref<64xi32, #tpu.memory_space<vmem>>) semaphore(%dma_start3A_973 : memref<!tpu.dma_semaphore, #tpu.memory_space<semaphore_mem>>)
        %mul3A_974 = arith.constant 64 : i32
        %mul3A_975 = arith.muli %add3A_959, %mul3A_974 : i32
        %dma_start3A_976 = arith.constant 0 : i32
        %dma_start3A_977 = arith.constant 0 : i32
        %dma_start3A_978 = arith.constant 0 : i32
        %dma_start3A_979 = arith.constant 0 : i32
        %dma_start3A_980 = tpu.memref_slice %arg12[%dma_start3A_976, %dma_start3A_978, %dma_start3A_979] : memref<2x64x256xbf16, #tpu.memory_space<vmem>> -> memref<1x64x256xbf16, #tpu.memory_space<vmem>>
        %dma_start3A_981 = tpu.memref_squeeze %dma_start3A_980 : memref<1x64x256xbf16, #tpu.memory_space<vmem>> -> memref<64x256xbf16, #tpu.memory_space<vmem>>
        %dma_start3A_982 = tpu.memref_slice %arg8[%mul3A_975] : memref<4096xi32, #tpu.memory_space<vmem>> -> memref<64xi32, #tpu.memory_space<vmem>>
        %dma_start3A_983 = arith.constant 0 : i32
        %dma_start3A_984 = arith.constant 0 : i32
        %dma_start3A_985 = tpu.memref_slice %arg3[%dma_start3A_983, %dma_start3A_984] : memref<16384x256xbf16, #tpu.memory_space<hbm>> -> memref<16384x256xbf16, #tpu.memory_space<hbm>>
        %dma_start3A_986 = tpu.memref_slice %arg16[%dma_start3A_977] : memref<2x!tpu.dma_semaphore, #tpu.memory_space<semaphore_mem>> -> memref<1x!tpu.dma_semaphore, #tpu.memory_space<semaphore_mem>>
        %dma_start3A_987 = tpu.memref_squeeze %dma_start3A_986 : memref<1x!tpu.dma_semaphore, #tpu.memory_space<semaphore_mem>> -> memref<!tpu.dma_semaphore, #tpu.memory_space<semaphore_mem>>
        tpu.enqueue_indirect_dma source(%dma_start3A_985 : memref<16384x256xbf16, #tpu.memory_space<hbm>>) target(%dma_start3A_981 : memref<64x256xbf16, #tpu.memory_space<vmem>>) offsets(%dma_start3A_982 : memref<64xi32, #tpu.memory_space<vmem>>) semaphore(%dma_start3A_987 : memref<!tpu.dma_semaphore, #tpu.memory_space<semaphore_mem>>)
      } else {
      }
      %dma_wait3A_510 = arith.constant 1 : i32
      %dma_wait3A_511 = arith.constant 1 : i32
      %dma_wait3A_512 = arith.constant 0 : i32
      %dma_wait3A_513 = arith.constant 0 : i32
      %dma_wait3A_514 = tpu.memref_slice %arg11[%dma_wait3A_510, %dma_wait3A_512, %dma_wait3A_513] : memref<2x64x256xbf16, #tpu.memory_space<vmem>> -> memref<1x64x256xbf16, #tpu.memory_space<vmem>>
      %dma_wait3A_515 = tpu.memref_squeeze %dma_wait3A_514 : memref<1x64x256xbf16, #tpu.memory_space<vmem>> -> memref<64x256xbf16, #tpu.memory_space<vmem>>
      %dma_wait3A_516 = arith.constant 0 : i32
      %dma_wait3A_517 = arith.constant 0 : i32
      %dma_wait3A_518 = tpu.memref_slice %arg2[%dma_wait3A_516, %dma_wait3A_517] : memref<16384x256xbf16, #tpu.memory_space<hbm>> -> memref<64x256xbf16, #tpu.memory_space<hbm>>
      %dma_wait3A_519 = tpu.memref_slice %arg15[%dma_wait3A_511] : memref<2x!tpu.dma_semaphore, #tpu.memory_space<semaphore_mem>> -> memref<1x!tpu.dma_semaphore, #tpu.memory_space<semaphore_mem>>
      %dma_wait3A_520 = tpu.memref_squeeze %dma_wait3A_519 : memref<1x!tpu.dma_semaphore, #tpu.memory_space<semaphore_mem>> -> memref<!tpu.dma_semaphore, #tpu.memory_space<semaphore_mem>>
      %dma_wait3A_521 = arith.constant 0 : i32
      %dma_wait3A_522 = arith.constant 0 : i32
      %dma_wait3A_523 = tpu.memref_slice %arg11[%dma_wait3A_510, %dma_wait3A_521, %dma_wait3A_522] : memref<2x64x256xbf16, #tpu.memory_space<vmem>> -> memref<1x64x256xbf16, #tpu.memory_space<vmem>>
      %dma_wait3A_524 = tpu.memref_squeeze %dma_wait3A_523 : memref<1x64x256xbf16, #tpu.memory_space<vmem>> -> memref<64x256xbf16, #tpu.memory_space<vmem>>
      %dma_wait3A_525 = arith.constant 0 : i32
      %dma_wait3A_526 = arith.constant 0 : i32
      %dma_wait3A_527 = tpu.memref_slice %arg2[%dma_wait3A_525, %dma_wait3A_526] : memref<16384x256xbf16, #tpu.memory_space<hbm>> -> memref<64x256xbf16, #tpu.memory_space<hbm>>
      tpu.wait_dma2 semaphore(%dma_wait3A_520 : memref<!tpu.dma_semaphore, #tpu.memory_space<semaphore_mem>>) src(%dma_wait3A_527 : memref<64x256xbf16, #tpu.memory_space<hbm>>) dst(%dma_wait3A_524 : memref<64x256xbf16, #tpu.memory_space<vmem>>)
      %dma_wait3A_528 = arith.constant 1 : i32
      %dma_wait3A_529 = arith.constant 1 : i32
      %dma_wait3A_530 = arith.constant 0 : i32
      %dma_wait3A_531 = arith.constant 0 : i32
      %dma_wait3A_532 = tpu.memref_slice %arg12[%dma_wait3A_528, %dma_wait3A_530, %dma_wait3A_531] : memref<2x64x256xbf16, #tpu.memory_space<vmem>> -> memref<1x64x256xbf16, #tpu.memory_space<vmem>>
      %dma_wait3A_533 = tpu.memref_squeeze %dma_wait3A_532 : memref<1x64x256xbf16, #tpu.memory_space<vmem>> -> memref<64x256xbf16, #tpu.memory_space<vmem>>
      %dma_wait3A_534 = arith.constant 0 : i32
      %dma_wait3A_535 = arith.constant 0 : i32
      %dma_wait3A_536 = tpu.memref_slice %arg3[%dma_wait3A_534, %dma_wait3A_535] : memref<16384x256xbf16, #tpu.memory_space<hbm>> -> memref<64x256xbf16, #tpu.memory_space<hbm>>
      %dma_wait3A_537 = tpu.memref_slice %arg16[%dma_wait3A_529] : memref<2x!tpu.dma_semaphore, #tpu.memory_space<semaphore_mem>> -> memref<1x!tpu.dma_semaphore, #tpu.memory_space<semaphore_mem>>
      %dma_wait3A_538 = tpu.memref_squeeze %dma_wait3A_537 : memref<1x!tpu.dma_semaphore, #tpu.memory_space<semaphore_mem>> -> memref<!tpu.dma_semaphore, #tpu.memory_space<semaphore_mem>>
      %dma_wait3A_539 = arith.constant 0 : i32
      %dma_wait3A_540 = arith.constant 0 : i32
      %dma_wait3A_541 = tpu.memref_slice %arg12[%dma_wait3A_528, %dma_wait3A_539, %dma_wait3A_540] : memref<2x64x256xbf16, #tpu.memory_space<vmem>> -> memref<1x64x256xbf16, #tpu.memory_space<vmem>>
      %dma_wait3A_542 = tpu.memref_squeeze %dma_wait3A_541 : memref<1x64x256xbf16, #tpu.memory_space<vmem>> -> memref<64x256xbf16, #tpu.memory_space<vmem>>
      %dma_wait3A_543 = arith.constant 0 : i32
      %dma_wait3A_544 = arith.constant 0 : i32
      %dma_wait3A_545 = tpu.memref_slice %arg3[%dma_wait3A_543, %dma_wait3A_544] : memref<16384x256xbf16, #tpu.memory_space<hbm>> -> memref<64x256xbf16, #tpu.memory_space<hbm>>
      tpu.wait_dma2 semaphore(%dma_wait3A_538 : memref<!tpu.dma_semaphore, #tpu.memory_space<semaphore_mem>>) src(%dma_wait3A_545 : memref<64x256xbf16, #tpu.memory_space<hbm>>) dst(%dma_wait3A_542 : memref<64x256xbf16, #tpu.memory_space<vmem>>)
      %scan3A_546 = arith.constant 0 : i32
      %scan3A_547 = arith.constant 16 : i32
      %scan3A_548 = arith.addi %scan3A_546, %scan3A_547 : i32
      %scan3A_549 = arith.constant 1 : i32
      scf.for %scan3A_958 = %scan3A_546 to %scan3A_548 step %scan3A_549  : i32 {
        %mul3A_959 = arith.constant 1 : i32
        %mul3A_960 = arith.muli %scan3A_958, %mul3A_959 : i32
        %add3A_961 = arith.constant 0 : i32
        %add3A_962 = arith.addi %add3A_961, %mul3A_960 : i32
        %add3A_963 = arith.constant 0 : i32
        %add3A_964 = arith.addi %add3A_963, %add3A_962 : i32
        %get3A_965 = arith.constant 1 : i32
        %get3A_966 = arith.index_cast %get3A_965 : i32 to index
        %get3A_967 = arith.index_cast %add3A_964 : i32 to index
        %get3A_968 = arith.constant 0 : index
        %get3A_969 = tpu.vector_load %arg11[%get3A_966, %get3A_967, %get3A_968] {strides = array<i32>} : memref<2x64x256xbf16, #tpu.memory_space<vmem>>, vector<32xbf16>,
        %get3A_970 = arith.constant 1 : i32
        %get3A_971 = arith.index_cast %get3A_970 : i32 to index
        %get3A_972 = arith.index_cast %add3A_964 : i32 to index
        %get3A_973 = arith.constant 0 : index
        %get3A_974 = tpu.vector_load %arg12[%get3A_971, %get3A_972, %get3A_973] {strides = array<i32>} : memref<2x64x256xbf16, #tpu.memory_space<vmem>>, vector<32xbf16>,
        %sub3A_975 = arith.subf %get3A_969, %get3A_974 : vector<32xbf16>
        %unpack3A = tpu.unpack_subelements %sub3A_975, 0 {pack_format = #tpu.pack_format<interleaved>} : vector<32xbf16> -> vector<16xf32>
        %unpack3A_976 = tpu.unpack_subelements %sub3A_975, 1 {pack_format = #tpu.pack_format<interleaved>} : vector<32xbf16> -> vector<16xf32>
        %mul3A_977 = arith.mulf %unpack3A, %unpack3A : vector<16xf32>
        %add3A_978 = arith.addf %broadcast_in_dim3A_3, %mul3A_977 : vector<16xf32>
        %mul3A_979 = arith.mulf %unpack3A_976, %unpack3A_976 : vector<16xf32>
        %add3A_980 = arith.addf %add3A_978, %mul3A_979 : vector<16xf32>
        %get3A_981 = arith.constant 1 : i32
        %get3A_982 = arith.index_cast %get3A_981 : i32 to index
        %get3A_983 = arith.index_cast %add3A_964 : i32 to index
        %get3A_984 = arith.constant 32 : index
        %get3A_985 = tpu.vector_load %arg11[%get3A_982, %get3A_983, %get3A_984] {strides = array<i32>} : memref<2x64x256xbf16, #tpu.memory_space<vmem>>, vector<32xbf16>,
        %get3A_986 = arith.constant 1 : i32
        %get3A_987 = arith.index_cast %get3A_986 : i32 to index
        %get3A_988 = arith.index_cast %add3A_964 : i32 to index
        %get3A_989 = arith.constant 32 : index
        %get3A_990 = tpu.vector_load %arg12[%get3A_987, %get3A_988, %get3A_989] {strides = array<i32>} : memref<2x64x256xbf16, #tpu.memory_space<vmem>>, vector<32xbf16>,
        %sub3A_991 = arith.subf %get3A_985, %get3A_990 : vector<32xbf16>
        %unpack3A_992 = tpu.unpack_subelements %sub3A_991, 0 {pack_format = #tpu.pack_format<interleaved>} : vector<32xbf16> -> vector<16xf32>
        %unpack3A_993 = tpu.unpack_subelements %sub3A_991, 1 {pack_format = #tpu.pack_format<interleaved>} : vector<32xbf16> -> vector<16xf32>
        %mul3A_994 = arith.mulf %unpack3A_992, %unpack3A_992 : vector<16xf32>
        %add3A_995 = arith.addf %add3A_980, %mul3A_994 : vector<16xf32>
        %mul3A_996 = arith.mulf %unpack3A_993, %unpack3A_993 : vector<16xf32>
        %add3A_997 = arith.addf %add3A_995, %mul3A_996 : vector<16xf32>
        %get3A_998 = arith.constant 1 : i32
        %get3A_999 = arith.index_cast %get3A_998 : i32 to index
        %get3A_1000 = arith.index_cast %add3A_964 : i32 to index
        %get3A_1001 = arith.constant 64 : index
        %get3A_1002 = tpu.vector_load %arg11[%get3A_999, %get3A_1000, %get3A_1001] {strides = array<i32>} : memref<2x64x256xbf16, #tpu.memory_space<vmem>>, vector<32xbf16>,
        %get3A_1003 = arith.constant 1 : i32
        %get3A_1004 = arith.index_cast %get3A_1003 : i32 to index
        %get3A_1005 = arith.index_cast %add3A_964 : i32 to index
        %get3A_1006 = arith.constant 64 : index
        %get3A_1007 = tpu.vector_load %arg12[%get3A_1004, %get3A_1005, %get3A_1006] {strides = array<i32>} : memref<2x64x256xbf16, #tpu.memory_space<vmem>>, vector<32xbf16>,
        %sub3A_1008 = arith.subf %get3A_1002, %get3A_1007 : vector<32xbf16>
        %unpack3A_1009 = tpu.unpack_subelements %sub3A_1008, 0 {pack_format = #tpu.pack_format<interleaved>} : vector<32xbf16> -> vector<16xf32>
        %unpack3A_1010 = tpu.unpack_subelements %sub3A_1008, 1 {pack_format = #tpu.pack_format<interleaved>} : vector<32xbf16> -> vector<16xf32>
        %mul3A_1011 = arith.mulf %unpack3A_1009, %unpack3A_1009 : vector<16xf32>
        %add3A_1012 = arith.addf %add3A_997, %mul3A_1011 : vector<16xf32>
        %mul3A_1013 = arith.mulf %unpack3A_1010, %unpack3A_1010 : vector<16xf32>
        %add3A_1014 = arith.addf %add3A_1012, %mul3A_1013 : vector<16xf32>
        %get3A_1015 = arith.constant 1 : i32
        %get3A_1016 = arith.index_cast %get3A_1015 : i32 to index
        %get3A_1017 = arith.index_cast %add3A_964 : i32 to index
        %get3A_1018 = arith.constant 96 : index
        %get3A_1019 = tpu.vector_load %arg11[%get3A_1016, %get3A_1017, %get3A_1018] {strides = array<i32>} : memref<2x64x256xbf16, #tpu.memory_space<vmem>>, vector<32xbf16>,
        %get3A_1020 = arith.constant 1 : i32
        %get3A_1021 = arith.index_cast %get3A_1020 : i32 to index
        %get3A_1022 = arith.index_cast %add3A_964 : i32 to index
        %get3A_1023 = arith.constant 96 : index
        %get3A_1024 = tpu.vector_load %arg12[%get3A_1021, %get3A_1022, %get3A_1023] {strides = array<i32>} : memref<2x64x256xbf16, #tpu.memory_space<vmem>>, vector<32xbf16>,
        %sub3A_1025 = arith.subf %get3A_1019, %get3A_1024 : vector<32xbf16>
        %unpack3A_1026 = tpu.unpack_subelements %sub3A_1025, 0 {pack_format = #tpu.pack_format<interleaved>} : vector<32xbf16> -> vector<16xf32>
        %unpack3A_1027 = tpu.unpack_subelements %sub3A_1025, 1 {pack_format = #tpu.pack_format<interleaved>} : vector<32xbf16> -> vector<16xf32>
        %mul3A_1028 = arith.mulf %unpack3A_1026, %unpack3A_1026 : vector<16xf32>
        %add3A_1029 = arith.addf %add3A_1014, %mul3A_1028 : vector<16xf32>
        %mul3A_1030 = arith.mulf %unpack3A_1027, %unpack3A_1027 : vector<16xf32>
        %add3A_1031 = arith.addf %add3A_1029, %mul3A_1030 : vector<16xf32>
        %get3A_1032 = arith.constant 1 : i32
        %get3A_1033 = arith.index_cast %get3A_1032 : i32 to index
        %get3A_1034 = arith.index_cast %add3A_964 : i32 to index
        %get3A_1035 = arith.constant 128 : index
        %get3A_1036 = tpu.vector_load %arg11[%get3A_1033, %get3A_1034, %get3A_1035] {strides = array<i32>} : memref<2x64x256xbf16, #tpu.memory_space<vmem>>, vector<32xbf16>,
        %get3A_1037 = arith.constant 1 : i32
        %get3A_1038 = arith.index_cast %get3A_1037 : i32 to index
        %get3A_1039 = arith.index_cast %add3A_964 : i32 to index
        %get3A_1040 = arith.constant 128 : index
        %get3A_1041 = tpu.vector_load %arg12[%get3A_1038, %get3A_1039, %get3A_1040] {strides = array<i32>} : memref<2x64x256xbf16, #tpu.memory_space<vmem>>, vector<32xbf16>,
        %sub3A_1042 = arith.subf %get3A_1036, %get3A_1041 : vector<32xbf16>
        %unpack3A_1043 = tpu.unpack_subelements %sub3A_1042, 0 {pack_format = #tpu.pack_format<interleaved>} : vector<32xbf16> -> vector<16xf32>
        %unpack3A_1044 = tpu.unpack_subelements %sub3A_1042, 1 {pack_format = #tpu.pack_format<interleaved>} : vector<32xbf16> -> vector<16xf32>
        %mul3A_1045 = arith.mulf %unpack3A_1043, %unpack3A_1043 : vector<16xf32>
        %add3A_1046 = arith.addf %add3A_1031, %mul3A_1045 : vector<16xf32>
        %mul3A_1047 = arith.mulf %unpack3A_1044, %unpack3A_1044 : vector<16xf32>
        %add3A_1048 = arith.addf %add3A_1046, %mul3A_1047 : vector<16xf32>
        %get3A_1049 = arith.constant 1 : i32
        %get3A_1050 = arith.index_cast %get3A_1049 : i32 to index
        %get3A_1051 = arith.index_cast %add3A_964 : i32 to index
        %get3A_1052 = arith.constant 160 : index
        %get3A_1053 = tpu.vector_load %arg11[%get3A_1050, %get3A_1051, %get3A_1052] {strides = array<i32>} : memref<2x64x256xbf16, #tpu.memory_space<vmem>>, vector<32xbf16>,
        %get3A_1054 = arith.constant 1 : i32
        %get3A_1055 = arith.index_cast %get3A_1054 : i32 to index
        %get3A_1056 = arith.index_cast %add3A_964 : i32 to index
        %get3A_1057 = arith.constant 160 : index
        %get3A_1058 = tpu.vector_load %arg12[%get3A_1055, %get3A_1056, %get3A_1057] {strides = array<i32>} : memref<2x64x256xbf16, #tpu.memory_space<vmem>>, vector<32xbf16>,
        %sub3A_1059 = arith.subf %get3A_1053, %get3A_1058 : vector<32xbf16>
        %unpack3A_1060 = tpu.unpack_subelements %sub3A_1059, 0 {pack_format = #tpu.pack_format<interleaved>} : vector<32xbf16> -> vector<16xf32>
        %unpack3A_1061 = tpu.unpack_subelements %sub3A_1059, 1 {pack_format = #tpu.pack_format<interleaved>} : vector<32xbf16> -> vector<16xf32>
        %mul3A_1062 = arith.mulf %unpack3A_1060, %unpack3A_1060 : vector<16xf32>
        %add3A_1063 = arith.addf %add3A_1048, %mul3A_1062 : vector<16xf32>
        %mul3A_1064 = arith.mulf %unpack3A_1061, %unpack3A_1061 : vector<16xf32>
        %add3A_1065 = arith.addf %add3A_1063, %mul3A_1064 : vector<16xf32>
        %get3A_1066 = arith.constant 1 : i32
        %get3A_1067 = arith.index_cast %get3A_1066 : i32 to index
        %get3A_1068 = arith.index_cast %add3A_964 : i32 to index
        %get3A_1069 = arith.constant 192 : index
        %get3A_1070 = tpu.vector_load %arg11[%get3A_1067, %get3A_1068, %get3A_1069] {strides = array<i32>} : memref<2x64x256xbf16, #tpu.memory_space<vmem>>, vector<32xbf16>,
        %get3A_1071 = arith.constant 1 : i32
        %get3A_1072 = arith.index_cast %get3A_1071 : i32 to index
        %get3A_1073 = arith.index_cast %add3A_964 : i32 to index
        %get3A_1074 = arith.constant 192 : index
        %get3A_1075 = tpu.vector_load %arg12[%get3A_1072, %get3A_1073, %get3A_1074] {strides = array<i32>} : memref<2x64x256xbf16, #tpu.memory_space<vmem>>, vector<32xbf16>,
        %sub3A_1076 = arith.subf %get3A_1070, %get3A_1075 : vector<32xbf16>
        %unpack3A_1077 = tpu.unpack_subelements %sub3A_1076, 0 {pack_format = #tpu.pack_format<interleaved>} : vector<32xbf16> -> vector<16xf32>
        %unpack3A_1078 = tpu.unpack_subelements %sub3A_1076, 1 {pack_format = #tpu.pack_format<interleaved>} : vector<32xbf16> -> vector<16xf32>
        %mul3A_1079 = arith.mulf %unpack3A_1077, %unpack3A_1077 : vector<16xf32>
        %add3A_1080 = arith.addf %add3A_1065, %mul3A_1079 : vector<16xf32>
        %mul3A_1081 = arith.mulf %unpack3A_1078, %unpack3A_1078 : vector<16xf32>
        %add3A_1082 = arith.addf %add3A_1080, %mul3A_1081 : vector<16xf32>
        %get3A_1083 = arith.constant 1 : i32
        %get3A_1084 = arith.index_cast %get3A_1083 : i32 to index
        %get3A_1085 = arith.index_cast %add3A_964 : i32 to index
        %get3A_1086 = arith.constant 224 : index
        %get3A_1087 = tpu.vector_load %arg11[%get3A_1084, %get3A_1085, %get3A_1086] {strides = array<i32>} : memref<2x64x256xbf16, #tpu.memory_space<vmem>>, vector<32xbf16>,
        %get3A_1088 = arith.constant 1 : i32
        %get3A_1089 = arith.index_cast %get3A_1088 : i32 to index
        %get3A_1090 = arith.index_cast %add3A_964 : i32 to index
        %get3A_1091 = arith.constant 224 : index
        %get3A_1092 = tpu.vector_load %arg12[%get3A_1089, %get3A_1090, %get3A_1091] {strides = array<i32>} : memref<2x64x256xbf16, #tpu.memory_space<vmem>>, vector<32xbf16>,
        %sub3A_1093 = arith.subf %get3A_1087, %get3A_1092 : vector<32xbf16>
        %unpack3A_1094 = tpu.unpack_subelements %sub3A_1093, 0 {pack_format = #tpu.pack_format<interleaved>} : vector<32xbf16> -> vector<16xf32>
        %unpack3A_1095 = tpu.unpack_subelements %sub3A_1093, 1 {pack_format = #tpu.pack_format<interleaved>} : vector<32xbf16> -> vector<16xf32>
        %mul3A_1096 = arith.mulf %unpack3A_1094, %unpack3A_1094 : vector<16xf32>
        %add3A_1097 = arith.addf %add3A_1082, %mul3A_1096 : vector<16xf32>
        %mul3A_1098 = arith.mulf %unpack3A_1095, %unpack3A_1095 : vector<16xf32>
        %add3A_1099 = arith.addf %add3A_1097, %mul3A_1098 : vector<16xf32>
        %mul3A_1100 = arith.constant 17 : i32
        %mul3A_1101 = arith.muli %add3A_962, %mul3A_1100 : i32
        %swap3A_1102 = arith.index_cast %mul3A_1101 : i32 to index
        %swap3A_1103 = tpu.vector_load %arg13[%swap3A_1102] {strides = array<i32>} : memref<272xf32, #tpu.memory_space<vmem>>, vector<16xf32>,
        tpu.vector_store %arg13[%swap3A_1102], %add3A_1099 {strides = array<i32>} : memref<272xf32, #tpu.memory_space<vmem>>, vector<16xf32>,
      }
      %scan3A_550 = arith.constant 16 : i32
      %gather3A_551 = tpu.vector_load_idx %arg13[%mul3A_10] : memref<272xf32, #tpu.memory_space<vmem>>[vector<16xi32>], vector<16xf32>,
      %add3A_552 = arith.constant 1 : i32
      %add3A_553 = vector.broadcast %add3A_552 : i32 to vector<16xi32>
      %add3A_554 = arith.addi %mul3A_10, %add3A_553 : vector<16xi32>
      %gather3A_555 = tpu.vector_load_idx %arg13[%add3A_554] : memref<272xf32, #tpu.memory_space<vmem>>[vector<16xi32>], vector<16xf32>,
      %add3A_556 = arith.addf %gather3A_551, %gather3A_555 : vector<16xf32>
      %add3A_557 = arith.constant 2 : i32
      %add3A_558 = vector.broadcast %add3A_557 : i32 to vector<16xi32>
      %add3A_559 = arith.addi %mul3A_10, %add3A_558 : vector<16xi32>
      %gather3A_560 = tpu.vector_load_idx %arg13[%add3A_559] : memref<272xf32, #tpu.memory_space<vmem>>[vector<16xi32>], vector<16xf32>,
      %add3A_561 = arith.addf %add3A_556, %gather3A_560 : vector<16xf32>
      %add3A_562 = arith.constant 3 : i32
      %add3A_563 = vector.broadcast %add3A_562 : i32 to vector<16xi32>
      %add3A_564 = arith.addi %mul3A_10, %add3A_563 : vector<16xi32>
      %gather3A_565 = tpu.vector_load_idx %arg13[%add3A_564] : memref<272xf32, #tpu.memory_space<vmem>>[vector<16xi32>], vector<16xf32>,
      %add3A_566 = arith.addf %add3A_561, %gather3A_565 : vector<16xf32>
      %add3A_567 = arith.constant 4 : i32
      %add3A_568 = vector.broadcast %add3A_567 : i32 to vector<16xi32>
      %add3A_569 = arith.addi %mul3A_10, %add3A_568 : vector<16xi32>
      %gather3A_570 = tpu.vector_load_idx %arg13[%add3A_569] : memref<272xf32, #tpu.memory_space<vmem>>[vector<16xi32>], vector<16xf32>,
      %add3A_571 = arith.addf %add3A_566, %gather3A_570 : vector<16xf32>
      %add3A_572 = arith.constant 5 : i32
      %add3A_573 = vector.broadcast %add3A_572 : i32 to vector<16xi32>
      %add3A_574 = arith.addi %mul3A_10, %add3A_573 : vector<16xi32>
      %gather3A_575 = tpu.vector_load_idx %arg13[%add3A_574] : memref<272xf32, #tpu.memory_space<vmem>>[vector<16xi32>], vector<16xf32>,
      %add3A_576 = arith.addf %add3A_571, %gather3A_575 : vector<16xf32>
      %add3A_577 = arith.constant 6 : i32
      %add3A_578 = vector.broadcast %add3A_577 : i32 to vector<16xi32>
      %add3A_579 = arith.addi %mul3A_10, %add3A_578 : vector<16xi32>
      %gather3A_580 = tpu.vector_load_idx %arg13[%add3A_579] : memref<272xf32, #tpu.memory_space<vmem>>[vector<16xi32>], vector<16xf32>,
      %add3A_581 = arith.addf %add3A_576, %gather3A_580 : vector<16xf32>
      %add3A_582 = arith.constant 7 : i32
      %add3A_583 = vector.broadcast %add3A_582 : i32 to vector<16xi32>
      %add3A_584 = arith.addi %mul3A_10, %add3A_583 : vector<16xi32>
      %gather3A_585 = tpu.vector_load_idx %arg13[%add3A_584] : memref<272xf32, #tpu.memory_space<vmem>>[vector<16xi32>], vector<16xf32>,
      %add3A_586 = arith.addf %add3A_581, %gather3A_585 : vector<16xf32>
      %add3A_587 = arith.constant 8 : i32
      %add3A_588 = vector.broadcast %add3A_587 : i32 to vector<16xi32>
      %add3A_589 = arith.addi %mul3A_10, %add3A_588 : vector<16xi32>
      %gather3A_590 = tpu.vector_load_idx %arg13[%add3A_589] : memref<272xf32, #tpu.memory_space<vmem>>[vector<16xi32>], vector<16xf32>,
      %add3A_591 = arith.addf %add3A_586, %gather3A_590 : vector<16xf32>
      %add3A_592 = arith.constant 9 : i32
      %add3A_593 = vector.broadcast %add3A_592 : i32 to vector<16xi32>
      %add3A_594 = arith.addi %mul3A_10, %add3A_593 : vector<16xi32>
      %gather3A_595 = tpu.vector_load_idx %arg13[%add3A_594] : memref<272xf32, #tpu.memory_space<vmem>>[vector<16xi32>], vector<16xf32>,
      %add3A_596 = arith.addf %add3A_591, %gather3A_595 : vector<16xf32>
      %add3A_597 = arith.constant 10 : i32
      %add3A_598 = vector.broadcast %add3A_597 : i32 to vector<16xi32>
      %add3A_599 = arith.addi %mul3A_10, %add3A_598 : vector<16xi32>
      %gather3A_600 = tpu.vector_load_idx %arg13[%add3A_599] : memref<272xf32, #tpu.memory_space<vmem>>[vector<16xi32>], vector<16xf32>,
      %add3A_601 = arith.addf %add3A_596, %gather3A_600 : vector<16xf32>
      %add3A_602 = arith.constant 11 : i32
      %add3A_603 = vector.broadcast %add3A_602 : i32 to vector<16xi32>
      %add3A_604 = arith.addi %mul3A_10, %add3A_603 : vector<16xi32>
      %gather3A_605 = tpu.vector_load_idx %arg13[%add3A_604] : memref<272xf32, #tpu.memory_space<vmem>>[vector<16xi32>], vector<16xf32>,
      %add3A_606 = arith.addf %add3A_601, %gather3A_605 : vector<16xf32>
      %add3A_607 = arith.constant 12 : i32
      %add3A_608 = vector.broadcast %add3A_607 : i32 to vector<16xi32>
      %add3A_609 = arith.addi %mul3A_10, %add3A_608 : vector<16xi32>
      %gather3A_610 = tpu.vector_load_idx %arg13[%add3A_609] : memref<272xf32, #tpu.memory_space<vmem>>[vector<16xi32>], vector<16xf32>,
      %add3A_611 = arith.addf %add3A_606, %gather3A_610 : vector<16xf32>
      %add3A_612 = arith.constant 13 : i32
      %add3A_613 = vector.broadcast %add3A_612 : i32 to vector<16xi32>
      %add3A_614 = arith.addi %mul3A_10, %add3A_613 : vector<16xi32>
      %gather3A_615 = tpu.vector_load_idx %arg13[%add3A_614] : memref<272xf32, #tpu.memory_space<vmem>>[vector<16xi32>], vector<16xf32>,
      %add3A_616 = arith.addf %add3A_611, %gather3A_615 : vector<16xf32>
      %add3A_617 = arith.constant 14 : i32
      %add3A_618 = vector.broadcast %add3A_617 : i32 to vector<16xi32>
      %add3A_619 = arith.addi %mul3A_10, %add3A_618 : vector<16xi32>
      %gather3A_620 = tpu.vector_load_idx %arg13[%add3A_619] : memref<272xf32, #tpu.memory_space<vmem>>[vector<16xi32>], vector<16xf32>,
      %add3A_621 = arith.addf %add3A_616, %gather3A_620 : vector<16xf32>
      %add3A_622 = arith.constant 15 : i32
      %add3A_623 = vector.broadcast %add3A_622 : i32 to vector<16xi32>
      %add3A_624 = arith.addi %mul3A_10, %add3A_623 : vector<16xi32>
      %gather3A_625 = tpu.vector_load_idx %arg13[%add3A_624] : memref<272xf32, #tpu.memory_space<vmem>>[vector<16xi32>], vector<16xf32>,
      %add3A_626 = arith.addf %add3A_621, %gather3A_625 : vector<16xf32>
      %mul3A_627 = arith.constant 64 : i32
      %mul3A_628 = arith.muli %add3A_502, %mul3A_627 : i32
      %add3A_629 = arith.constant 0 : i32
      %add3A_630 = arith.addi %mul3A_628, %add3A_629 : i32
      %get3A_631 = arith.index_cast %add3A_630 : i32 to index
      %get3A_632 = tpu.vector_load %arg9[%get3A_631] {strides = array<i32>} : memref<4096xf32, #tpu.memory_space<vmem>>, vector<16xf32>,
      %mul3A_633 = arith.constant 64 : i32
      %mul3A_634 = arith.muli %add3A_502, %mul3A_633 : i32
      %add3A_635 = arith.constant 0 : i32
      %add3A_636 = arith.addi %mul3A_634, %add3A_635 : i32
      %get3A_637 = arith.index_cast %add3A_636 : i32 to index
      %get3A_638 = tpu.vector_load %arg10[%get3A_637] {strides = array<i32>} : memref<4096xf32, #tpu.memory_space<vmem>>, vector<16xf32>,
      %mul3A_639 = arith.mulf %get3A_632, %add3A_626 : vector<16xf32>
      %add3A_640 = arith.addf %add3A_498, %mul3A_639 : vector<16xf32>
      %sub3A_641 = arith.constant 5.000000e+00 : f32
      %sub3A_642 = vector.broadcast %sub3A_641 : f32 to vector<16xf32>
      %sub3A_643 = arith.subf %sub3A_642, %add3A_626 : vector<16xf32>
      %max3A_644 = arith.constant 0.000000e+00 : f32
      %max3A_645 = vector.broadcast %max3A_644 : f32 to vector<16xf32>
      %max3A_646 = arith.maximumf %sub3A_643, %max3A_645 : vector<16xf32>
      %mul3A_647 = arith.mulf %get3A_638, %max3A_646 : vector<16xf32>
      %add3A_648 = arith.addf %add3A_640, %mul3A_647 : vector<16xf32>
      %scan3A_649 = arith.constant 0 : i32
      %scan3A_650 = arith.constant 16 : i32
      %scan3A_651 = arith.addi %scan3A_649, %scan3A_650 : i32
      %scan3A_652 = arith.constant 1 : i32
      scf.for %scan3A_958 = %scan3A_649 to %scan3A_651 step %scan3A_652  : i32 {
        %mul3A_959 = arith.constant 1 : i32
        %mul3A_960 = arith.muli %scan3A_958, %mul3A_959 : i32
        %add3A_961 = arith.constant 0 : i32
        %add3A_962 = arith.addi %add3A_961, %mul3A_960 : i32
        %add3A_963 = arith.constant 16 : i32
        %add3A_964 = arith.addi %add3A_963, %add3A_962 : i32
        %get3A_965 = arith.constant 1 : i32
        %get3A_966 = arith.index_cast %get3A_965 : i32 to index
        %get3A_967 = arith.index_cast %add3A_964 : i32 to index
        %get3A_968 = arith.constant 0 : index
        %get3A_969 = tpu.vector_load %arg11[%get3A_966, %get3A_967, %get3A_968] {strides = array<i32>} : memref<2x64x256xbf16, #tpu.memory_space<vmem>>, vector<32xbf16>,
        %get3A_970 = arith.constant 1 : i32
        %get3A_971 = arith.index_cast %get3A_970 : i32 to index
        %get3A_972 = arith.index_cast %add3A_964 : i32 to index
        %get3A_973 = arith.constant 0 : index
        %get3A_974 = tpu.vector_load %arg12[%get3A_971, %get3A_972, %get3A_973] {strides = array<i32>} : memref<2x64x256xbf16, #tpu.memory_space<vmem>>, vector<32xbf16>,
        %sub3A_975 = arith.subf %get3A_969, %get3A_974 : vector<32xbf16>
        %unpack3A = tpu.unpack_subelements %sub3A_975, 0 {pack_format = #tpu.pack_format<interleaved>} : vector<32xbf16> -> vector<16xf32>
        %unpack3A_976 = tpu.unpack_subelements %sub3A_975, 1 {pack_format = #tpu.pack_format<interleaved>} : vector<32xbf16> -> vector<16xf32>
        %mul3A_977 = arith.mulf %unpack3A, %unpack3A : vector<16xf32>
        %add3A_978 = arith.addf %broadcast_in_dim3A_3, %mul3A_977 : vector<16xf32>
        %mul3A_979 = arith.mulf %unpack3A_976, %unpack3A_976 : vector<16xf32>
        %add3A_980 = arith.addf %add3A_978, %mul3A_979 : vector<16xf32>
        %get3A_981 = arith.constant 1 : i32
        %get3A_982 = arith.index_cast %get3A_981 : i32 to index
        %get3A_983 = arith.index_cast %add3A_964 : i32 to index
        %get3A_984 = arith.constant 32 : index
        %get3A_985 = tpu.vector_load %arg11[%get3A_982, %get3A_983, %get3A_984] {strides = array<i32>} : memref<2x64x256xbf16, #tpu.memory_space<vmem>>, vector<32xbf16>,
        %get3A_986 = arith.constant 1 : i32
        %get3A_987 = arith.index_cast %get3A_986 : i32 to index
        %get3A_988 = arith.index_cast %add3A_964 : i32 to index
        %get3A_989 = arith.constant 32 : index
        %get3A_990 = tpu.vector_load %arg12[%get3A_987, %get3A_988, %get3A_989] {strides = array<i32>} : memref<2x64x256xbf16, #tpu.memory_space<vmem>>, vector<32xbf16>,
        %sub3A_991 = arith.subf %get3A_985, %get3A_990 : vector<32xbf16>
        %unpack3A_992 = tpu.unpack_subelements %sub3A_991, 0 {pack_format = #tpu.pack_format<interleaved>} : vector<32xbf16> -> vector<16xf32>
        %unpack3A_993 = tpu.unpack_subelements %sub3A_991, 1 {pack_format = #tpu.pack_format<interleaved>} : vector<32xbf16> -> vector<16xf32>
        %mul3A_994 = arith.mulf %unpack3A_992, %unpack3A_992 : vector<16xf32>
        %add3A_995 = arith.addf %add3A_980, %mul3A_994 : vector<16xf32>
        %mul3A_996 = arith.mulf %unpack3A_993, %unpack3A_993 : vector<16xf32>
        %add3A_997 = arith.addf %add3A_995, %mul3A_996 : vector<16xf32>
        %get3A_998 = arith.constant 1 : i32
        %get3A_999 = arith.index_cast %get3A_998 : i32 to index
        %get3A_1000 = arith.index_cast %add3A_964 : i32 to index
        %get3A_1001 = arith.constant 64 : index
        %get3A_1002 = tpu.vector_load %arg11[%get3A_999, %get3A_1000, %get3A_1001] {strides = array<i32>} : memref<2x64x256xbf16, #tpu.memory_space<vmem>>, vector<32xbf16>,
        %get3A_1003 = arith.constant 1 : i32
        %get3A_1004 = arith.index_cast %get3A_1003 : i32 to index
        %get3A_1005 = arith.index_cast %add3A_964 : i32 to index
        %get3A_1006 = arith.constant 64 : index
        %get3A_1007 = tpu.vector_load %arg12[%get3A_1004, %get3A_1005, %get3A_1006] {strides = array<i32>} : memref<2x64x256xbf16, #tpu.memory_space<vmem>>, vector<32xbf16>,
        %sub3A_1008 = arith.subf %get3A_1002, %get3A_1007 : vector<32xbf16>
        %unpack3A_1009 = tpu.unpack_subelements %sub3A_1008, 0 {pack_format = #tpu.pack_format<interleaved>} : vector<32xbf16> -> vector<16xf32>
        %unpack3A_1010 = tpu.unpack_subelements %sub3A_1008, 1 {pack_format = #tpu.pack_format<interleaved>} : vector<32xbf16> -> vector<16xf32>
        %mul3A_1011 = arith.mulf %unpack3A_1009, %unpack3A_1009 : vector<16xf32>
        %add3A_1012 = arith.addf %add3A_997, %mul3A_1011 : vector<16xf32>
        %mul3A_1013 = arith.mulf %unpack3A_1010, %unpack3A_1010 : vector<16xf32>
        %add3A_1014 = arith.addf %add3A_1012, %mul3A_1013 : vector<16xf32>
        %get3A_1015 = arith.constant 1 : i32
        %get3A_1016 = arith.index_cast %get3A_1015 : i32 to index
        %get3A_1017 = arith.index_cast %add3A_964 : i32 to index
        %get3A_1018 = arith.constant 96 : index
        %get3A_1019 = tpu.vector_load %arg11[%get3A_1016, %get3A_1017, %get3A_1018] {strides = array<i32>} : memref<2x64x256xbf16, #tpu.memory_space<vmem>>, vector<32xbf16>,
        %get3A_1020 = arith.constant 1 : i32
        %get3A_1021 = arith.index_cast %get3A_1020 : i32 to index
        %get3A_1022 = arith.index_cast %add3A_964 : i32 to index
        %get3A_1023 = arith.constant 96 : index
        %get3A_1024 = tpu.vector_load %arg12[%get3A_1021, %get3A_1022, %get3A_1023] {strides = array<i32>} : memref<2x64x256xbf16, #tpu.memory_space<vmem>>, vector<32xbf16>,
        %sub3A_1025 = arith.subf %get3A_1019, %get3A_1024 : vector<32xbf16>
        %unpack3A_1026 = tpu.unpack_subelements %sub3A_1025, 0 {pack_format = #tpu.pack_format<interleaved>} : vector<32xbf16> -> vector<16xf32>
        %unpack3A_1027 = tpu.unpack_subelements %sub3A_1025, 1 {pack_format = #tpu.pack_format<interleaved>} : vector<32xbf16> -> vector<16xf32>
        %mul3A_1028 = arith.mulf %unpack3A_1026, %unpack3A_1026 : vector<16xf32>
        %add3A_1029 = arith.addf %add3A_1014, %mul3A_1028 : vector<16xf32>
        %mul3A_1030 = arith.mulf %unpack3A_1027, %unpack3A_1027 : vector<16xf32>
        %add3A_1031 = arith.addf %add3A_1029, %mul3A_1030 : vector<16xf32>
        %get3A_1032 = arith.constant 1 : i32
        %get3A_1033 = arith.index_cast %get3A_1032 : i32 to index
        %get3A_1034 = arith.index_cast %add3A_964 : i32 to index
        %get3A_1035 = arith.constant 128 : index
        %get3A_1036 = tpu.vector_load %arg11[%get3A_1033, %get3A_1034, %get3A_1035] {strides = array<i32>} : memref<2x64x256xbf16, #tpu.memory_space<vmem>>, vector<32xbf16>,
        %get3A_1037 = arith.constant 1 : i32
        %get3A_1038 = arith.index_cast %get3A_1037 : i32 to index
        %get3A_1039 = arith.index_cast %add3A_964 : i32 to index
        %get3A_1040 = arith.constant 128 : index
        %get3A_1041 = tpu.vector_load %arg12[%get3A_1038, %get3A_1039, %get3A_1040] {strides = array<i32>} : memref<2x64x256xbf16, #tpu.memory_space<vmem>>, vector<32xbf16>,
        %sub3A_1042 = arith.subf %get3A_1036, %get3A_1041 : vector<32xbf16>
        %unpack3A_1043 = tpu.unpack_subelements %sub3A_1042, 0 {pack_format = #tpu.pack_format<interleaved>} : vector<32xbf16> -> vector<16xf32>
        %unpack3A_1044 = tpu.unpack_subelements %sub3A_1042, 1 {pack_format = #tpu.pack_format<interleaved>} : vector<32xbf16> -> vector<16xf32>
        %mul3A_1045 = arith.mulf %unpack3A_1043, %unpack3A_1043 : vector<16xf32>
        %add3A_1046 = arith.addf %add3A_1031, %mul3A_1045 : vector<16xf32>
        %mul3A_1047 = arith.mulf %unpack3A_1044, %unpack3A_1044 : vector<16xf32>
        %add3A_1048 = arith.addf %add3A_1046, %mul3A_1047 : vector<16xf32>
        %get3A_1049 = arith.constant 1 : i32
        %get3A_1050 = arith.index_cast %get3A_1049 : i32 to index
        %get3A_1051 = arith.index_cast %add3A_964 : i32 to index
        %get3A_1052 = arith.constant 160 : index
        %get3A_1053 = tpu.vector_load %arg11[%get3A_1050, %get3A_1051, %get3A_1052] {strides = array<i32>} : memref<2x64x256xbf16, #tpu.memory_space<vmem>>, vector<32xbf16>,
        %get3A_1054 = arith.constant 1 : i32
        %get3A_1055 = arith.index_cast %get3A_1054 : i32 to index
        %get3A_1056 = arith.index_cast %add3A_964 : i32 to index
        %get3A_1057 = arith.constant 160 : index
        %get3A_1058 = tpu.vector_load %arg12[%get3A_1055, %get3A_1056, %get3A_1057] {strides = array<i32>} : memref<2x64x256xbf16, #tpu.memory_space<vmem>>, vector<32xbf16>,
        %sub3A_1059 = arith.subf %get3A_1053, %get3A_1058 : vector<32xbf16>
        %unpack3A_1060 = tpu.unpack_subelements %sub3A_1059, 0 {pack_format = #tpu.pack_format<interleaved>} : vector<32xbf16> -> vector<16xf32>
        %unpack3A_1061 = tpu.unpack_subelements %sub3A_1059, 1 {pack_format = #tpu.pack_format<interleaved>} : vector<32xbf16> -> vector<16xf32>
        %mul3A_1062 = arith.mulf %unpack3A_1060, %unpack3A_1060 : vector<16xf32>
        %add3A_1063 = arith.addf %add3A_1048, %mul3A_1062 : vector<16xf32>
        %mul3A_1064 = arith.mulf %unpack3A_1061, %unpack3A_1061 : vector<16xf32>
        %add3A_1065 = arith.addf %add3A_1063, %mul3A_1064 : vector<16xf32>
        %get3A_1066 = arith.constant 1 : i32
        %get3A_1067 = arith.index_cast %get3A_1066 : i32 to index
        %get3A_1068 = arith.index_cast %add3A_964 : i32 to index
        %get3A_1069 = arith.constant 192 : index
        %get3A_1070 = tpu.vector_load %arg11[%get3A_1067, %get3A_1068, %get3A_1069] {strides = array<i32>} : memref<2x64x256xbf16, #tpu.memory_space<vmem>>, vector<32xbf16>,
        %get3A_1071 = arith.constant 1 : i32
        %get3A_1072 = arith.index_cast %get3A_1071 : i32 to index
        %get3A_1073 = arith.index_cast %add3A_964 : i32 to index
        %get3A_1074 = arith.constant 192 : index
        %get3A_1075 = tpu.vector_load %arg12[%get3A_1072, %get3A_1073, %get3A_1074] {strides = array<i32>} : memref<2x64x256xbf16, #tpu.memory_space<vmem>>, vector<32xbf16>,
        %sub3A_1076 = arith.subf %get3A_1070, %get3A_1075 : vector<32xbf16>
        %unpack3A_1077 = tpu.unpack_subelements %sub3A_1076, 0 {pack_format = #tpu.pack_format<interleaved>} : vector<32xbf16> -> vector<16xf32>
        %unpack3A_1078 = tpu.unpack_subelements %sub3A_1076, 1 {pack_format = #tpu.pack_format<interleaved>} : vector<32xbf16> -> vector<16xf32>
        %mul3A_1079 = arith.mulf %unpack3A_1077, %unpack3A_1077 : vector<16xf32>
        %add3A_1080 = arith.addf %add3A_1065, %mul3A_1079 : vector<16xf32>
        %mul3A_1081 = arith.mulf %unpack3A_1078, %unpack3A_1078 : vector<16xf32>
        %add3A_1082 = arith.addf %add3A_1080, %mul3A_1081 : vector<16xf32>
        %get3A_1083 = arith.constant 1 : i32
        %get3A_1084 = arith.index_cast %get3A_1083 : i32 to index
        %get3A_1085 = arith.index_cast %add3A_964 : i32 to index
        %get3A_1086 = arith.constant 224 : index
        %get3A_1087 = tpu.vector_load %arg11[%get3A_1084, %get3A_1085, %get3A_1086] {strides = array<i32>} : memref<2x64x256xbf16, #tpu.memory_space<vmem>>, vector<32xbf16>,
        %get3A_1088 = arith.constant 1 : i32
        %get3A_1089 = arith.index_cast %get3A_1088 : i32 to index
        %get3A_1090 = arith.index_cast %add3A_964 : i32 to index
        %get3A_1091 = arith.constant 224 : index
        %get3A_1092 = tpu.vector_load %arg12[%get3A_1089, %get3A_1090, %get3A_1091] {strides = array<i32>} : memref<2x64x256xbf16, #tpu.memory_space<vmem>>, vector<32xbf16>,
        %sub3A_1093 = arith.subf %get3A_1087, %get3A_1092 : vector<32xbf16>
        %unpack3A_1094 = tpu.unpack_subelements %sub3A_1093, 0 {pack_format = #tpu.pack_format<interleaved>} : vector<32xbf16> -> vector<16xf32>
        %unpack3A_1095 = tpu.unpack_subelements %sub3A_1093, 1 {pack_format = #tpu.pack_format<interleaved>} : vector<32xbf16> -> vector<16xf32>
        %mul3A_1096 = arith.mulf %unpack3A_1094, %unpack3A_1094 : vector<16xf32>
        %add3A_1097 = arith.addf %add3A_1082, %mul3A_1096 : vector<16xf32>
        %mul3A_1098 = arith.mulf %unpack3A_1095, %unpack3A_1095 : vector<16xf32>
        %add3A_1099 = arith.addf %add3A_1097, %mul3A_1098 : vector<16xf32>
        %mul3A_1100 = arith.constant 17 : i32
        %mul3A_1101 = arith.muli %add3A_962, %mul3A_1100 : i32
        %swap3A_1102 = arith.index_cast %mul3A_1101 : i32 to index
        %swap3A_1103 = tpu.vector_load %arg13[%swap3A_1102] {strides = array<i32>} : memref<272xf32, #tpu.memory_space<vmem>>, vector<16xf32>,
        tpu.vector_store %arg13[%swap3A_1102], %add3A_1099 {strides = array<i32>} : memref<272xf32, #tpu.memory_space<vmem>>, vector<16xf32>,
      }
      %scan3A_653 = arith.constant 16 : i32
      %gather3A_654 = tpu.vector_load_idx %arg13[%mul3A_10] : memref<272xf32, #tpu.memory_space<vmem>>[vector<16xi32>], vector<16xf32>,
      %add3A_655 = arith.constant 1 : i32
      %add3A_656 = vector.broadcast %add3A_655 : i32 to vector<16xi32>
      %add3A_657 = arith.addi %mul3A_10, %add3A_656 : vector<16xi32>
      %gather3A_658 = tpu.vector_load_idx %arg13[%add3A_657] : memref<272xf32, #tpu.memory_space<vmem>>[vector<16xi32>], vector<16xf32>,
      %add3A_659 = arith.addf %gather3A_654, %gather3A_658 : vector<16xf32>
      %add3A_660 = arith.constant 2 : i32
      %add3A_661 = vector.broadcast %add3A_660 : i32 to vector<16xi32>
      %add3A_662 = arith.addi %mul3A_10, %add3A_661 : vector<16xi32>
      %gather3A_663 = tpu.vector_load_idx %arg13[%add3A_662] : memref<272xf32, #tpu.memory_space<vmem>>[vector<16xi32>], vector<16xf32>,
      %add3A_664 = arith.addf %add3A_659, %gather3A_663 : vector<16xf32>
      %add3A_665 = arith.constant 3 : i32
      %add3A_666 = vector.broadcast %add3A_665 : i32 to vector<16xi32>
      %add3A_667 = arith.addi %mul3A_10, %add3A_666 : vector<16xi32>
      %gather3A_668 = tpu.vector_load_idx %arg13[%add3A_667] : memref<272xf32, #tpu.memory_space<vmem>>[vector<16xi32>], vector<16xf32>,
      %add3A_669 = arith.addf %add3A_664, %gather3A_668 : vector<16xf32>
      %add3A_670 = arith.constant 4 : i32
      %add3A_671 = vector.broadcast %add3A_670 : i32 to vector<16xi32>
      %add3A_672 = arith.addi %mul3A_10, %add3A_671 : vector<16xi32>
      %gather3A_673 = tpu.vector_load_idx %arg13[%add3A_672] : memref<272xf32, #tpu.memory_space<vmem>>[vector<16xi32>], vector<16xf32>,
      %add3A_674 = arith.addf %add3A_669, %gather3A_673 : vector<16xf32>
      %add3A_675 = arith.constant 5 : i32
      %add3A_676 = vector.broadcast %add3A_675 : i32 to vector<16xi32>
      %add3A_677 = arith.addi %mul3A_10, %add3A_676 : vector<16xi32>
      %gather3A_678 = tpu.vector_load_idx %arg13[%add3A_677] : memref<272xf32, #tpu.memory_space<vmem>>[vector<16xi32>], vector<16xf32>,
      %add3A_679 = arith.addf %add3A_674, %gather3A_678 : vector<16xf32>
      %add3A_680 = arith.constant 6 : i32
      %add3A_681 = vector.broadcast %add3A_680 : i32 to vector<16xi32>
      %add3A_682 = arith.addi %mul3A_10, %add3A_681 : vector<16xi32>
      %gather3A_683 = tpu.vector_load_idx %arg13[%add3A_682] : memref<272xf32, #tpu.memory_space<vmem>>[vector<16xi32>], vector<16xf32>,
      %add3A_684 = arith.addf %add3A_679, %gather3A_683 : vector<16xf32>
      %add3A_685 = arith.constant 7 : i32
      %add3A_686 = vector.broadcast %add3A_685 : i32 to vector<16xi32>
      %add3A_687 = arith.addi %mul3A_10, %add3A_686 : vector<16xi32>
      %gather3A_688 = tpu.vector_load_idx %arg13[%add3A_687] : memref<272xf32, #tpu.memory_space<vmem>>[vector<16xi32>], vector<16xf32>,
      %add3A_689 = arith.addf %add3A_684, %gather3A_688 : vector<16xf32>
      %add3A_690 = arith.constant 8 : i32
      %add3A_691 = vector.broadcast %add3A_690 : i32 to vector<16xi32>
      %add3A_692 = arith.addi %mul3A_10, %add3A_691 : vector<16xi32>
      %gather3A_693 = tpu.vector_load_idx %arg13[%add3A_692] : memref<272xf32, #tpu.memory_space<vmem>>[vector<16xi32>], vector<16xf32>,
      %add3A_694 = arith.addf %add3A_689, %gather3A_693 : vector<16xf32>
      %add3A_695 = arith.constant 9 : i32
      %add3A_696 = vector.broadcast %add3A_695 : i32 to vector<16xi32>
      %add3A_697 = arith.addi %mul3A_10, %add3A_696 : vector<16xi32>
      %gather3A_698 = tpu.vector_load_idx %arg13[%add3A_697] : memref<272xf32, #tpu.memory_space<vmem>>[vector<16xi32>], vector<16xf32>,
      %add3A_699 = arith.addf %add3A_694, %gather3A_698 : vector<16xf32>
      %add3A_700 = arith.constant 10 : i32
      %add3A_701 = vector.broadcast %add3A_700 : i32 to vector<16xi32>
      %add3A_702 = arith.addi %mul3A_10, %add3A_701 : vector<16xi32>
      %gather3A_703 = tpu.vector_load_idx %arg13[%add3A_702] : memref<272xf32, #tpu.memory_space<vmem>>[vector<16xi32>], vector<16xf32>,
      %add3A_704 = arith.addf %add3A_699, %gather3A_703 : vector<16xf32>
      %add3A_705 = arith.constant 11 : i32
      %add3A_706 = vector.broadcast %add3A_705 : i32 to vector<16xi32>
      %add3A_707 = arith.addi %mul3A_10, %add3A_706 : vector<16xi32>
      %gather3A_708 = tpu.vector_load_idx %arg13[%add3A_707] : memref<272xf32, #tpu.memory_space<vmem>>[vector<16xi32>], vector<16xf32>,
      %add3A_709 = arith.addf %add3A_704, %gather3A_708 : vector<16xf32>
      %add3A_710 = arith.constant 12 : i32
      %add3A_711 = vector.broadcast %add3A_710 : i32 to vector<16xi32>
      %add3A_712 = arith.addi %mul3A_10, %add3A_711 : vector<16xi32>
      %gather3A_713 = tpu.vector_load_idx %arg13[%add3A_712] : memref<272xf32, #tpu.memory_space<vmem>>[vector<16xi32>], vector<16xf32>,
      %add3A_714 = arith.addf %add3A_709, %gather3A_713 : vector<16xf32>
      %add3A_715 = arith.constant 13 : i32
      %add3A_716 = vector.broadcast %add3A_715 : i32 to vector<16xi32>
      %add3A_717 = arith.addi %mul3A_10, %add3A_716 : vector<16xi32>
      %gather3A_718 = tpu.vector_load_idx %arg13[%add3A_717] : memref<272xf32, #tpu.memory_space<vmem>>[vector<16xi32>], vector<16xf32>,
      %add3A_719 = arith.addf %add3A_714, %gather3A_718 : vector<16xf32>
      %add3A_720 = arith.constant 14 : i32
      %add3A_721 = vector.broadcast %add3A_720 : i32 to vector<16xi32>
      %add3A_722 = arith.addi %mul3A_10, %add3A_721 : vector<16xi32>
      %gather3A_723 = tpu.vector_load_idx %arg13[%add3A_722] : memref<272xf32, #tpu.memory_space<vmem>>[vector<16xi32>], vector<16xf32>,
      %add3A_724 = arith.addf %add3A_719, %gather3A_723 : vector<16xf32>
      %add3A_725 = arith.constant 15 : i32
      %add3A_726 = vector.broadcast %add3A_725 : i32 to vector<16xi32>
      %add3A_727 = arith.addi %mul3A_10, %add3A_726 : vector<16xi32>
      %gather3A_728 = tpu.vector_load_idx %arg13[%add3A_727] : memref<272xf32, #tpu.memory_space<vmem>>[vector<16xi32>], vector<16xf32>,
      %add3A_729 = arith.addf %add3A_724, %gather3A_728 : vector<16xf32>
      %mul3A_730 = arith.constant 64 : i32
      %mul3A_731 = arith.muli %add3A_502, %mul3A_730 : i32
      %add3A_732 = arith.constant 16 : i32
      %add3A_733 = arith.addi %mul3A_731, %add3A_732 : i32
      %get3A_734 = arith.index_cast %add3A_733 : i32 to index
      %get3A_735 = tpu.vector_load %arg9[%get3A_734] {strides = array<i32>} : memref<4096xf32, #tpu.memory_space<vmem>>, vector<16xf32>,
      %mul3A_736 = arith.constant 64 : i32
      %mul3A_737 = arith.muli %add3A_502, %mul3A_736 : i32
      %add3A_738 = arith.constant 16 : i32
      %add3A_739 = arith.addi %mul3A_737, %add3A_738 : i32
      %get3A_740 = arith.index_cast %add3A_739 : i32 to index
      %get3A_741 = tpu.vector_load %arg10[%get3A_740] {strides = array<i32>} : memref<4096xf32, #tpu.memory_space<vmem>>, vector<16xf32>,
      %mul3A_742 = arith.mulf %get3A_735, %add3A_729 : vector<16xf32>
      %add3A_743 = arith.addf %add3A_648, %mul3A_742 : vector<16xf32>
      %sub3A_744 = arith.constant 5.000000e+00 : f32
      %sub3A_745 = vector.broadcast %sub3A_744 : f32 to vector<16xf32>
      %sub3A_746 = arith.subf %sub3A_745, %add3A_729 : vector<16xf32>
      %max3A_747 = arith.constant 0.000000e+00 : f32
      %max3A_748 = vector.broadcast %max3A_747 : f32 to vector<16xf32>
      %max3A_749 = arith.maximumf %sub3A_746, %max3A_748 : vector<16xf32>
      %mul3A_750 = arith.mulf %get3A_741, %max3A_749 : vector<16xf32>
      %add3A_751 = arith.addf %add3A_743, %mul3A_750 : vector<16xf32>
      %scan3A_752 = arith.constant 0 : i32
      %scan3A_753 = arith.constant 16 : i32
      %scan3A_754 = arith.addi %scan3A_752, %scan3A_753 : i32
      %scan3A_755 = arith.constant 1 : i32
      scf.for %scan3A_958 = %scan3A_752 to %scan3A_754 step %scan3A_755  : i32 {
        %mul3A_959 = arith.constant 1 : i32
        %mul3A_960 = arith.muli %scan3A_958, %mul3A_959 : i32
        %add3A_961 = arith.constant 0 : i32
        %add3A_962 = arith.addi %add3A_961, %mul3A_960 : i32
        %add3A_963 = arith.constant 32 : i32
        %add3A_964 = arith.addi %add3A_963, %add3A_962 : i32
        %get3A_965 = arith.constant 1 : i32
        %get3A_966 = arith.index_cast %get3A_965 : i32 to index
        %get3A_967 = arith.index_cast %add3A_964 : i32 to index
        %get3A_968 = arith.constant 0 : index
        %get3A_969 = tpu.vector_load %arg11[%get3A_966, %get3A_967, %get3A_968] {strides = array<i32>} : memref<2x64x256xbf16, #tpu.memory_space<vmem>>, vector<32xbf16>,
        %get3A_970 = arith.constant 1 : i32
        %get3A_971 = arith.index_cast %get3A_970 : i32 to index
        %get3A_972 = arith.index_cast %add3A_964 : i32 to index
        %get3A_973 = arith.constant 0 : index
        %get3A_974 = tpu.vector_load %arg12[%get3A_971, %get3A_972, %get3A_973] {strides = array<i32>} : memref<2x64x256xbf16, #tpu.memory_space<vmem>>, vector<32xbf16>,
        %sub3A_975 = arith.subf %get3A_969, %get3A_974 : vector<32xbf16>
        %unpack3A = tpu.unpack_subelements %sub3A_975, 0 {pack_format = #tpu.pack_format<interleaved>} : vector<32xbf16> -> vector<16xf32>
        %unpack3A_976 = tpu.unpack_subelements %sub3A_975, 1 {pack_format = #tpu.pack_format<interleaved>} : vector<32xbf16> -> vector<16xf32>
        %mul3A_977 = arith.mulf %unpack3A, %unpack3A : vector<16xf32>
        %add3A_978 = arith.addf %broadcast_in_dim3A_3, %mul3A_977 : vector<16xf32>
        %mul3A_979 = arith.mulf %unpack3A_976, %unpack3A_976 : vector<16xf32>
        %add3A_980 = arith.addf %add3A_978, %mul3A_979 : vector<16xf32>
        %get3A_981 = arith.constant 1 : i32
        %get3A_982 = arith.index_cast %get3A_981 : i32 to index
        %get3A_983 = arith.index_cast %add3A_964 : i32 to index
        %get3A_984 = arith.constant 32 : index
        %get3A_985 = tpu.vector_load %arg11[%get3A_982, %get3A_983, %get3A_984] {strides = array<i32>} : memref<2x64x256xbf16, #tpu.memory_space<vmem>>, vector<32xbf16>,
        %get3A_986 = arith.constant 1 : i32
        %get3A_987 = arith.index_cast %get3A_986 : i32 to index
        %get3A_988 = arith.index_cast %add3A_964 : i32 to index
        %get3A_989 = arith.constant 32 : index
        %get3A_990 = tpu.vector_load %arg12[%get3A_987, %get3A_988, %get3A_989] {strides = array<i32>} : memref<2x64x256xbf16, #tpu.memory_space<vmem>>, vector<32xbf16>,
        %sub3A_991 = arith.subf %get3A_985, %get3A_990 : vector<32xbf16>
        %unpack3A_992 = tpu.unpack_subelements %sub3A_991, 0 {pack_format = #tpu.pack_format<interleaved>} : vector<32xbf16> -> vector<16xf32>
        %unpack3A_993 = tpu.unpack_subelements %sub3A_991, 1 {pack_format = #tpu.pack_format<interleaved>} : vector<32xbf16> -> vector<16xf32>
        %mul3A_994 = arith.mulf %unpack3A_992, %unpack3A_992 : vector<16xf32>
        %add3A_995 = arith.addf %add3A_980, %mul3A_994 : vector<16xf32>
        %mul3A_996 = arith.mulf %unpack3A_993, %unpack3A_993 : vector<16xf32>
        %add3A_997 = arith.addf %add3A_995, %mul3A_996 : vector<16xf32>
        %get3A_998 = arith.constant 1 : i32
        %get3A_999 = arith.index_cast %get3A_998 : i32 to index
        %get3A_1000 = arith.index_cast %add3A_964 : i32 to index
        %get3A_1001 = arith.constant 64 : index
        %get3A_1002 = tpu.vector_load %arg11[%get3A_999, %get3A_1000, %get3A_1001] {strides = array<i32>} : memref<2x64x256xbf16, #tpu.memory_space<vmem>>, vector<32xbf16>,
        %get3A_1003 = arith.constant 1 : i32
        %get3A_1004 = arith.index_cast %get3A_1003 : i32 to index
        %get3A_1005 = arith.index_cast %add3A_964 : i32 to index
        %get3A_1006 = arith.constant 64 : index
        %get3A_1007 = tpu.vector_load %arg12[%get3A_1004, %get3A_1005, %get3A_1006] {strides = array<i32>} : memref<2x64x256xbf16, #tpu.memory_space<vmem>>, vector<32xbf16>,
        %sub3A_1008 = arith.subf %get3A_1002, %get3A_1007 : vector<32xbf16>
        %unpack3A_1009 = tpu.unpack_subelements %sub3A_1008, 0 {pack_format = #tpu.pack_format<interleaved>} : vector<32xbf16> -> vector<16xf32>
        %unpack3A_1010 = tpu.unpack_subelements %sub3A_1008, 1 {pack_format = #tpu.pack_format<interleaved>} : vector<32xbf16> -> vector<16xf32>
        %mul3A_1011 = arith.mulf %unpack3A_1009, %unpack3A_1009 : vector<16xf32>
        %add3A_1012 = arith.addf %add3A_997, %mul3A_1011 : vector<16xf32>
        %mul3A_1013 = arith.mulf %unpack3A_1010, %unpack3A_1010 : vector<16xf32>
        %add3A_1014 = arith.addf %add3A_1012, %mul3A_1013 : vector<16xf32>
        %get3A_1015 = arith.constant 1 : i32
        %get3A_1016 = arith.index_cast %get3A_1015 : i32 to index
        %get3A_1017 = arith.index_cast %add3A_964 : i32 to index
        %get3A_1018 = arith.constant 96 : index
        %get3A_1019 = tpu.vector_load %arg11[%get3A_1016, %get3A_1017, %get3A_1018] {strides = array<i32>} : memref<2x64x256xbf16, #tpu.memory_space<vmem>>, vector<32xbf16>,
        %get3A_1020 = arith.constant 1 : i32
        %get3A_1021 = arith.index_cast %get3A_1020 : i32 to index
        %get3A_1022 = arith.index_cast %add3A_964 : i32 to index
        %get3A_1023 = arith.constant 96 : index
        %get3A_1024 = tpu.vector_load %arg12[%get3A_1021, %get3A_1022, %get3A_1023] {strides = array<i32>} : memref<2x64x256xbf16, #tpu.memory_space<vmem>>, vector<32xbf16>,
        %sub3A_1025 = arith.subf %get3A_1019, %get3A_1024 : vector<32xbf16>
        %unpack3A_1026 = tpu.unpack_subelements %sub3A_1025, 0 {pack_format = #tpu.pack_format<interleaved>} : vector<32xbf16> -> vector<16xf32>
        %unpack3A_1027 = tpu.unpack_subelements %sub3A_1025, 1 {pack_format = #tpu.pack_format<interleaved>} : vector<32xbf16> -> vector<16xf32>
        %mul3A_1028 = arith.mulf %unpack3A_1026, %unpack3A_1026 : vector<16xf32>
        %add3A_1029 = arith.addf %add3A_1014, %mul3A_1028 : vector<16xf32>
        %mul3A_1030 = arith.mulf %unpack3A_1027, %unpack3A_1027 : vector<16xf32>
        %add3A_1031 = arith.addf %add3A_1029, %mul3A_1030 : vector<16xf32>
        %get3A_1032 = arith.constant 1 : i32
        %get3A_1033 = arith.index_cast %get3A_1032 : i32 to index
        %get3A_1034 = arith.index_cast %add3A_964 : i32 to index
        %get3A_1035 = arith.constant 128 : index
        %get3A_1036 = tpu.vector_load %arg11[%get3A_1033, %get3A_1034, %get3A_1035] {strides = array<i32>} : memref<2x64x256xbf16, #tpu.memory_space<vmem>>, vector<32xbf16>,
        %get3A_1037 = arith.constant 1 : i32
        %get3A_1038 = arith.index_cast %get3A_1037 : i32 to index
        %get3A_1039 = arith.index_cast %add3A_964 : i32 to index
        %get3A_1040 = arith.constant 128 : index
        %get3A_1041 = tpu.vector_load %arg12[%get3A_1038, %get3A_1039, %get3A_1040] {strides = array<i32>} : memref<2x64x256xbf16, #tpu.memory_space<vmem>>, vector<32xbf16>,
        %sub3A_1042 = arith.subf %get3A_1036, %get3A_1041 : vector<32xbf16>
        %unpack3A_1043 = tpu.unpack_subelements %sub3A_1042, 0 {pack_format = #tpu.pack_format<interleaved>} : vector<32xbf16> -> vector<16xf32>
        %unpack3A_1044 = tpu.unpack_subelements %sub3A_1042, 1 {pack_format = #tpu.pack_format<interleaved>} : vector<32xbf16> -> vector<16xf32>
        %mul3A_1045 = arith.mulf %unpack3A_1043, %unpack3A_1043 : vector<16xf32>
        %add3A_1046 = arith.addf %add3A_1031, %mul3A_1045 : vector<16xf32>
        %mul3A_1047 = arith.mulf %unpack3A_1044, %unpack3A_1044 : vector<16xf32>
        %add3A_1048 = arith.addf %add3A_1046, %mul3A_1047 : vector<16xf32>
        %get3A_1049 = arith.constant 1 : i32
        %get3A_1050 = arith.index_cast %get3A_1049 : i32 to index
        %get3A_1051 = arith.index_cast %add3A_964 : i32 to index
        %get3A_1052 = arith.constant 160 : index
        %get3A_1053 = tpu.vector_load %arg11[%get3A_1050, %get3A_1051, %get3A_1052] {strides = array<i32>} : memref<2x64x256xbf16, #tpu.memory_space<vmem>>, vector<32xbf16>,
        %get3A_1054 = arith.constant 1 : i32
        %get3A_1055 = arith.index_cast %get3A_1054 : i32 to index
        %get3A_1056 = arith.index_cast %add3A_964 : i32 to index
        %get3A_1057 = arith.constant 160 : index
        %get3A_1058 = tpu.vector_load %arg12[%get3A_1055, %get3A_1056, %get3A_1057] {strides = array<i32>} : memref<2x64x256xbf16, #tpu.memory_space<vmem>>, vector<32xbf16>,
        %sub3A_1059 = arith.subf %get3A_1053, %get3A_1058 : vector<32xbf16>
        %unpack3A_1060 = tpu.unpack_subelements %sub3A_1059, 0 {pack_format = #tpu.pack_format<interleaved>} : vector<32xbf16> -> vector<16xf32>
        %unpack3A_1061 = tpu.unpack_subelements %sub3A_1059, 1 {pack_format = #tpu.pack_format<interleaved>} : vector<32xbf16> -> vector<16xf32>
        %mul3A_1062 = arith.mulf %unpack3A_1060, %unpack3A_1060 : vector<16xf32>
        %add3A_1063 = arith.addf %add3A_1048, %mul3A_1062 : vector<16xf32>
        %mul3A_1064 = arith.mulf %unpack3A_1061, %unpack3A_1061 : vector<16xf32>
        %add3A_1065 = arith.addf %add3A_1063, %mul3A_1064 : vector<16xf32>
        %get3A_1066 = arith.constant 1 : i32
        %get3A_1067 = arith.index_cast %get3A_1066 : i32 to index
        %get3A_1068 = arith.index_cast %add3A_964 : i32 to index
        %get3A_1069 = arith.constant 192 : index
        %get3A_1070 = tpu.vector_load %arg11[%get3A_1067, %get3A_1068, %get3A_1069] {strides = array<i32>} : memref<2x64x256xbf16, #tpu.memory_space<vmem>>, vector<32xbf16>,
        %get3A_1071 = arith.constant 1 : i32
        %get3A_1072 = arith.index_cast %get3A_1071 : i32 to index
        %get3A_1073 = arith.index_cast %add3A_964 : i32 to index
        %get3A_1074 = arith.constant 192 : index
        %get3A_1075 = tpu.vector_load %arg12[%get3A_1072, %get3A_1073, %get3A_1074] {strides = array<i32>} : memref<2x64x256xbf16, #tpu.memory_space<vmem>>, vector<32xbf16>,
        %sub3A_1076 = arith.subf %get3A_1070, %get3A_1075 : vector<32xbf16>
        %unpack3A_1077 = tpu.unpack_subelements %sub3A_1076, 0 {pack_format = #tpu.pack_format<interleaved>} : vector<32xbf16> -> vector<16xf32>
        %unpack3A_1078 = tpu.unpack_subelements %sub3A_1076, 1 {pack_format = #tpu.pack_format<interleaved>} : vector<32xbf16> -> vector<16xf32>
        %mul3A_1079 = arith.mulf %unpack3A_1077, %unpack3A_1077 : vector<16xf32>
        %add3A_1080 = arith.addf %add3A_1065, %mul3A_1079 : vector<16xf32>
        %mul3A_1081 = arith.mulf %unpack3A_1078, %unpack3A_1078 : vector<16xf32>
        %add3A_1082 = arith.addf %add3A_1080, %mul3A_1081 : vector<16xf32>
        %get3A_1083 = arith.constant 1 : i32
        %get3A_1084 = arith.index_cast %get3A_1083 : i32 to index
        %get3A_1085 = arith.index_cast %add3A_964 : i32 to index
        %get3A_1086 = arith.constant 224 : index
        %get3A_1087 = tpu.vector_load %arg11[%get3A_1084, %get3A_1085, %get3A_1086] {strides = array<i32>} : memref<2x64x256xbf16, #tpu.memory_space<vmem>>, vector<32xbf16>,
        %get3A_1088 = arith.constant 1 : i32
        %get3A_1089 = arith.index_cast %get3A_1088 : i32 to index
        %get3A_1090 = arith.index_cast %add3A_964 : i32 to index
        %get3A_1091 = arith.constant 224 : index
        %get3A_1092 = tpu.vector_load %arg12[%get3A_1089, %get3A_1090, %get3A_1091] {strides = array<i32>} : memref<2x64x256xbf16, #tpu.memory_space<vmem>>, vector<32xbf16>,
        %sub3A_1093 = arith.subf %get3A_1087, %get3A_1092 : vector<32xbf16>
        %unpack3A_1094 = tpu.unpack_subelements %sub3A_1093, 0 {pack_format = #tpu.pack_format<interleaved>} : vector<32xbf16> -> vector<16xf32>
        %unpack3A_1095 = tpu.unpack_subelements %sub3A_1093, 1 {pack_format = #tpu.pack_format<interleaved>} : vector<32xbf16> -> vector<16xf32>
        %mul3A_1096 = arith.mulf %unpack3A_1094, %unpack3A_1094 : vector<16xf32>
        %add3A_1097 = arith.addf %add3A_1082, %mul3A_1096 : vector<16xf32>
        %mul3A_1098 = arith.mulf %unpack3A_1095, %unpack3A_1095 : vector<16xf32>
        %add3A_1099 = arith.addf %add3A_1097, %mul3A_1098 : vector<16xf32>
        %mul3A_1100 = arith.constant 17 : i32
        %mul3A_1101 = arith.muli %add3A_962, %mul3A_1100 : i32
        %swap3A_1102 = arith.index_cast %mul3A_1101 : i32 to index
        %swap3A_1103 = tpu.vector_load %arg13[%swap3A_1102] {strides = array<i32>} : memref<272xf32, #tpu.memory_space<vmem>>, vector<16xf32>,
        tpu.vector_store %arg13[%swap3A_1102], %add3A_1099 {strides = array<i32>} : memref<272xf32, #tpu.memory_space<vmem>>, vector<16xf32>,
      }
      %scan3A_756 = arith.constant 16 : i32
      %gather3A_757 = tpu.vector_load_idx %arg13[%mul3A_10] : memref<272xf32, #tpu.memory_space<vmem>>[vector<16xi32>], vector<16xf32>,
      %add3A_758 = arith.constant 1 : i32
      %add3A_759 = vector.broadcast %add3A_758 : i32 to vector<16xi32>
      %add3A_760 = arith.addi %mul3A_10, %add3A_759 : vector<16xi32>
      %gather3A_761 = tpu.vector_load_idx %arg13[%add3A_760] : memref<272xf32, #tpu.memory_space<vmem>>[vector<16xi32>], vector<16xf32>,
      %add3A_762 = arith.addf %gather3A_757, %gather3A_761 : vector<16xf32>
      %add3A_763 = arith.constant 2 : i32
      %add3A_764 = vector.broadcast %add3A_763 : i32 to vector<16xi32>
      %add3A_765 = arith.addi %mul3A_10, %add3A_764 : vector<16xi32>
      %gather3A_766 = tpu.vector_load_idx %arg13[%add3A_765] : memref<272xf32, #tpu.memory_space<vmem>>[vector<16xi32>], vector<16xf32>,
      %add3A_767 = arith.addf %add3A_762, %gather3A_766 : vector<16xf32>
      %add3A_768 = arith.constant 3 : i32
      %add3A_769 = vector.broadcast %add3A_768 : i32 to vector<16xi32>
      %add3A_770 = arith.addi %mul3A_10, %add3A_769 : vector<16xi32>
      %gather3A_771 = tpu.vector_load_idx %arg13[%add3A_770] : memref<272xf32, #tpu.memory_space<vmem>>[vector<16xi32>], vector<16xf32>,
      %add3A_772 = arith.addf %add3A_767, %gather3A_771 : vector<16xf32>
      %add3A_773 = arith.constant 4 : i32
      %add3A_774 = vector.broadcast %add3A_773 : i32 to vector<16xi32>
      %add3A_775 = arith.addi %mul3A_10, %add3A_774 : vector<16xi32>
      %gather3A_776 = tpu.vector_load_idx %arg13[%add3A_775] : memref<272xf32, #tpu.memory_space<vmem>>[vector<16xi32>], vector<16xf32>,
      %add3A_777 = arith.addf %add3A_772, %gather3A_776 : vector<16xf32>
      %add3A_778 = arith.constant 5 : i32
      %add3A_779 = vector.broadcast %add3A_778 : i32 to vector<16xi32>
      %add3A_780 = arith.addi %mul3A_10, %add3A_779 : vector<16xi32>
      %gather3A_781 = tpu.vector_load_idx %arg13[%add3A_780] : memref<272xf32, #tpu.memory_space<vmem>>[vector<16xi32>], vector<16xf32>,
      %add3A_782 = arith.addf %add3A_777, %gather3A_781 : vector<16xf32>
      %add3A_783 = arith.constant 6 : i32
      %add3A_784 = vector.broadcast %add3A_783 : i32 to vector<16xi32>
      %add3A_785 = arith.addi %mul3A_10, %add3A_784 : vector<16xi32>
      %gather3A_786 = tpu.vector_load_idx %arg13[%add3A_785] : memref<272xf32, #tpu.memory_space<vmem>>[vector<16xi32>], vector<16xf32>,
      %add3A_787 = arith.addf %add3A_782, %gather3A_786 : vector<16xf32>
      %add3A_788 = arith.constant 7 : i32
      %add3A_789 = vector.broadcast %add3A_788 : i32 to vector<16xi32>
      %add3A_790 = arith.addi %mul3A_10, %add3A_789 : vector<16xi32>
      %gather3A_791 = tpu.vector_load_idx %arg13[%add3A_790] : memref<272xf32, #tpu.memory_space<vmem>>[vector<16xi32>], vector<16xf32>,
      %add3A_792 = arith.addf %add3A_787, %gather3A_791 : vector<16xf32>
      %add3A_793 = arith.constant 8 : i32
      %add3A_794 = vector.broadcast %add3A_793 : i32 to vector<16xi32>
      %add3A_795 = arith.addi %mul3A_10, %add3A_794 : vector<16xi32>
      %gather3A_796 = tpu.vector_load_idx %arg13[%add3A_795] : memref<272xf32, #tpu.memory_space<vmem>>[vector<16xi32>], vector<16xf32>,
      %add3A_797 = arith.addf %add3A_792, %gather3A_796 : vector<16xf32>
      %add3A_798 = arith.constant 9 : i32
      %add3A_799 = vector.broadcast %add3A_798 : i32 to vector<16xi32>
      %add3A_800 = arith.addi %mul3A_10, %add3A_799 : vector<16xi32>
      %gather3A_801 = tpu.vector_load_idx %arg13[%add3A_800] : memref<272xf32, #tpu.memory_space<vmem>>[vector<16xi32>], vector<16xf32>,
      %add3A_802 = arith.addf %add3A_797, %gather3A_801 : vector<16xf32>
      %add3A_803 = arith.constant 10 : i32
      %add3A_804 = vector.broadcast %add3A_803 : i32 to vector<16xi32>
      %add3A_805 = arith.addi %mul3A_10, %add3A_804 : vector<16xi32>
      %gather3A_806 = tpu.vector_load_idx %arg13[%add3A_805] : memref<272xf32, #tpu.memory_space<vmem>>[vector<16xi32>], vector<16xf32>,
      %add3A_807 = arith.addf %add3A_802, %gather3A_806 : vector<16xf32>
      %add3A_808 = arith.constant 11 : i32
      %add3A_809 = vector.broadcast %add3A_808 : i32 to vector<16xi32>
      %add3A_810 = arith.addi %mul3A_10, %add3A_809 : vector<16xi32>
      %gather3A_811 = tpu.vector_load_idx %arg13[%add3A_810] : memref<272xf32, #tpu.memory_space<vmem>>[vector<16xi32>], vector<16xf32>,
      %add3A_812 = arith.addf %add3A_807, %gather3A_811 : vector<16xf32>
      %add3A_813 = arith.constant 12 : i32
      %add3A_814 = vector.broadcast %add3A_813 : i32 to vector<16xi32>
      %add3A_815 = arith.addi %mul3A_10, %add3A_814 : vector<16xi32>
      %gather3A_816 = tpu.vector_load_idx %arg13[%add3A_815] : memref<272xf32, #tpu.memory_space<vmem>>[vector<16xi32>], vector<16xf32>,
      %add3A_817 = arith.addf %add3A_812, %gather3A_816 : vector<16xf32>
      %add3A_818 = arith.constant 13 : i32
      %add3A_819 = vector.broadcast %add3A_818 : i32 to vector<16xi32>
      %add3A_820 = arith.addi %mul3A_10, %add3A_819 : vector<16xi32>
      %gather3A_821 = tpu.vector_load_idx %arg13[%add3A_820] : memref<272xf32, #tpu.memory_space<vmem>>[vector<16xi32>], vector<16xf32>,
      %add3A_822 = arith.addf %add3A_817, %gather3A_821 : vector<16xf32>
      %add3A_823 = arith.constant 14 : i32
      %add3A_824 = vector.broadcast %add3A_823 : i32 to vector<16xi32>
      %add3A_825 = arith.addi %mul3A_10, %add3A_824 : vector<16xi32>
      %gather3A_826 = tpu.vector_load_idx %arg13[%add3A_825] : memref<272xf32, #tpu.memory_space<vmem>>[vector<16xi32>], vector<16xf32>,
      %add3A_827 = arith.addf %add3A_822, %gather3A_826 : vector<16xf32>
      %add3A_828 = arith.constant 15 : i32
      %add3A_829 = vector.broadcast %add3A_828 : i32 to vector<16xi32>
      %add3A_830 = arith.addi %mul3A_10, %add3A_829 : vector<16xi32>
      %gather3A_831 = tpu.vector_load_idx %arg13[%add3A_830] : memref<272xf32, #tpu.memory_space<vmem>>[vector<16xi32>], vector<16xf32>,
      %add3A_832 = arith.addf %add3A_827, %gather3A_831 : vector<16xf32>
      %mul3A_833 = arith.constant 64 : i32
      %mul3A_834 = arith.muli %add3A_502, %mul3A_833 : i32
      %add3A_835 = arith.constant 32 : i32
      %add3A_836 = arith.addi %mul3A_834, %add3A_835 : i32
      %get3A_837 = arith.index_cast %add3A_836 : i32 to index
      %get3A_838 = tpu.vector_load %arg9[%get3A_837] {strides = array<i32>} : memref<4096xf32, #tpu.memory_space<vmem>>, vector<16xf32>,
      %mul3A_839 = arith.constant 64 : i32
      %mul3A_840 = arith.muli %add3A_502, %mul3A_839 : i32
      %add3A_841 = arith.constant 32 : i32
      %add3A_842 = arith.addi %mul3A_840, %add3A_841 : i32
      %get3A_843 = arith.index_cast %add3A_842 : i32 to index
      %get3A_844 = tpu.vector_load %arg10[%get3A_843] {strides = array<i32>} : memref<4096xf32, #tpu.memory_space<vmem>>, vector<16xf32>,
      %mul3A_845 = arith.mulf %get3A_838, %add3A_832 : vector<16xf32>
      %add3A_846 = arith.addf %add3A_751, %mul3A_845 : vector<16xf32>
      %sub3A_847 = arith.constant 5.000000e+00 : f32
      %sub3A_848 = vector.broadcast %sub3A_847 : f32 to vector<16xf32>
      %sub3A_849 = arith.subf %sub3A_848, %add3A_832 : vector<16xf32>
      %max3A_850 = arith.constant 0.000000e+00 : f32
      %max3A_851 = vector.broadcast %max3A_850 : f32 to vector<16xf32>
      %max3A_852 = arith.maximumf %sub3A_849, %max3A_851 : vector<16xf32>
      %mul3A_853 = arith.mulf %get3A_844, %max3A_852 : vector<16xf32>
      %add3A_854 = arith.addf %add3A_846, %mul3A_853 : vector<16xf32>
      %scan3A_855 = arith.constant 0 : i32
      %scan3A_856 = arith.constant 16 : i32
      %scan3A_857 = arith.addi %scan3A_855, %scan3A_856 : i32
      %scan3A_858 = arith.constant 1 : i32
      scf.for %scan3A_958 = %scan3A_855 to %scan3A_857 step %scan3A_858  : i32 {
        %mul3A_959 = arith.constant 1 : i32
        %mul3A_960 = arith.muli %scan3A_958, %mul3A_959 : i32
        %add3A_961 = arith.constant 0 : i32
        %add3A_962 = arith.addi %add3A_961, %mul3A_960 : i32
        %add3A_963 = arith.constant 48 : i32
        %add3A_964 = arith.addi %add3A_963, %add3A_962 : i32
        %get3A_965 = arith.constant 1 : i32
        %get3A_966 = arith.index_cast %get3A_965 : i32 to index
        %get3A_967 = arith.index_cast %add3A_964 : i32 to index
        %get3A_968 = arith.constant 0 : index
        %get3A_969 = tpu.vector_load %arg11[%get3A_966, %get3A_967, %get3A_968] {strides = array<i32>} : memref<2x64x256xbf16, #tpu.memory_space<vmem>>, vector<32xbf16>,
        %get3A_970 = arith.constant 1 : i32
        %get3A_971 = arith.index_cast %get3A_970 : i32 to index
        %get3A_972 = arith.index_cast %add3A_964 : i32 to index
        %get3A_973 = arith.constant 0 : index
        %get3A_974 = tpu.vector_load %arg12[%get3A_971, %get3A_972, %get3A_973] {strides = array<i32>} : memref<2x64x256xbf16, #tpu.memory_space<vmem>>, vector<32xbf16>,
        %sub3A_975 = arith.subf %get3A_969, %get3A_974 : vector<32xbf16>
        %unpack3A = tpu.unpack_subelements %sub3A_975, 0 {pack_format = #tpu.pack_format<interleaved>} : vector<32xbf16> -> vector<16xf32>
        %unpack3A_976 = tpu.unpack_subelements %sub3A_975, 1 {pack_format = #tpu.pack_format<interleaved>} : vector<32xbf16> -> vector<16xf32>
        %mul3A_977 = arith.mulf %unpack3A, %unpack3A : vector<16xf32>
        %add3A_978 = arith.addf %broadcast_in_dim3A_3, %mul3A_977 : vector<16xf32>
        %mul3A_979 = arith.mulf %unpack3A_976, %unpack3A_976 : vector<16xf32>
        %add3A_980 = arith.addf %add3A_978, %mul3A_979 : vector<16xf32>
        %get3A_981 = arith.constant 1 : i32
        %get3A_982 = arith.index_cast %get3A_981 : i32 to index
        %get3A_983 = arith.index_cast %add3A_964 : i32 to index
        %get3A_984 = arith.constant 32 : index
        %get3A_985 = tpu.vector_load %arg11[%get3A_982, %get3A_983, %get3A_984] {strides = array<i32>} : memref<2x64x256xbf16, #tpu.memory_space<vmem>>, vector<32xbf16>,
        %get3A_986 = arith.constant 1 : i32
        %get3A_987 = arith.index_cast %get3A_986 : i32 to index
        %get3A_988 = arith.index_cast %add3A_964 : i32 to index
        %get3A_989 = arith.constant 32 : index
        %get3A_990 = tpu.vector_load %arg12[%get3A_987, %get3A_988, %get3A_989] {strides = array<i32>} : memref<2x64x256xbf16, #tpu.memory_space<vmem>>, vector<32xbf16>,
        %sub3A_991 = arith.subf %get3A_985, %get3A_990 : vector<32xbf16>
        %unpack3A_992 = tpu.unpack_subelements %sub3A_991, 0 {pack_format = #tpu.pack_format<interleaved>} : vector<32xbf16> -> vector<16xf32>
        %unpack3A_993 = tpu.unpack_subelements %sub3A_991, 1 {pack_format = #tpu.pack_format<interleaved>} : vector<32xbf16> -> vector<16xf32>
        %mul3A_994 = arith.mulf %unpack3A_992, %unpack3A_992 : vector<16xf32>
        %add3A_995 = arith.addf %add3A_980, %mul3A_994 : vector<16xf32>
        %mul3A_996 = arith.mulf %unpack3A_993, %unpack3A_993 : vector<16xf32>
        %add3A_997 = arith.addf %add3A_995, %mul3A_996 : vector<16xf32>
        %get3A_998 = arith.constant 1 : i32
        %get3A_999 = arith.index_cast %get3A_998 : i32 to index
        %get3A_1000 = arith.index_cast %add3A_964 : i32 to index
        %get3A_1001 = arith.constant 64 : index
        %get3A_1002 = tpu.vector_load %arg11[%get3A_999, %get3A_1000, %get3A_1001] {strides = array<i32>} : memref<2x64x256xbf16, #tpu.memory_space<vmem>>, vector<32xbf16>,
        %get3A_1003 = arith.constant 1 : i32
        %get3A_1004 = arith.index_cast %get3A_1003 : i32 to index
        %get3A_1005 = arith.index_cast %add3A_964 : i32 to index
        %get3A_1006 = arith.constant 64 : index
        %get3A_1007 = tpu.vector_load %arg12[%get3A_1004, %get3A_1005, %get3A_1006] {strides = array<i32>} : memref<2x64x256xbf16, #tpu.memory_space<vmem>>, vector<32xbf16>,
        %sub3A_1008 = arith.subf %get3A_1002, %get3A_1007 : vector<32xbf16>
        %unpack3A_1009 = tpu.unpack_subelements %sub3A_1008, 0 {pack_format = #tpu.pack_format<interleaved>} : vector<32xbf16> -> vector<16xf32>
        %unpack3A_1010 = tpu.unpack_subelements %sub3A_1008, 1 {pack_format = #tpu.pack_format<interleaved>} : vector<32xbf16> -> vector<16xf32>
        %mul3A_1011 = arith.mulf %unpack3A_1009, %unpack3A_1009 : vector<16xf32>
        %add3A_1012 = arith.addf %add3A_997, %mul3A_1011 : vector<16xf32>
        %mul3A_1013 = arith.mulf %unpack3A_1010, %unpack3A_1010 : vector<16xf32>
        %add3A_1014 = arith.addf %add3A_1012, %mul3A_1013 : vector<16xf32>
        %get3A_1015 = arith.constant 1 : i32
        %get3A_1016 = arith.index_cast %get3A_1015 : i32 to index
        %get3A_1017 = arith.index_cast %add3A_964 : i32 to index
        %get3A_1018 = arith.constant 96 : index
        %get3A_1019 = tpu.vector_load %arg11[%get3A_1016, %get3A_1017, %get3A_1018] {strides = array<i32>} : memref<2x64x256xbf16, #tpu.memory_space<vmem>>, vector<32xbf16>,
        %get3A_1020 = arith.constant 1 : i32
        %get3A_1021 = arith.index_cast %get3A_1020 : i32 to index
        %get3A_1022 = arith.index_cast %add3A_964 : i32 to index
        %get3A_1023 = arith.constant 96 : index
        %get3A_1024 = tpu.vector_load %arg12[%get3A_1021, %get3A_1022, %get3A_1023] {strides = array<i32>} : memref<2x64x256xbf16, #tpu.memory_space<vmem>>, vector<32xbf16>,
        %sub3A_1025 = arith.subf %get3A_1019, %get3A_1024 : vector<32xbf16>
        %unpack3A_1026 = tpu.unpack_subelements %sub3A_1025, 0 {pack_format = #tpu.pack_format<interleaved>} : vector<32xbf16> -> vector<16xf32>
        %unpack3A_1027 = tpu.unpack_subelements %sub3A_1025, 1 {pack_format = #tpu.pack_format<interleaved>} : vector<32xbf16> -> vector<16xf32>
        %mul3A_1028 = arith.mulf %unpack3A_1026, %unpack3A_1026 : vector<16xf32>
        %add3A_1029 = arith.addf %add3A_1014, %mul3A_1028 : vector<16xf32>
        %mul3A_1030 = arith.mulf %unpack3A_1027, %unpack3A_1027 : vector<16xf32>
        %add3A_1031 = arith.addf %add3A_1029, %mul3A_1030 : vector<16xf32>
        %get3A_1032 = arith.constant 1 : i32
        %get3A_1033 = arith.index_cast %get3A_1032 : i32 to index
        %get3A_1034 = arith.index_cast %add3A_964 : i32 to index
        %get3A_1035 = arith.constant 128 : index
        %get3A_1036 = tpu.vector_load %arg11[%get3A_1033, %get3A_1034, %get3A_1035] {strides = array<i32>} : memref<2x64x256xbf16, #tpu.memory_space<vmem>>, vector<32xbf16>,
        %get3A_1037 = arith.constant 1 : i32
        %get3A_1038 = arith.index_cast %get3A_1037 : i32 to index
        %get3A_1039 = arith.index_cast %add3A_964 : i32 to index
        %get3A_1040 = arith.constant 128 : index
        %get3A_1041 = tpu.vector_load %arg12[%get3A_1038, %get3A_1039, %get3A_1040] {strides = array<i32>} : memref<2x64x256xbf16, #tpu.memory_space<vmem>>, vector<32xbf16>,
        %sub3A_1042 = arith.subf %get3A_1036, %get3A_1041 : vector<32xbf16>
        %unpack3A_1043 = tpu.unpack_subelements %sub3A_1042, 0 {pack_format = #tpu.pack_format<interleaved>} : vector<32xbf16> -> vector<16xf32>
        %unpack3A_1044 = tpu.unpack_subelements %sub3A_1042, 1 {pack_format = #tpu.pack_format<interleaved>} : vector<32xbf16> -> vector<16xf32>
        %mul3A_1045 = arith.mulf %unpack3A_1043, %unpack3A_1043 : vector<16xf32>
        %add3A_1046 = arith.addf %add3A_1031, %mul3A_1045 : vector<16xf32>
        %mul3A_1047 = arith.mulf %unpack3A_1044, %unpack3A_1044 : vector<16xf32>
        %add3A_1048 = arith.addf %add3A_1046, %mul3A_1047 : vector<16xf32>
        %get3A_1049 = arith.constant 1 : i32
        %get3A_1050 = arith.index_cast %get3A_1049 : i32 to index
        %get3A_1051 = arith.index_cast %add3A_964 : i32 to index
        %get3A_1052 = arith.constant 160 : index
        %get3A_1053 = tpu.vector_load %arg11[%get3A_1050, %get3A_1051, %get3A_1052] {strides = array<i32>} : memref<2x64x256xbf16, #tpu.memory_space<vmem>>, vector<32xbf16>,
        %get3A_1054 = arith.constant 1 : i32
        %get3A_1055 = arith.index_cast %get3A_1054 : i32 to index
        %get3A_1056 = arith.index_cast %add3A_964 : i32 to index
        %get3A_1057 = arith.constant 160 : index
        %get3A_1058 = tpu.vector_load %arg12[%get3A_1055, %get3A_1056, %get3A_1057] {strides = array<i32>} : memref<2x64x256xbf16, #tpu.memory_space<vmem>>, vector<32xbf16>,
        %sub3A_1059 = arith.subf %get3A_1053, %get3A_1058 : vector<32xbf16>
        %unpack3A_1060 = tpu.unpack_subelements %sub3A_1059, 0 {pack_format = #tpu.pack_format<interleaved>} : vector<32xbf16> -> vector<16xf32>
        %unpack3A_1061 = tpu.unpack_subelements %sub3A_1059, 1 {pack_format = #tpu.pack_format<interleaved>} : vector<32xbf16> -> vector<16xf32>
        %mul3A_1062 = arith.mulf %unpack3A_1060, %unpack3A_1060 : vector<16xf32>
        %add3A_1063 = arith.addf %add3A_1048, %mul3A_1062 : vector<16xf32>
        %mul3A_1064 = arith.mulf %unpack3A_1061, %unpack3A_1061 : vector<16xf32>
        %add3A_1065 = arith.addf %add3A_1063, %mul3A_1064 : vector<16xf32>
        %get3A_1066 = arith.constant 1 : i32
        %get3A_1067 = arith.index_cast %get3A_1066 : i32 to index
        %get3A_1068 = arith.index_cast %add3A_964 : i32 to index
        %get3A_1069 = arith.constant 192 : index
        %get3A_1070 = tpu.vector_load %arg11[%get3A_1067, %get3A_1068, %get3A_1069] {strides = array<i32>} : memref<2x64x256xbf16, #tpu.memory_space<vmem>>, vector<32xbf16>,
        %get3A_1071 = arith.constant 1 : i32
        %get3A_1072 = arith.index_cast %get3A_1071 : i32 to index
        %get3A_1073 = arith.index_cast %add3A_964 : i32 to index
        %get3A_1074 = arith.constant 192 : index
        %get3A_1075 = tpu.vector_load %arg12[%get3A_1072, %get3A_1073, %get3A_1074] {strides = array<i32>} : memref<2x64x256xbf16, #tpu.memory_space<vmem>>, vector<32xbf16>,
        %sub3A_1076 = arith.subf %get3A_1070, %get3A_1075 : vector<32xbf16>
        %unpack3A_1077 = tpu.unpack_subelements %sub3A_1076, 0 {pack_format = #tpu.pack_format<interleaved>} : vector<32xbf16> -> vector<16xf32>
        %unpack3A_1078 = tpu.unpack_subelements %sub3A_1076, 1 {pack_format = #tpu.pack_format<interleaved>} : vector<32xbf16> -> vector<16xf32>
        %mul3A_1079 = arith.mulf %unpack3A_1077, %unpack3A_1077 : vector<16xf32>
        %add3A_1080 = arith.addf %add3A_1065, %mul3A_1079 : vector<16xf32>
        %mul3A_1081 = arith.mulf %unpack3A_1078, %unpack3A_1078 : vector<16xf32>
        %add3A_1082 = arith.addf %add3A_1080, %mul3A_1081 : vector<16xf32>
        %get3A_1083 = arith.constant 1 : i32
        %get3A_1084 = arith.index_cast %get3A_1083 : i32 to index
        %get3A_1085 = arith.index_cast %add3A_964 : i32 to index
        %get3A_1086 = arith.constant 224 : index
        %get3A_1087 = tpu.vector_load %arg11[%get3A_1084, %get3A_1085, %get3A_1086] {strides = array<i32>} : memref<2x64x256xbf16, #tpu.memory_space<vmem>>, vector<32xbf16>,
        %get3A_1088 = arith.constant 1 : i32
        %get3A_1089 = arith.index_cast %get3A_1088 : i32 to index
        %get3A_1090 = arith.index_cast %add3A_964 : i32 to index
        %get3A_1091 = arith.constant 224 : index
        %get3A_1092 = tpu.vector_load %arg12[%get3A_1089, %get3A_1090, %get3A_1091] {strides = array<i32>} : memref<2x64x256xbf16, #tpu.memory_space<vmem>>, vector<32xbf16>,
        %sub3A_1093 = arith.subf %get3A_1087, %get3A_1092 : vector<32xbf16>
        %unpack3A_1094 = tpu.unpack_subelements %sub3A_1093, 0 {pack_format = #tpu.pack_format<interleaved>} : vector<32xbf16> -> vector<16xf32>
        %unpack3A_1095 = tpu.unpack_subelements %sub3A_1093, 1 {pack_format = #tpu.pack_format<interleaved>} : vector<32xbf16> -> vector<16xf32>
        %mul3A_1096 = arith.mulf %unpack3A_1094, %unpack3A_1094 : vector<16xf32>
        %add3A_1097 = arith.addf %add3A_1082, %mul3A_1096 : vector<16xf32>
        %mul3A_1098 = arith.mulf %unpack3A_1095, %unpack3A_1095 : vector<16xf32>
        %add3A_1099 = arith.addf %add3A_1097, %mul3A_1098 : vector<16xf32>
        %mul3A_1100 = arith.constant 17 : i32
        %mul3A_1101 = arith.muli %add3A_962, %mul3A_1100 : i32
        %swap3A_1102 = arith.index_cast %mul3A_1101 : i32 to index
        %swap3A_1103 = tpu.vector_load %arg13[%swap3A_1102] {strides = array<i32>} : memref<272xf32, #tpu.memory_space<vmem>>, vector<16xf32>,
        tpu.vector_store %arg13[%swap3A_1102], %add3A_1099 {strides = array<i32>} : memref<272xf32, #tpu.memory_space<vmem>>, vector<16xf32>,
      }
      %scan3A_859 = arith.constant 16 : i32
      %gather3A_860 = tpu.vector_load_idx %arg13[%mul3A_10] : memref<272xf32, #tpu.memory_space<vmem>>[vector<16xi32>], vector<16xf32>,
      %add3A_861 = arith.constant 1 : i32
      %add3A_862 = vector.broadcast %add3A_861 : i32 to vector<16xi32>
      %add3A_863 = arith.addi %mul3A_10, %add3A_862 : vector<16xi32>
      %gather3A_864 = tpu.vector_load_idx %arg13[%add3A_863] : memref<272xf32, #tpu.memory_space<vmem>>[vector<16xi32>], vector<16xf32>,
      %add3A_865 = arith.addf %gather3A_860, %gather3A_864 : vector<16xf32>
      %add3A_866 = arith.constant 2 : i32
      %add3A_867 = vector.broadcast %add3A_866 : i32 to vector<16xi32>
      %add3A_868 = arith.addi %mul3A_10, %add3A_867 : vector<16xi32>
      %gather3A_869 = tpu.vector_load_idx %arg13[%add3A_868] : memref<272xf32, #tpu.memory_space<vmem>>[vector<16xi32>], vector<16xf32>,
      %add3A_870 = arith.addf %add3A_865, %gather3A_869 : vector<16xf32>
      %add3A_871 = arith.constant 3 : i32
      %add3A_872 = vector.broadcast %add3A_871 : i32 to vector<16xi32>
      %add3A_873 = arith.addi %mul3A_10, %add3A_872 : vector<16xi32>
      %gather3A_874 = tpu.vector_load_idx %arg13[%add3A_873] : memref<272xf32, #tpu.memory_space<vmem>>[vector<16xi32>], vector<16xf32>,
      %add3A_875 = arith.addf %add3A_870, %gather3A_874 : vector<16xf32>
      %add3A_876 = arith.constant 4 : i32
      %add3A_877 = vector.broadcast %add3A_876 : i32 to vector<16xi32>
      %add3A_878 = arith.addi %mul3A_10, %add3A_877 : vector<16xi32>
      %gather3A_879 = tpu.vector_load_idx %arg13[%add3A_878] : memref<272xf32, #tpu.memory_space<vmem>>[vector<16xi32>], vector<16xf32>,
      %add3A_880 = arith.addf %add3A_875, %gather3A_879 : vector<16xf32>
      %add3A_881 = arith.constant 5 : i32
      %add3A_882 = vector.broadcast %add3A_881 : i32 to vector<16xi32>
      %add3A_883 = arith.addi %mul3A_10, %add3A_882 : vector<16xi32>
      %gather3A_884 = tpu.vector_load_idx %arg13[%add3A_883] : memref<272xf32, #tpu.memory_space<vmem>>[vector<16xi32>], vector<16xf32>,
      %add3A_885 = arith.addf %add3A_880, %gather3A_884 : vector<16xf32>
      %add3A_886 = arith.constant 6 : i32
      %add3A_887 = vector.broadcast %add3A_886 : i32 to vector<16xi32>
      %add3A_888 = arith.addi %mul3A_10, %add3A_887 : vector<16xi32>
      %gather3A_889 = tpu.vector_load_idx %arg13[%add3A_888] : memref<272xf32, #tpu.memory_space<vmem>>[vector<16xi32>], vector<16xf32>,
      %add3A_890 = arith.addf %add3A_885, %gather3A_889 : vector<16xf32>
      %add3A_891 = arith.constant 7 : i32
      %add3A_892 = vector.broadcast %add3A_891 : i32 to vector<16xi32>
      %add3A_893 = arith.addi %mul3A_10, %add3A_892 : vector<16xi32>
      %gather3A_894 = tpu.vector_load_idx %arg13[%add3A_893] : memref<272xf32, #tpu.memory_space<vmem>>[vector<16xi32>], vector<16xf32>,
      %add3A_895 = arith.addf %add3A_890, %gather3A_894 : vector<16xf32>
      %add3A_896 = arith.constant 8 : i32
      %add3A_897 = vector.broadcast %add3A_896 : i32 to vector<16xi32>
      %add3A_898 = arith.addi %mul3A_10, %add3A_897 : vector<16xi32>
      %gather3A_899 = tpu.vector_load_idx %arg13[%add3A_898] : memref<272xf32, #tpu.memory_space<vmem>>[vector<16xi32>], vector<16xf32>,
      %add3A_900 = arith.addf %add3A_895, %gather3A_899 : vector<16xf32>
      %add3A_901 = arith.constant 9 : i32
      %add3A_902 = vector.broadcast %add3A_901 : i32 to vector<16xi32>
      %add3A_903 = arith.addi %mul3A_10, %add3A_902 : vector<16xi32>
      %gather3A_904 = tpu.vector_load_idx %arg13[%add3A_903] : memref<272xf32, #tpu.memory_space<vmem>>[vector<16xi32>], vector<16xf32>,
      %add3A_905 = arith.addf %add3A_900, %gather3A_904 : vector<16xf32>
      %add3A_906 = arith.constant 10 : i32
      %add3A_907 = vector.broadcast %add3A_906 : i32 to vector<16xi32>
      %add3A_908 = arith.addi %mul3A_10, %add3A_907 : vector<16xi32>
      %gather3A_909 = tpu.vector_load_idx %arg13[%add3A_908] : memref<272xf32, #tpu.memory_space<vmem>>[vector<16xi32>], vector<16xf32>,
      %add3A_910 = arith.addf %add3A_905, %gather3A_909 : vector<16xf32>
      %add3A_911 = arith.constant 11 : i32
      %add3A_912 = vector.broadcast %add3A_911 : i32 to vector<16xi32>
      %add3A_913 = arith.addi %mul3A_10, %add3A_912 : vector<16xi32>
      %gather3A_914 = tpu.vector_load_idx %arg13[%add3A_913] : memref<272xf32, #tpu.memory_space<vmem>>[vector<16xi32>], vector<16xf32>,
      %add3A_915 = arith.addf %add3A_910, %gather3A_914 : vector<16xf32>
      %add3A_916 = arith.constant 12 : i32
      %add3A_917 = vector.broadcast %add3A_916 : i32 to vector<16xi32>
      %add3A_918 = arith.addi %mul3A_10, %add3A_917 : vector<16xi32>
      %gather3A_919 = tpu.vector_load_idx %arg13[%add3A_918] : memref<272xf32, #tpu.memory_space<vmem>>[vector<16xi32>], vector<16xf32>,
      %add3A_920 = arith.addf %add3A_915, %gather3A_919 : vector<16xf32>
      %add3A_921 = arith.constant 13 : i32
      %add3A_922 = vector.broadcast %add3A_921 : i32 to vector<16xi32>
      %add3A_923 = arith.addi %mul3A_10, %add3A_922 : vector<16xi32>
      %gather3A_924 = tpu.vector_load_idx %arg13[%add3A_923] : memref<272xf32, #tpu.memory_space<vmem>>[vector<16xi32>], vector<16xf32>,
      %add3A_925 = arith.addf %add3A_920, %gather3A_924 : vector<16xf32>
      %add3A_926 = arith.constant 14 : i32
      %add3A_927 = vector.broadcast %add3A_926 : i32 to vector<16xi32>
      %add3A_928 = arith.addi %mul3A_10, %add3A_927 : vector<16xi32>
      %gather3A_929 = tpu.vector_load_idx %arg13[%add3A_928] : memref<272xf32, #tpu.memory_space<vmem>>[vector<16xi32>], vector<16xf32>,
      %add3A_930 = arith.addf %add3A_925, %gather3A_929 : vector<16xf32>
      %add3A_931 = arith.constant 15 : i32
      %add3A_932 = vector.broadcast %add3A_931 : i32 to vector<16xi32>
      %add3A_933 = arith.addi %mul3A_10, %add3A_932 : vector<16xi32>
      %gather3A_934 = tpu.vector_load_idx %arg13[%add3A_933] : memref<272xf32, #tpu.memory_space<vmem>>[vector<16xi32>], vector<16xf32>,
      %add3A_935 = arith.addf %add3A_930, %gather3A_934 : vector<16xf32>
      %mul3A_936 = arith.constant 64 : i32
      %mul3A_937 = arith.muli %add3A_502, %mul3A_936 : i32
      %add3A_938 = arith.constant 48 : i32
      %add3A_939 = arith.addi %mul3A_937, %add3A_938 : i32
      %get3A_940 = arith.index_cast %add3A_939 : i32 to index
      %get3A_941 = tpu.vector_load %arg9[%get3A_940] {strides = array<i32>} : memref<4096xf32, #tpu.memory_space<vmem>>, vector<16xf32>,
      %mul3A_942 = arith.constant 64 : i32
      %mul3A_943 = arith.muli %add3A_502, %mul3A_942 : i32
      %add3A_944 = arith.constant 48 : i32
      %add3A_945 = arith.addi %mul3A_943, %add3A_944 : i32
      %get3A_946 = arith.index_cast %add3A_945 : i32 to index
      %get3A_947 = tpu.vector_load %arg10[%get3A_946] {strides = array<i32>} : memref<4096xf32, #tpu.memory_space<vmem>>, vector<16xf32>,
      %mul3A_948 = arith.mulf %get3A_941, %add3A_935 : vector<16xf32>
      %add3A_949 = arith.addf %add3A_854, %mul3A_948 : vector<16xf32>
      %sub3A_950 = arith.constant 5.000000e+00 : f32
      %sub3A_951 = vector.broadcast %sub3A_950 : f32 to vector<16xf32>
      %sub3A_952 = arith.subf %sub3A_951, %add3A_935 : vector<16xf32>
      %max3A_953 = arith.constant 0.000000e+00 : f32
      %max3A_954 = vector.broadcast %max3A_953 : f32 to vector<16xf32>
      %max3A_955 = arith.maximumf %sub3A_952, %max3A_954 : vector<16xf32>
      %mul3A_956 = arith.mulf %get3A_947, %max3A_955 : vector<16xf32>
      %add3A_957 = arith.addf %add3A_949, %mul3A_956 : vector<16xf32>
      scf.yield %add3A_957 : vector<16xf32>
    }
    %scan3A_40 = arith.constant 32 : i32
    %swap3A = arith.constant 0 : index
    %swap3A_41 = tpu.vector_load %arg14[%swap3A] {strides = array<i32>} : memref<16xf32, #tpu.memory_space<vmem>>, vector<16xf32>,
    tpu.vector_store %arg14[%swap3A], %scan3A_39 {strides = array<i32>} : memref<16xf32, #tpu.memory_space<vmem>>, vector<16xf32>,
    "tpu.region"() ({
      %run_scoped3A = tpu.sem_alloc : memref<!tpu.dma_semaphore, #tpu.memory_space<semaphore_mem>>
      %dma_start3A_42 = arith.constant 0 : i32
      %dma_start3A_43 = tpu.memref_slice %arg6[%add3A, %dma_start3A_42] : memref<32x16xf32, #tpu.memory_space<hbm>> -> memref<1x16xf32, #tpu.memory_space<hbm>>
      %dma_start3A_44 = tpu.memref_squeeze %dma_start3A_43 : memref<1x16xf32, #tpu.memory_space<hbm>> -> memref<16xf32, #tpu.memory_space<hbm>>
      %dma_start3A_45 = arith.constant 0 : i32
      %dma_start3A_46 = tpu.memref_slice %arg6[%add3A, %dma_start3A_45] : memref<32x16xf32, #tpu.memory_space<hbm>> -> memref<1x16xf32, #tpu.memory_space<hbm>>
      %dma_start3A_47 = tpu.memref_squeeze %dma_start3A_46 : memref<1x16xf32, #tpu.memory_space<hbm>> -> memref<16xf32, #tpu.memory_space<hbm>>
      tpu.enqueue_dma source(%arg14 : memref<16xf32, #tpu.memory_space<vmem>>) target(%dma_start3A_47 : memref<16xf32, #tpu.memory_space<hbm>>) target_semaphore(%run_scoped3A : memref<!tpu.dma_semaphore, #tpu.memory_space<semaphore_mem>>)
      %dma_wait3A = arith.constant 0 : i32
      %dma_wait3A_48 = tpu.memref_slice %arg6[%add3A, %dma_wait3A] : memref<32x16xf32, #tpu.memory_space<hbm>> -> memref<1x16xf32, #tpu.memory_space<hbm>>
      %dma_wait3A_49 = tpu.memref_squeeze %dma_wait3A_48 : memref<1x16xf32, #tpu.memory_space<hbm>> -> memref<16xf32, #tpu.memory_space<hbm>>
      %dma_wait3A_50 = arith.constant 0 : i32
      %dma_wait3A_51 = tpu.memref_slice %arg6[%add3A, %dma_wait3A_50] : memref<32x16xf32, #tpu.memory_space<hbm>> -> memref<1x16xf32, #tpu.memory_space<hbm>>
      %dma_wait3A_52 = tpu.memref_squeeze %dma_wait3A_51 : memref<1x16xf32, #tpu.memory_space<hbm>> -> memref<16xf32, #tpu.memory_space<hbm>>
      tpu.wait_dma2 semaphore(%run_scoped3A : memref<!tpu.dma_semaphore, #tpu.memory_space<semaphore_mem>>) src(%arg14 : memref<16xf32, #tpu.memory_space<vmem>>) dst(%dma_wait3A_52 : memref<16xf32, #tpu.memory_space<hbm>>)
      tpu.yield
    }) : () -> ()
    return
  }
}

</mosaic_0001>

<sc_bundles>
// kernel: kernel.3.cloned.1.call-start
scs
__scs_entry_jumppad:
0x0: {  	(pc) =	sbr.rel $0x88, $3  }
0x1: {  	(tag) =	ssettag $0x0;
	lr =	simm.s32 $0x1  }
0x2: {  	[smem:$0x3F9D] =	sst lr;
	_ =	strace $0xD0000000  }
0x3: {  	_ = 	snop  }
0x4: {  	_ = 	snop  }
0x5: {  	_ = 	snop  }
0x6: {  	_ = 	snop  }
0x7: {  	_ = 	snop  }
__scs_overlays_trampoline_lowered:
0x8: {  	[smem:$0x3FAC] =	sst s0  }
0x9: {  	[smem:$0x3FAD] =	sst s1  }
0xa: {  	[smem:$0x3FAE] =	sst s2  }
0xb: {  	[smem:$0x3FAF] =	sst s3  }
0xc: {  	[smem:$0x3FB0] =	sst s4  }
0xd: {  	[smem:$0x3FB1] =	sst s5  }
0xe: {  	[smem:$0x3FB2] =	sst s6  }
0xf: {  	[smem:$0x3FB3] =	sst s7  }
0x10: {  	[smem:$0x3FB4] =	sst s8  }
0x11: {  	[smem:$0x3FB5] =	sst s9;
	s0 =	simm.s32 @!p0 $0x0  }
0x12: {  	s1 =	sld [smem:$0x3F9B];
	s0 =	simm.s32 @p0 $0x1  }
0x13: {  	[smem:$0x3FB6] =	sst s0;
	s0 =	simm.s32 @!p1 $0x0  }
0x14: {  	s2 =	sld [smem:$0x3F9A];
	s0 =	simm.s32 @p1 $0x1  }
0x15: {  	[smem:$0x3FB7] =	sst s0;
	s0 =	simm.s32 @!p2 $0x0  }
0x16: {  	s3 =	sld [smem:$0x3FDB];
	s0 =	simm.s32 @p2 $0x1  }
0x17: {  	s4 =	simm.s32 $0x1BF5;
	[smem:$0x3FB9] =	sst s0  }
0x18: {  	s0 =	sld [smem:$0x3F9C];
	_ =	swait.ge [sflag:s4], $0x0  }
0x19: {  	s7 =	sld [smem:$0x3F9D]  }
0x1a: {  	s8 =	sadd.s32 $0xFFFFE003, lr  }
0x1b: {  	s9 =	sadd.s32 $0xFFFFFEF7, lr;
	s5 =	simm.s32 $0xFFFFFFFF;
	p2 =	slt.u32 s8, $0xFFFFF086  }
0x1c: {  	p1 =	slt.u32 s9, $0xF7A;
	s5 =	simm.s32 @!p2 $0x0  }
0x1d: {  	s5 =	simm.s32 @p1 $0x1;
	p0 =	seq.s32 s7, s2  }
0x1e: {  	s7 =	smul.u32 @!p0 $0xF7A, s2;
	p2 =	seq.s32 @!p0 s5, $0x0  }
0x1f: {  	s9 =	smul.u32 $0xF7A, s1;
	s8 =	simm.s32 @!p0 $0x1BF5;
	p2 =	por !p2, p0  }
0x20: {  	[sflag:s8] =	ssyncset.s32 @!p0 $0xFFFFF086;
	s6 =	sadd.s32 @!p0 s3, s7;
	s7 =	simm.s32 @!p0 $0x108  }
0x21: {  	s3 =	sadd.s32 s3, s9;
	s6 =	sadd.s32 @!p0 $0x88, s6;
	s7 =	simm.s32 @p2 $0x1082  }
0x22: {  	[simem:s7], [sflag:s8] =	dma.local @!p0 [hbm:s6], $0xF7A  }
0x23: {  	s9 =	sor.u32 $0xD0000000, s2;
	s6 =	simm.s32 $0x108;
	_ =	swait.ge @!p0 [sflag:s8], $0x0  }
0x24: {  	s3 =	sadd.s32 $0x88, s3;
	s6 =	simm.s32 @!p1 $0x1082;
	[sflag:s4] =	ssyncset.s32 $0xFFFFF086  }
0x25: {  	[simem:s6], [sflag:s4] =	dma.local [hbm:s3], $0xF7A  }
0x26: {  	[smem:$0x3F9D] =	sst s1;
	(tag) =	ssettag s2;
	_ =	strace s9  }
0x27: {  	s1 =	sld [smem:$0x3FAD]  }
0x28: {  	s2 =	sld [smem:$0x3FAE]  }
0x29: {  	s4 =	sld [smem:$0x3FB0]  }
0x2a: {  	p0 =	seq.s32 s5, $0x0;
	s5 =	sld [smem:$0x3FB1]  }
0x2b: {  	s6 =	sld [smem:$0x3FB2]  }
0x2c: {  	s7 =	sld [smem:$0x3FB3]  }
0x2d: {  	s3 =	simm.s32 $0x108;
	s8 =	sld [smem:$0x3FB4]  }
0x2e: {  	s3 =	simm.s32 @!p0 $0x1082;
	s9 =	sld [smem:$0x3FB5]  }
0x2f: {  	lr =	sadd.s32 s0, s3;
	s0 =	sld [smem:$0x3FAC]  }
0x30: {  	s3 =	sld [smem:$0x3FAF]  }
0x31: {  	[smem:$0x3FB8] =	sst s10  }
0x32: {  	s10 =	sld [smem:$0x3FB6];
	_ =	sdelay $0x3  }
0x33: {  	p0 =	seq.s32 s10, $0x1;
	s10 =	sld [smem:$0x3FB8];
	_ =	sdelay $0x3  }
0x34: {  	[smem:$0x3FB8] =	sst s10  }
0x35: {  	s10 =	sld [smem:$0x3FB7];
	_ =	sdelay $0x3  }
0x36: {  	p1 =	seq.s32 s10, $0x1;
	s10 =	sld [smem:$0x3FB8];
	_ =	sdelay $0x3  }
0x37: {  	[smem:$0x3FB8] =	sst s10  }
0x38: {  	s10 =	sld [smem:$0x3FB9]  }
0x39: {  	_ = 	snop;
	(pc) =	sbr.ind lr, $3  }
0x3a: {  	_ = 	snop  }
0x3b: {  	_ = 	snop  }
0x3c: {  	p2 =	seq.s32 s10, $0x1;
	s10 =	sld [smem:$0x3FB8]  }
0x3d: {  	_ =	shalt  }
0x3e: {  	_ =	shalt  }
0x3f: {  	_ =	shalt  }
0x40: {  	_ =	shalt  }
0x41: {  	_ =	shalt  }
0x42: {  	_ =	shalt  }
0x43: {  	_ =	shalt  }
0x44: {  	_ =	shalt  }
0x45: {  	_ =	shalt  }
0x46: {  	_ =	shalt  }
0x47: {  	_ =	shalt  }
0x48: {  	_ =	shalt  }
0x49: {  	_ =	shalt  }
0x4a: {  	_ =	shalt  }
0x4b: {  	_ =	shalt  }
0x4c: {  	_ =	shalt  }
0x4d: {  	_ =	shalt  }
0x4e: {  	_ =	shalt  }
0x4f: {  	_ =	shalt  }
0x50: {  	_ =	shalt  }
0x51: {  	_ =	shalt  }
0x52: {  	_ =	shalt  }
0x53: {  	_ =	shalt  }
0x54: {  	_ =	shalt  }
0x55: {  	_ =	shalt  }
0x56: {  	_ =	shalt  }
0x57: {  	_ =	shalt  }
0x58: {  	_ =	shalt  }
0x59: {  	_ =	shalt  }
0x5a: {  	_ =	shalt  }
0x5b: {  	_ =	shalt  }
0x5c: {  	_ =	shalt  }
0x5d: {  	_ =	shalt  }
0x5e: {  	_ =	shalt  }
0x5f: {  	_ =	shalt  }
0x60: {  	_ =	shalt  }
0x61: {  	_ =	shalt  }
0x62: {  	_ =	shalt  }
0x63: {  	_ =	shalt  }
0x64: {  	_ =	shalt  }
0x65: {  	_ =	shalt  }
0x66: {  	_ =	shalt  }
0x67: {  	_ =	shalt  }
0x68: {  	_ =	shalt  }
0x69: {  	_ =	shalt  }
0x6a: {  	_ =	shalt  }
0x6b: {  	_ =	shalt  }
0x6c: {  	_ =	shalt  }
0x6d: {  	_ =	shalt  }
0x6e: {  	_ =	shalt  }
0x6f: {  	_ =	shalt  }
0x70: {  	_ =	shalt  }
0x71: {  	_ =	shalt  }
0x72: {  	_ =	shalt  }
0x73: {  	_ =	shalt  }
0x74: {  	_ =	shalt  }
0x75: {  	_ =	shalt  }
0x76: {  	_ =	shalt  }
0x77: {  	_ =	shalt  }
0x78: {  	_ =	shalt  }
0x79: {  	_ =	shalt  }
0x7a: {  	_ =	shalt  }
0x7b: {  	_ =	shalt  }
0x7c: {  	_ =	shalt  }
0x7d: {  	_ =	shalt  }
0x7e: {  	_ =	shalt  }
0x7f: {  	_ =	shalt  }
0x80: {  	_ =	shalt  }
0x81: {  	_ =	shalt  }
0x82: {  	_ =	shalt  }
0x83: {  	_ =	shalt  }
0x84: {  	_ =	shalt  }
0x85: {  	_ =	shalt  }
0x86: {  	_ =	shalt  }
0x87: {  	_ =	shalt  }
.Lfunc_end0:
.L_simem_size_0:
called_computation_lowered:
.L_overlay_start_0:
0x88: {  	s2 =	sld [smem:$0x3FD9]  }
0x89: {  	s3 =	sld [smem:$0x3FFE];
	_ =	sdelay $0x1  }
0x8a: {  	s1 =	srdreg.scid  }
0x8b: {  	s0 =	sand.u32 $0x1, s1  }
0x8c: {  	s16 =	sshll.u32 s0, $0xA;
	s2 =	sadd.s32 s3, s2  }
0x8d: {  	s2 =	sadd.s32 s2, s16  }
0x8e: {  	[smem:$0x3FC4] =	sst s2  }
0x8f: {  	_ = 	snop  }
0x90: {  	(tm) =	ssettm $0x1  }
0x91: {  	s17 =	sld [smem:$0x3FFB];
	_ =	sdelay $0x3  }
0x92: {  	_ =	strace s17  }
0x93: {  	s2 =	sld [smem:$0x3FFC];
	_ =	sdelay $0x3  }
0x94: {  	_ =	strace s2  }
0x95: {  	s2 =	sld [smem:$0x3FFD];
	_ =	sdelay $0x3  }
0x96: {  	_ =	strace s2  }
0x97: {  	_ =	strace $0x8FFFFFFF  }
0x98: {  	s18 =	sld [smem:$0x3FDB];
	_ =	sdelay $0x1  }
0x99: {  	s19 =	simm.s32 $_scs_section_size  }
0x9a: {  	s4 =	simm.s32 $_size__tile_overlayer_lowered;
	s5 =	simm.s32 $_tile_overlayer_lowered  }
0x9b: {  	s22 =	simm.s32 $0x1BFF;
	s21 =	sshll.u32 s5, $0x1;
	s2 =	sadd.s32 s19, s18  }
0x9c: {  	s6 =	simm.s32 $0x0;
	s20 =	sshll.u32 s4, $0x1;
	s4 =	sadd.s32 s21, s2  }
0x9d: {  	[timem:s6], [sflag:s22] =	dma.local [hbm:s4], s20  }
0x9e: {  	_ =	swait.ge [sflag:s22], s20  }
0x9f: {  	s3 =	ssub.s32 $0x0, s20;
	[sflag:s22] =	ssyncset.done $0x0  }
0xa0: {  	[sflag:s22] =	ssyncadd.s32 s3;
	_ =	sdelay $0x1  }
0xa1: {  	s23 =	simm.s32 $0x1B8B  }
0xa2: {  	_ =	swait.ge [sflag:s23], $0x1  }
0xa3: {  	[sflag:s23] =	ssyncset.done $0x0  }
0xa4: {  	s25 =	simm.s32 $0x1B8E;
	s24 =	sld [smem:$0x3FFE];
	[sflag:s23] =	ssyncadd.s32 $0xFFFFFFFF  }
0xa5: {  	s26 =	simm.s32 $execute0_lowered;
	[smem:$0x3FD2] =	sst s25  }
0xa6: {  	s4 =	sshll.u32 s26, $0x1;
	_ =	strace $0x80000046;
	[dreg:$0x1] =	wrdreg $0xFFFFFFFF  }
0xa7: {  	s28 =	simm.s32 $_size_execute0_lowered;
	s2 =	sadd.s32 s2, s4;
	[dreg:$0x0] =	wrdreg $0x0  }
0xa8: {  	s4 =	sshll.u32 s28, $0x1;
	[dreg:$0x2] =	wrdreg s2  }
0xa9: {  	[dreg:$0x3] =	wrdreg s4  }
0xaa: {  	[dreg:$0x4] =	wrdreg $0xC0  }
0xab: {  	_ =	task [dreg:s6], $0x5FFFF  }
0xac: {  	[dreg:$0x1] =	wrdreg $0xFFFFFFFF  }
0xad: {  	[dreg:$0x0] =	wrdreg $0x60  }
0xae: {  	[dreg:$0x2] =	wrdreg s24  }
0xaf: {  	[dreg:$0x3] =	wrdreg $0x9  }
0xb0: {  	_ =	task.clear_ibuf [dreg:s6], $0x4FFFF;
	_ =	strace $0x90000046  }
0xb1: {  	s29 =	simm.s32 $0x9;
	_ =	strace $0x80000048  }
0xb2: {  	_ =	swait.ge [sflag:s29], $0x1  }
0xb3: {  	[sflag:s29] =	ssyncadd.s32 $0xFFFFFFFF  }
0xb4: {  	_ =	strace $0x90000048  }
0xb5: {  	_ =	sfence  }
0xb6: {  	s30 =	sld [smem:$0x0];
	_ =	sdelay $0x2  }
0xb7: {  	s31 =	sshll.u32 s1, $0xD;
	s1 =	sshrl.u32 s1, $0x2  }
0xb8: {  	s3 =	sand.u32 $0x4000, s31;
	s1 =	sadd.s32 s1, s30  }
0xb9: {  	s0 =	sor.u32 s3, s0;
	s1 =	sshll.u32 s1, $0x11  }
0xba: {  	s0 =	sor.u32 s1, s0  }
0xbb: {  	s0 =	sadd.s32 $0x8F2B, s0  }
0xbc: {  	[sflag:s0] =	ssyncadd.remote.s32 $0x1  }
0xbd: {  	_ =	sfence.sel $0xFFFF  }
0xbe: {  	[dreg:$0x0] =	wrdreg $0xFFFFFFFF;
	(pc) =	sbr.abs _section_cstart, $3  }
0xbf: {  	[dreg:$0x1] =	wrdreg $0xFFFFFFFF  }
0xc0: {  	_ =	task.clear_ibuf [dreg:s6], $0x2FFFF;
	_ =	strace $0x9FFFFFFF  }
0xc1: {  	(tm) =	ssettm $0x7FFFFFFF  }
tec
execute0_lowered:
.L_overlay_start_1:
0x0: {  	(tag) =	ssettag $0x1  }
0x1: {  	s0 =	rddreg [dreg:$0x0];
	s2 =	simm.s32 $0x0;
	s1 =	srdreg.scid  }
0x2: {  	s4 =	stileid.u32;
	s11 =	simm.s32 $0x5;
	s12 =	simm.s32 $0x1000  }
0x3: {  	s13 =	simm.s32 $0x2000;
	s14 =	simm.s32 $0x3000;
	s15 =	simm.s32 $0x40  }
0x4: {  	s16 =	simm.s32 $0x4000;
	s17 =	simm.s32 $0x8000;
	s18 =	simm.s32 $0x6000  }
0x5: {  	s19 =	simm.s32 $0xA000;
	s20 =	simm.s32 $0x1;
	s21 =	simm.s32 $0x3  }
0x6: {  	s22 =	simm.s32 $0xC000;
	s23 =	simm.s32 $0x2;
	s24 =	simm.s32 $0x4  }
0x7: {  	v0 =	vlaneseq.u32;
	s25 =	simm.s32 $0xC110;
	s26 =	simm.s32 $0x0;
	[smem:$0x7FF] =	sst s2  }
0x8: {  	s3 =	sadd.s32 $0x1A00, s0;
	s1 =	sand.u32 $0x1, s1;
	s5 =	sshll.u32 s4, $0x1;
	v24 =	vmul.u32 $0x11, v0  }
0x9: {  	s4 =	sadd.s32 $0x41A00, s0;
	s6 =	sadd.s32 $0x81A00, s0;
	s8 =	sadd.s32 $0x89A00, s0  }
0xa: {  	_ =	strace $0x80000047;
	s5 =	sor.u32 s1, s5;
	s1 =	ssub.s32 $0x2, s1;
	v32 =	vadd.s32 $0x1, v24;
	v34 =	vadd.s32 $0x2, v24;
	v6 =	vadd.s32 $0x5, v24;
	[tilespmem:$0x1FFB0] =	vst v24  }
0xb: {  	s7 =	sshll.u32 s5, $0x1;
	s31 =	sshrl.u32 s1, $0x1;
	s9 =	sshll.u32 s5, $0x9;
	v33 =	vadd.s32 $0x3, v24;
	v35 =	vadd.s32 $0x4, v24;
	v7 =	vadd.s32 $0x6, v24;
	[tilespmem:$0x1FFC0] =	vst v6  }
0xc: {  	v25 =	vadd.s32 $0x7, v24;
	v26 =	vadd.s32 $0x8, v24;
	v9 =	vadd.s32 $0x9, v24;
	s0 =	sadd.s32 s7, s0;
	s1 =	ssub.s32 s1, s31;
	s10 =	sor.u32 $0x4000, s9;
	[tilespmem:$0x1FFD0] =	vst v7  }
0xd: {  	v10 =	vadd.s32 $0xA, v24;
	v11 =	vadd.s32 $0xB, v24;
	v12 =	vadd.s32 $0xC, v24;
	s5 =	sadd.s32 s6, s9;
	s7 =	sadd.s32 s8, s9;
	[tilespmem:$0x1FFE0] =	vst v25;
	s6 =	sadd.s32 s6, s10  }
0xe: {  	v13 =	vadd.s32 $0xD, v24;
	v14 =	vadd.s32 $0xE, v24;
	v15 =	vadd.s32 $0xF, v24;
	[tilespmem:$0x1FFF0] =	vst v26;
	s8 =	sadd.s32 s8, s10;
	s9 =	sadd.s32 $0x91A00, s0;
	s10 =	smax.u32 s1, $0x1  }
.LBB2_1:
0xf: {  	[tilespmem:s2], [sflag:$0x5] =	stream.linear.gather [hbm4b:s5+s2], $0x1000, $0x38;
	[tilespmem:$0xC120] =	vst v63  }
0x10: {  	_ =	swait.ge [sflag:s11], $0x1000  }
0x11: {  	[sflag:s11] =	ssyncset.done $0x0  }
0x12: {  	[sflag:s11] =	ssyncadd.s32 $0xFFFFF000  }
0x13: {  	[tilespmem:s12], [sflag:$0x5] =	stream.linear.gather [hbm4b:s6+s2], $0x1000, $0x38;
	[tilespmem:$0xC120] =	vst v63  }
0x14: {  	_ =	swait.ge [sflag:s11], $0x1000  }
0x15: {  	[sflag:s11] =	ssyncset.done $0x0  }
0x16: {  	[sflag:s11] =	ssyncadd.s32 $0xFFFFF000  }
0x17: {  	[tilespmem:s13], [sflag:$0x5] =	stream.linear.gather [hbm4b:s7+s2], $0x1000, $0x38;
	[tilespmem:$0xC120] =	vst v63  }
0x18: {  	_ =	swait.ge [sflag:s11], $0x1000  }
0x19: {  	[sflag:s11] =	ssyncset.done $0x0  }
0x1a: {  	[sflag:s11] =	ssyncadd.s32 $0xFFFFF000  }
0x1b: {  	[tilespmem:s14], [sflag:$0x5] =	stream.linear.gather [hbm4b:s8+s2], $0x1000, $0x38;
	[tilespmem:$0xC120] =	vst v63  }
0x1c: {  	_ =	swait.ge [sflag:s11], $0x1000  }
0x1d: {  	[sflag:s11] =	ssyncset.done $0x0  }
0x1e: {  	[sflag:s11] =	ssyncadd.s32 $0xFFFFF000  }
0x1f: {  	[tilespmem:s16], [sflag:$0x1] =	stream.indirect.gather [hbm4b:s3+s15], $0x80, s2, s15, $0xb8;
	[tilespmem:$0xC120] =	vst v63  }
0x20: {  	s28 =	simm.s32 $0x0  }
0x21: {  	v16 =	vimm.f32 $0.0e+00;
	[tilespmem:s17], [sflag:$0x3] =	stream.indirect.gather [hbm4b:s4+s15], $0x80, s12, s15, $0xb8;
	[tilespmem:$0xC120] =	vst v63  }
.LBB2_2:
0x22: {  	s29 =	sshll.u32 s28, $0x7  }
0x23: {  	s30 =	sor.u32 $0x40, s29  }
0x24: {  	[tilespmem:s18], [sflag:$0x2] =	stream.indirect.gather [hbm4b:s3+s15], $0x80, s30, s15, $0xb8;
	[tilespmem:$0xC120] =	vst v63  }
0x25: {  	s0 =	sadd.s32 $0x1040, s29  }
0x26: {  	[tilespmem:s19], [sflag:$0x4] =	stream.indirect.gather [hbm4b:s4+s15], $0x80, s0, s15, $0xb8;
	[tilespmem:$0xC120] =	vst v63  }
0x27: {  	_ =	swait.ge [sflag:s20], $0x2000  }
0x28: {  	[sflag:s20] =	ssyncset.done $0x0  }
0x29: {  	[sflag:s20] =	ssyncadd.s32 $0xFFFFE000  }
0x2a: {  	_ =	swait.ge [sflag:s21], $0x2000  }
0x2b: {  	[sflag:s21] =	ssyncset.done $0x0  }
0x2c: {  	s1 =	simm.s32 $0x0;
	[sflag:s21] =	ssyncadd.s32 $0xFFFFE000  }
0x2d: {  	v17 =	vld [tilespmem:s1+$0x8000]  }
0x2e: {  	v18 =	vld [tilespmem:s1+$0x4000]  }
0x2f: {  	v19 =	vld [tilespmem:s1+$0x8010]  }
0x30: {  	v20 =	vld [tilespmem:s1+$0x4010];
	_ =	sdelay $0x2  }
0x31: {  	v21 =	vld [tilespmem:s1+$0x4020];
	v17 =	vsub.bf16 v18, v17  }
0x32: {  	v18 =	vld [tilespmem:s1+$0x8020]  }
0x33: {  	v19 =	vsub.bf16 v20, v19;
	v22 =	vunpack.i.u.bf16.f32 v17;
	v17 =	vunpack.i.l.bf16.f32 v17  }
0x34: {  	v17 =	vmul.f32 v17, v17;
	v51 =	vmul.f32 v22, v22  }
0x35: {  	v23 =	vld [tilespmem:s1+$0x8030];
	v52 =	vunpack.i.l.bf16.f32 v19  }
0x36: {  	v54 =	vld [tilespmem:s1+$0x4030];
	v53 =	vmul.f32 v52, v52;
	v17 =	vadd.f32 v17, v51  }
0x37: {  	v19 =	vunpack.i.u.bf16.f32 v19;
	v18 =	vsub.bf16 v21, v18  }
0x38: {  	v19 =	vmul.f32 v19, v19;
	v17 =	vadd.f32 v53, v17  }
0x39: {  	v56 =	vld [tilespmem:s1+$0x8040];
	v55 =	vunpack.i.l.bf16.f32 v18  }
0x3a: {  	v57 =	vld [tilespmem:s1+$0x4040];
	v17 =	vadd.f32 v17, v19;
	v19 =	vmul.f32 v55, v55  }
0x3b: {  	v22 =	vsub.bf16 v54, v23;
	v18 =	vunpack.i.u.bf16.f32 v18  }
0x3c: {  	v18 =	vmul.f32 v18, v18;
	v17 =	vadd.f32 v19, v17  }
0x3d: {  	v58 =	vld [tilespmem:s1+$0x8050];
	v19 =	vunpack.i.l.bf16.f32 v22  }
0x3e: {  	v17 =	vadd.f32 v17, v18;
	v18 =	vmul.f32 v19, v19;
	v19 =	vld [tilespmem:s1+$0x4050]  }
0x3f: {  	v20 =	vsub.bf16 v57, v56;
	v22 =	vunpack.i.u.bf16.f32 v22  }
0x40: {  	v17 =	vadd.f32 v18, v17;
	v18 =	vmul.f32 v22, v22  }
0x41: {  	v59 =	vld [tilespmem:s1+$0x8060];
	v21 =	vunpack.i.l.bf16.f32 v20  }
0x42: {  	v60 =	vld [tilespmem:s1+$0x4060];
	v17 =	vadd.f32 v17, v18;
	v18 =	vmul.f32 v21, v21  }
0x43: {  	v20 =	vunpack.i.u.bf16.f32 v20;
	v19 =	vsub.bf16 v19, v58  }
0x44: {  	v17 =	vadd.f32 v18, v17;
	v18 =	vmul.f32 v20, v20  }
0x45: {  	v62 =	vld [tilespmem:s1+$0x8070];
	v61 =	vunpack.i.l.bf16.f32 v19  }
0x46: {  	v63 =	vld [tilespmem:s1+$0x4070];
	v17 =	vadd.f32 v17, v18;
	v18 =	vmul.f32 v61, v61  }
0x47: {  	v21 =	vsub.bf16 v60, v59;
	v19 =	vunpack.i.u.bf16.f32 v19  }
0x48: {  	v17 =	vadd.f32 v18, v17;
	v18 =	vmul.f32 v19, v19  }
0x49: {  	v19 =	vunpack.i.l.bf16.f32 v21  }
0x4a: {  	v17 =	vadd.f32 v17, v18;
	v18 =	vmul.f32 v19, v19  }
0x4b: {  	v20 =	vsub.bf16 v63, v62;
	v19 =	vunpack.i.u.bf16.f32 v21  }
0x4c: {  	v17 =	vadd.f32 v18, v17;
	v18 =	vmul.f32 v19, v19  }
0x4d: {  	v19 =	vunpack.i.l.bf16.f32 v20  }
0x4e: {  	v17 =	vadd.f32 v17, v18;
	v18 =	vmul.f32 v19, v19  }
0x4f: {  	v19 =	vunpack.i.u.bf16.f32 v20  }
0x50: {  	v17 =	vadd.f32 v18, v17;
	v18 =	vmul.f32 v19, v19;
	_ =	sdelay $0x1  }
0x51: {  	v17 =	vadd.f32 v17, v18  }
0x52: {  	s31 =	simm.s32 $0xC000  }
0x53: {  	s0 =	simm.s32 $0x80;
	[tilespmem:s31+$0x0] =	vst v17  }
0x54: {  	s1 =	simm.s32 $0x400;
	v17 =	vld [tilespmem:s0+$0x8000]  }
.LBB2_3:
0x55: {  	p0 =	sne.s32 s1, $0x1E00;
	v18 =	vld [tilespmem:s0+$0x4000]  }
0x56: {  	v19 =	vld [tilespmem:s0+$0x8010]  }
0x57: {  	v20 =	vld [tilespmem:s0+$0x4010];
	_ =	sdelay $0x2  }
0x58: {  	v17 =	vsub.bf16 v18, v17;
	v18 =	vld [tilespmem:s0+$0x8020]  }
0x59: {  	v21 =	vld [tilespmem:s0+$0x4020]  }
0x5a: {  	v22 =	vunpack.i.u.bf16.f32 v17;
	v17 =	vunpack.i.l.bf16.f32 v17;
	v19 =	vsub.bf16 v20, v19  }
0x5b: {  	v17 =	vmul.f32 v17, v17;
	v20 =	vmul.f32 v22, v22  }
0x5c: {  	v22 =	vunpack.i.l.bf16.f32 v19;
	v23 =	vld [tilespmem:s0+$0x8030]  }
0x5d: {  	v17 =	vadd.f32 v17, v20;
	v20 =	vmul.f32 v22, v22;
	v22 =	vld [tilespmem:s0+$0x4030]  }
0x5e: {  	v19 =	vunpack.i.u.bf16.f32 v19;
	v18 =	vsub.bf16 v21, v18  }
0x5f: {  	v19 =	vmul.f32 v19, v19;
	v17 =	vadd.f32 v20, v17  }
0x60: {  	v20 =	vunpack.i.l.bf16.f32 v18;
	v21 =	vld [tilespmem:s0+$0x8040]  }
0x61: {  	v17 =	vadd.f32 v17, v19;
	v19 =	vmul.f32 v20, v20;
	v20 =	vld [tilespmem:s0+$0x4040]  }
0x62: {  	v18 =	vunpack.i.u.bf16.f32 v18;
	v22 =	vsub.bf16 v22, v23  }
0x63: {  	v18 =	vmul.f32 v18, v18;
	v17 =	vadd.f32 v19, v17  }
0x64: {  	v19 =	vunpack.i.l.bf16.f32 v22;
	v23 =	vld [tilespmem:s0+$0x8050]  }
0x65: {  	v17 =	vadd.f32 v17, v18;
	v18 =	vmul.f32 v19, v19;
	v19 =	vld [tilespmem:s0+$0x4050]  }
0x66: {  	v22 =	vunpack.i.u.bf16.f32 v22;
	v20 =	vsub.bf16 v20, v21  }
0x67: {  	v17 =	vadd.f32 v18, v17;
	v18 =	vmul.f32 v22, v22  }
0x68: {  	v21 =	vunpack.i.l.bf16.f32 v20;
	v22 =	vld [tilespmem:s0+$0x8060]  }
0x69: {  	v17 =	vadd.f32 v17, v18;
	v18 =	vmul.f32 v21, v21;
	v21 =	vld [tilespmem:s0+$0x4060]  }
0x6a: {  	v20 =	vunpack.i.u.bf16.f32 v20;
	v19 =	vsub.bf16 v19, v23  }
0x6b: {  	v17 =	vadd.f32 v18, v17;
	v18 =	vmul.f32 v20, v20  }
0x6c: {  	v20 =	vunpack.i.l.bf16.f32 v19;
	v23 =	vld [tilespmem:s0+$0x8070]  }
0x6d: {  	v17 =	vadd.f32 v17, v18;
	v18 =	vmul.f32 v20, v20;
	v20 =	vld [tilespmem:s0+$0x4070]  }
0x6e: {  	v19 =	vunpack.i.u.bf16.f32 v19;
	v21 =	vsub.bf16 v21, v22  }
0x6f: {  	v17 =	vadd.f32 v18, v17;
	v18 =	vmul.f32 v19, v19  }
0x70: {  	v19 =	vunpack.i.l.bf16.f32 v21  }
0x71: {  	v17 =	vadd.f32 v17, v18;
	v18 =	vmul.f32 v19, v19  }
0x72: {  	v19 =	vunpack.i.u.bf16.f32 v21;
	v20 =	vsub.bf16 v20, v23  }
0x73: {  	v17 =	vadd.f32 v18, v17;
	v18 =	vmul.f32 v19, v19  }
0x74: {  	v19 =	vunpack.i.l.bf16.f32 v20  }
0x75: {  	v17 =	vadd.f32 v17, v18;
	v18 =	vmul.f32 v19, v19  }
0x76: {  	v19 =	vunpack.i.u.bf16.f32 v20  }
0x77: {  	v17 =	vadd.f32 v18, v17;
	v18 =	vmul.f32 v19, v19  }
.Ltmp0:
0x78: {  	(pc) =	sbr.rel @p0 .LBB2_3-.Ltmp0, $4  }
0x79: {  	v17 =	vadd.f32 v17, v18  }
0x7a: {  	s31 =	sadd.s32 $0x11, s31  }
0x7b: {  	s0 =	sshra.s32 s1, $0x2;
	[tilespmem:s31+$0x0] =	vst v17  }
0x7c: {  	s1 =	sadd.s32 $0x200, s1;
	v17 =	vld [tilespmem:s0+$0x8000]  }
0x7d: {  	v18 =	vld [tilespmem:s0+$0x4000]  }
0x7e: {  	v19 =	vld [tilespmem:s0+$0x8010]  }
0x7f: {  	v20 =	vld [tilespmem:s0+$0x4010];
	_ =	sdelay $0x2  }
0x80: {  	v21 =	vld [tilespmem:s0+$0x4020];
	v17 =	vsub.bf16 v18, v17  }
0x81: {  	v18 =	vld [tilespmem:s0+$0x8020]  }
0x82: {  	v19 =	vsub.bf16 v20, v19;
	v22 =	vunpack.i.u.bf16.f32 v17;
	v17 =	vunpack.i.l.bf16.f32 v17  }
0x83: {  	v17 =	vmul.f32 v17, v17;
	v62 =	vmul.f32 v22, v22  }
0x84: {  	v23 =	vld [tilespmem:s0+$0x8030];
	v63 =	vunpack.i.l.bf16.f32 v19  }
0x85: {  	v37 =	vld [tilespmem:s0+$0x4030];
	v36 =	vmul.f32 v63, v63;
	v17 =	vadd.f32 v17, v62  }
0x86: {  	v19 =	vunpack.i.u.bf16.f32 v19;
	v18 =	vsub.bf16 v21, v18  }
0x87: {  	v19 =	vmul.f32 v19, v19;
	v17 =	vadd.f32 v36, v17  }
0x88: {  	v39 =	vld [tilespmem:s0+$0x8040];
	v38 =	vunpack.i.l.bf16.f32 v18  }
0x89: {  	v40 =	vld [tilespmem:s0+$0x4040];
	v17 =	vadd.f32 v17, v19;
	v19 =	vmul.f32 v38, v38  }
0x8a: {  	v22 =	vsub.bf16 v37, v23;
	v18 =	vunpack.i.u.bf16.f32 v18  }
0x8b: {  	v18 =	vmul.f32 v18, v18;
	v17 =	vadd.f32 v19, v17  }
0x8c: {  	v41 =	vld [tilespmem:s0+$0x8050];
	v19 =	vunpack.i.l.bf16.f32 v22  }
0x8d: {  	v17 =	vadd.f32 v17, v18;
	v18 =	vmul.f32 v19, v19;
	v19 =	vld [tilespmem:s0+$0x4050]  }
0x8e: {  	v20 =	vsub.bf16 v40, v39;
	v22 =	vunpack.i.u.bf16.f32 v22  }
0x8f: {  	v17 =	vadd.f32 v18, v17;
	v18 =	vmul.f32 v22, v22  }
0x90: {  	v42 =	vld [tilespmem:s0+$0x8060];
	v21 =	vunpack.i.l.bf16.f32 v20  }
0x91: {  	v43 =	vld [tilespmem:s0+$0x4060];
	v17 =	vadd.f32 v17, v18;
	v18 =	vmul.f32 v21, v21  }
0x92: {  	v20 =	vunpack.i.u.bf16.f32 v20;
	v19 =	vsub.bf16 v19, v41  }
0x93: {  	v17 =	vadd.f32 v18, v17;
	v18 =	vmul.f32 v20, v20  }
0x94: {  	v45 =	vld [tilespmem:s0+$0x8070];
	v44 =	vunpack.i.l.bf16.f32 v19  }
0x95: {  	v46 =	vld [tilespmem:s0+$0x4070];
	v17 =	vadd.f32 v17, v18;
	v18 =	vmul.f32 v44, v44  }
0x96: {  	v21 =	vsub.bf16 v43, v42;
	v19 =	vunpack.i.u.bf16.f32 v19  }
0x97: {  	v17 =	vadd.f32 v18, v17;
	v18 =	vmul.f32 v19, v19  }
0x98: {  	v19 =	vunpack.i.l.bf16.f32 v21  }
0x99: {  	v17 =	vadd.f32 v17, v18;
	v18 =	vmul.f32 v19, v19  }
0x9a: {  	v20 =	vsub.bf16 v46, v45;
	v19 =	vunpack.i.u.bf16.f32 v21  }
0x9b: {  	v17 =	vadd.f32 v18, v17;
	v18 =	vmul.f32 v19, v19  }
0x9c: {  	v19 =	vunpack.i.l.bf16.f32 v20  }
0x9d: {  	v17 =	vadd.f32 v17, v18;
	v18 =	vmul.f32 v19, v19  }
0x9e: {  	v19 =	vunpack.i.u.bf16.f32 v20  }
0x9f: {  	v17 =	vadd.f32 v18, v17;
	v18 =	vmul.f32 v19, v19;
	_ =	sdelay $0x1  }
0xa0: {  	v17 =	vadd.f32 v17, v18  }
0xa1: {  	s1 =	sadd.s32 $0x11, s31  }
0xa2: {  	s31 =	simm.s32 $0xC000;
	[tilespmem:s1+$0x0] =	vst v17  }
0xa3: {  	v0 =	vld.idx.msk [tilespmem:v7+s31+$0x0], $0xffff;
	_ =	sdelay $0x4  }
0xa4: {  	[tilespmem:$0x1FEF0] =	vst v0;
	v0 =	vld.idx.msk [tilespmem:v25+s31+$0x0], $0xffff;
	_ =	sdelay $0x4  }
0xa5: {  	[tilespmem:$0x1FF00] =	vst v0;
	v0 =	vld.idx.msk [tilespmem:v26+s31+$0x0], $0xffff;
	_ =	sdelay $0x4  }
0xa6: {  	[tilespmem:$0x1FF10] =	vst v0;
	v0 =	vld.idx.msk [tilespmem:v9+s31+$0x0], $0xffff  }
0xa7: {  	s1 =	simm.s32 $0x0  }
0xa8: {  	v17 =	vld [tilespmem:s1+$0x8800]  }
0xa9: {  	v18 =	vld [tilespmem:s1+$0x4800]  }
0xaa: {  	v19 =	vld [tilespmem:s1+$0x8810]  }
0xab: {  	[tilespmem:$0x1FF20] =	vst v0;
	v0 =	vld.idx.msk [tilespmem:v10+s31+$0x0], $0xffff  }
0xac: {  	v47 =	vld [tilespmem:s1+$0x4810];
	_ =	sdelay $0x1  }
0xad: {  	v48 =	vld [tilespmem:s1+$0x4820]  }
0xae: {  	v17 =	vsub.bf16 v18, v17;
	v18 =	vld [tilespmem:s1+$0x8820]  }
0xaf: {  	[tilespmem:$0x1FF30] =	vst v0;
	v0 =	vld.idx.msk [tilespmem:v11+s31+$0x0], $0xffff  }
0xb0: {  	v19 =	vsub.bf16 v47, v19;
	v49 =	vunpack.i.u.bf16.f32 v17;
	v17 =	vunpack.i.l.bf16.f32 v17  }
0xb1: {  	v17 =	vmul.f32 v17, v17;
	v50 =	vmul.f32 v49, v49  }
0xb2: {  	v52 =	vld [tilespmem:s1+$0x8830];
	v51 =	vunpack.i.l.bf16.f32 v19  }
0xb3: {  	v54 =	vld [tilespmem:s1+$0x4830];
	v53 =	vmul.f32 v51, v51;
	v17 =	vadd.f32 v17, v50  }
0xb4: {  	v19 =	vunpack.i.u.bf16.f32 v19;
	v18 =	vsub.bf16 v48, v18;
	[tilespmem:$0x1FF40] =	vst v0;
	v0 =	vld.idx.msk [tilespmem:v12+s31+$0x0], $0xffff  }
0xb5: {  	v19 =	vmul.f32 v19, v19;
	v17 =	vadd.f32 v53, v17  }
0xb6: {  	v56 =	vld [tilespmem:s1+$0x8840];
	v55 =	vunpack.i.l.bf16.f32 v18  }
0xb7: {  	v57 =	vld [tilespmem:s1+$0x4840];
	v17 =	vadd.f32 v17, v19;
	v19 =	vmul.f32 v55, v55  }
0xb8: {  	v22 =	vsub.bf16 v54, v52;
	v18 =	vunpack.i.u.bf16.f32 v18  }
0xb9: {  	v18 =	vmul.f32 v18, v18;
	v17 =	vadd.f32 v19, v17;
	[tilespmem:$0x1FF50] =	vst v0;
	v0 =	vld.idx.msk [tilespmem:v13+s31+$0x0], $0xffff  }
0xba: {  	v58 =	vld [tilespmem:s1+$0x8850];
	v19 =	vunpack.i.l.bf16.f32 v22  }
0xbb: {  	v17 =	vadd.f32 v17, v18;
	v18 =	vmul.f32 v19, v19;
	v19 =	vld [tilespmem:s1+$0x4850]  }
0xbc: {  	v20 =	vsub.bf16 v57, v56;
	v22 =	vunpack.i.u.bf16.f32 v22  }
0xbd: {  	v59 =	vld [tilespmem:s1+$0x8860];
	v17 =	vadd.f32 v18, v17;
	v18 =	vmul.f32 v22, v22  }
0xbe: {  	v21 =	vunpack.i.l.bf16.f32 v20;
	[tilespmem:$0x1FF60] =	vst v0;
	v0 =	vld.idx.msk [tilespmem:v14+s31+$0x0], $0xffff  }
0xbf: {  	v60 =	vld [tilespmem:s1+$0x4860];
	v17 =	vadd.f32 v17, v18;
	v18 =	vmul.f32 v21, v21  }
0xc0: {  	v20 =	vunpack.i.u.bf16.f32 v20;
	v19 =	vsub.bf16 v19, v58  }
0xc1: {  	v62 =	vld [tilespmem:s1+$0x8870];
	v17 =	vadd.f32 v18, v17;
	v18 =	vmul.f32 v20, v20  }
0xc2: {  	v63 =	vld [tilespmem:s1+$0x4870];
	v61 =	vunpack.i.l.bf16.f32 v19  }
0xc3: {  	v17 =	vadd.f32 v17, v18;
	v18 =	vmul.f32 v61, v61;
	[tilespmem:$0x1FF70] =	vst v0;
	v0 =	vld.idx.msk [tilespmem:v15+s31+$0x0], $0xffff  }
0xc4: {  	v21 =	vsub.bf16 v60, v59;
	v19 =	vunpack.i.u.bf16.f32 v19  }
0xc5: {  	v17 =	vadd.f32 v18, v17;
	v18 =	vmul.f32 v19, v19  }
0xc6: {  	v19 =	vunpack.i.l.bf16.f32 v21  }
0xc7: {  	v17 =	vadd.f32 v17, v18;
	v18 =	vmul.f32 v19, v19  }
0xc8: {  	v20 =	vsub.bf16 v63, v62;
	v19 =	vunpack.i.u.bf16.f32 v21;
	[tilespmem:$0x1FF80] =	vst v0;
	v0 =	vld [tilespmem:s29+$0x2000]  }
0xc9: {  	v17 =	vadd.f32 v18, v17;
	v18 =	vmul.f32 v19, v19  }
0xca: {  	v19 =	vunpack.i.l.bf16.f32 v20  }
0xcb: {  	v1 =	vld.idx.msk [tilespmem:v24+s31+$0x0], $0xffff;
	v17 =	vadd.f32 v17, v18;
	v18 =	vmul.f32 v19, v19  }
0xcc: {  	v2 =	vld.idx.msk [tilespmem:v32+s31+$0x0], $0xffff;
	v19 =	vunpack.i.u.bf16.f32 v20  }
0xcd: {  	v17 =	vadd.f32 v18, v17;
	v18 =	vmul.f32 v19, v19;
	[tilespmem:$0x1FF90] =	vst v0;
	v0 =	vld [tilespmem:s29+$0x3000]  }
0xce: {  	v3 =	vld.idx.msk [tilespmem:v34+s31+$0x0], $0xffff  }
0xcf: {  	v4 =	vld.idx.msk [tilespmem:v33+s31+$0x0], $0xffff;
	v17 =	vadd.f32 v17, v18  }
0xd0: {  	v8 =	vld.idx.msk [tilespmem:v35+s31+$0x0], $0xffff  }
0xd1: {  	s0 =	simm.s32 $0x80;
	v31 =	vld.idx.msk [tilespmem:v6+s31+$0x0], $0xffff;
	[tilespmem:s31+$0x0] =	vst v17  }
0xd2: {  	s1 =	simm.s32 $0x400;
	v17 =	vld [tilespmem:s0+$0x8800];
	[tilespmem:$0x1FFA0] =	vst v0  }
.LBB2_5:
0xd3: {  	p0 =	sne.s32 s1, $0x1E00;
	v18 =	vld [tilespmem:s0+$0x4800]  }
0xd4: {  	v19 =	vld [tilespmem:s0+$0x8810]  }
0xd5: {  	v20 =	vld [tilespmem:s0+$0x4810];
	_ =	sdelay $0x2  }
0xd6: {  	v17 =	vsub.bf16 v18, v17;
	v18 =	vld [tilespmem:s0+$0x8820]  }
0xd7: {  	v21 =	vld [tilespmem:s0+$0x4820]  }
0xd8: {  	v22 =	vunpack.i.u.bf16.f32 v17;
	v17 =	vunpack.i.l.bf16.f32 v17;
	v19 =	vsub.bf16 v20, v19  }
0xd9: {  	v17 =	vmul.f32 v17, v17;
	v20 =	vmul.f32 v22, v22  }
0xda: {  	v22 =	vunpack.i.l.bf16.f32 v19;
	v23 =	vld [tilespmem:s0+$0x8830]  }
0xdb: {  	v17 =	vadd.f32 v17, v20;
	v20 =	vmul.f32 v22, v22;
	v22 =	vld [tilespmem:s0+$0x4830]  }
0xdc: {  	v19 =	vunpack.i.u.bf16.f32 v19;
	v18 =	vsub.bf16 v21, v18  }
0xdd: {  	v19 =	vmul.f32 v19, v19;
	v17 =	vadd.f32 v20, v17  }
0xde: {  	v20 =	vunpack.i.l.bf16.f32 v18;
	v21 =	vld [tilespmem:s0+$0x8840]  }
0xdf: {  	v17 =	vadd.f32 v17, v19;
	v19 =	vmul.f32 v20, v20;
	v20 =	vld [tilespmem:s0+$0x4840]  }
0xe0: {  	v18 =	vunpack.i.u.bf16.f32 v18;
	v22 =	vsub.bf16 v22, v23  }
0xe1: {  	v18 =	vmul.f32 v18, v18;
	v17 =	vadd.f32 v19, v17  }
0xe2: {  	v19 =	vunpack.i.l.bf16.f32 v22;
	v23 =	vld [tilespmem:s0+$0x8850]  }
0xe3: {  	v17 =	vadd.f32 v17, v18;
	v18 =	vmul.f32 v19, v19;
	v19 =	vld [tilespmem:s0+$0x4850]  }
0xe4: {  	v22 =	vunpack.i.u.bf16.f32 v22;
	v20 =	vsub.bf16 v20, v21  }
0xe5: {  	v17 =	vadd.f32 v18, v17;
	v18 =	vmul.f32 v22, v22  }
0xe6: {  	v21 =	vunpack.i.l.bf16.f32 v20;
	v22 =	vld [tilespmem:s0+$0x8860]  }
0xe7: {  	v17 =	vadd.f32 v17, v18;
	v18 =	vmul.f32 v21, v21;
	v21 =	vld [tilespmem:s0+$0x4860]  }
0xe8: {  	v20 =	vunpack.i.u.bf16.f32 v20;
	v19 =	vsub.bf16 v19, v23  }
0xe9: {  	v17 =	vadd.f32 v18, v17;
	v18 =	vmul.f32 v20, v20  }
0xea: {  	v20 =	vunpack.i.l.bf16.f32 v19;
	v23 =	vld [tilespmem:s0+$0x8870]  }
0xeb: {  	v17 =	vadd.f32 v17, v18;
	v18 =	vmul.f32 v20, v20;
	v20 =	vld [tilespmem:s0+$0x4870]  }
0xec: {  	v19 =	vunpack.i.u.bf16.f32 v19;
	v21 =	vsub.bf16 v21, v22  }
0xed: {  	v17 =	vadd.f32 v18, v17;
	v18 =	vmul.f32 v19, v19  }
0xee: {  	v19 =	vunpack.i.l.bf16.f32 v21  }
0xef: {  	v17 =	vadd.f32 v17, v18;
	v18 =	vmul.f32 v19, v19  }
0xf0: {  	v19 =	vunpack.i.u.bf16.f32 v21;
	v20 =	vsub.bf16 v20, v23  }
0xf1: {  	v17 =	vadd.f32 v18, v17;
	v18 =	vmul.f32 v19, v19  }
0xf2: {  	v19 =	vunpack.i.l.bf16.f32 v20  }
0xf3: {  	v17 =	vadd.f32 v17, v18;
	v18 =	vmul.f32 v19, v19  }
0xf4: {  	v19 =	vunpack.i.u.bf16.f32 v20  }
0xf5: {  	v17 =	vadd.f32 v18, v17;
	v18 =	vmul.f32 v19, v19  }
.Ltmp1:
0xf6: {  	(pc) =	sbr.rel @p0 .LBB2_5-.Ltmp1, $4  }
0xf7: {  	v17 =	vadd.f32 v17, v18  }
0xf8: {  	s31 =	sadd.s32 $0x11, s31  }
0xf9: {  	s0 =	sshra.s32 s1, $0x2;
	[tilespmem:s31+$0x0] =	vst v17  }
0xfa: {  	s1 =	sadd.s32 $0x200, s1;
	v17 =	vld [tilespmem:s0+$0x8800]  }
0xfb: {  	v18 =	vld [tilespmem:s0+$0x4800]  }
0xfc: {  	v19 =	vld [tilespmem:s0+$0x8810]  }
0xfd: {  	v20 =	vld [tilespmem:s0+$0x4810];
	_ =	sdelay $0x2  }
0xfe: {  	v21 =	vld [tilespmem:s0+$0x4820];
	v17 =	vsub.bf16 v18, v17  }
0xff: {  	v18 =	vld [tilespmem:s0+$0x8820]  }
0x100: {  	v19 =	vsub.bf16 v20, v19;
	v22 =	vunpack.i.u.bf16.f32 v17;
	v17 =	vunpack.i.l.bf16.f32 v17  }
0x101: {  	v17 =	vmul.f32 v17, v17;
	v62 =	vmul.f32 v22, v22  }
0x102: {  	v23 =	vld [tilespmem:s0+$0x8830];
	v63 =	vunpack.i.l.bf16.f32 v19  }
0x103: {  	v37 =	vld [tilespmem:s0+$0x4830];
	v36 =	vmul.f32 v63, v63;
	v17 =	vadd.f32 v17, v62  }
0x104: {  	v19 =	vunpack.i.u.bf16.f32 v19;
	v18 =	vsub.bf16 v21, v18  }
0x105: {  	v19 =	vmul.f32 v19, v19;
	v17 =	vadd.f32 v36, v17  }
0x106: {  	v39 =	vld [tilespmem:s0+$0x8840];
	v38 =	vunpack.i.l.bf16.f32 v18  }
0x107: {  	v40 =	vld [tilespmem:s0+$0x4840];
	v17 =	vadd.f32 v17, v19;
	v19 =	vmul.f32 v38, v38  }
0x108: {  	v22 =	vsub.bf16 v37, v23;
	v18 =	vunpack.i.u.bf16.f32 v18  }
0x109: {  	v18 =	vmul.f32 v18, v18;
	v17 =	vadd.f32 v19, v17  }
0x10a: {  	v41 =	vld [tilespmem:s0+$0x8850];
	v19 =	vunpack.i.l.bf16.f32 v22  }
0x10b: {  	v17 =	vadd.f32 v17, v18;
	v18 =	vmul.f32 v19, v19;
	v19 =	vld [tilespmem:s0+$0x4850]  }
0x10c: {  	v20 =	vsub.bf16 v40, v39;
	v22 =	vunpack.i.u.bf16.f32 v22  }
0x10d: {  	v17 =	vadd.f32 v18, v17;
	v18 =	vmul.f32 v22, v22  }
0x10e: {  	v42 =	vld [tilespmem:s0+$0x8860];
	v21 =	vunpack.i.l.bf16.f32 v20  }
0x10f: {  	v43 =	vld [tilespmem:s0+$0x4860];
	v17 =	vadd.f32 v17, v18;
	v18 =	vmul.f32 v21, v21  }
0x110: {  	v20 =	vunpack.i.u.bf16.f32 v20;
	v19 =	vsub.bf16 v19, v41  }
0x111: {  	v17 =	vadd.f32 v18, v17;
	v18 =	vmul.f32 v20, v20  }
0x112: {  	v45 =	vld [tilespmem:s0+$0x8870];
	v44 =	vunpack.i.l.bf16.f32 v19  }
0x113: {  	v46 =	vld [tilespmem:s0+$0x4870];
	v17 =	vadd.f32 v17, v18;
	v18 =	vmul.f32 v44, v44  }
0x114: {  	v21 =	vsub.bf16 v43, v42;
	v19 =	vunpack.i.u.bf16.f32 v19  }
0x115: {  	v17 =	vadd.f32 v18, v17;
	v18 =	vmul.f32 v19, v19  }
0x116: {  	v19 =	vunpack.i.l.bf16.f32 v21  }
0x117: {  	v17 =	vadd.f32 v17, v18;
	v18 =	vmul.f32 v19, v19  }
0x118: {  	v20 =	vsub.bf16 v46, v45;
	v19 =	vunpack.i.u.bf16.f32 v21  }
0x119: {  	v17 =	vadd.f32 v18, v17;
	v18 =	vmul.f32 v19, v19  }
0x11a: {  	v19 =	vunpack.i.l.bf16.f32 v20  }
0x11b: {  	v17 =	vadd.f32 v17, v18;
	v18 =	vmul.f32 v19, v19  }
0x11c: {  	v19 =	vunpack.i.u.bf16.f32 v20  }
0x11d: {  	v17 =	vadd.f32 v18, v17;
	v18 =	vmul.f32 v19, v19;
	_ =	sdelay $0x1  }
0x11e: {  	v17 =	vadd.f32 v17, v18  }
0x11f: {  	s1 =	sadd.s32 $0x11, s31  }
0x120: {  	[tilespmem:s1+$0x0] =	vst v17;
	s1 =	simm.s32 $0x0  }
0x121: {  	v17 =	vld [tilespmem:s1+$0x9000]  }
0x122: {  	v18 =	vld [tilespmem:s1+$0x5000]  }
0x123: {  	v19 =	vld [tilespmem:s1+$0x9010]  }
0x124: {  	v47 =	vld [tilespmem:s1+$0x5010];
	_ =	sdelay $0x2  }
0x125: {  	v48 =	vld [tilespmem:s1+$0x5020];
	v17 =	vsub.bf16 v18, v17  }
0x126: {  	v18 =	vld [tilespmem:s1+$0x9020]  }
0x127: {  	v19 =	vsub.bf16 v47, v19;
	v49 =	vunpack.i.u.bf16.f32 v17;
	v17 =	vunpack.i.l.bf16.f32 v17  }
0x128: {  	v17 =	vmul.f32 v17, v17;
	v50 =	vmul.f32 v49, v49  }
0x129: {  	v52 =	vld [tilespmem:s1+$0x9030];
	v51 =	vunpack.i.l.bf16.f32 v19  }
0x12a: {  	v54 =	vld [tilespmem:s1+$0x5030];
	v53 =	vmul.f32 v51, v51;
	v17 =	vadd.f32 v17, v50  }
0x12b: {  	v19 =	vunpack.i.u.bf16.f32 v19;
	v18 =	vsub.bf16 v48, v18  }
0x12c: {  	v19 =	vmul.f32 v19, v19;
	v17 =	vadd.f32 v53, v17  }
0x12d: {  	v56 =	vld [tilespmem:s1+$0x9040];
	v55 =	vunpack.i.l.bf16.f32 v18  }
0x12e: {  	v57 =	vld [tilespmem:s1+$0x5040];
	v17 =	vadd.f32 v17, v19;
	v19 =	vmul.f32 v55, v55  }
0x12f: {  	v22 =	vsub.bf16 v54, v52;
	v18 =	vunpack.i.u.bf16.f32 v18  }
0x130: {  	v18 =	vmul.f32 v18, v18;
	v17 =	vadd.f32 v19, v17  }
0x131: {  	v58 =	vld [tilespmem:s1+$0x9050];
	v19 =	vunpack.i.l.bf16.f32 v22  }
0x132: {  	s31 =	simm.s32 $0xC000;
	v17 =	vadd.f32 v17, v18;
	v18 =	vmul.f32 v19, v19;
	v19 =	vld [tilespmem:s1+$0x5050]  }
0x133: {  	v43 =	vld.idx.msk [tilespmem:v24+s31+$0x0], $0xffff;
	v20 =	vsub.bf16 v57, v56;
	v22 =	vunpack.i.u.bf16.f32 v22  }
0x134: {  	v46 =	vld.idx.msk [tilespmem:v34+s31+$0x0], $0xffff;
	v17 =	vadd.f32 v18, v17;
	v18 =	vmul.f32 v22, v22  }
0x135: {  	v59 =	vld [tilespmem:s1+$0x9060];
	v21 =	vunpack.i.l.bf16.f32 v20  }
0x136: {  	v60 =	vld [tilespmem:s1+$0x5060];
	v17 =	vadd.f32 v17, v18;
	v18 =	vmul.f32 v21, v21  }
0x137: {  	v62 =	vld [tilespmem:s1+$0x9070];
	v20 =	vunpack.i.u.bf16.f32 v20;
	v19 =	vsub.bf16 v19, v58  }
0x138: {  	v63 =	vld [tilespmem:s1+$0x5070];
	v17 =	vadd.f32 v18, v17;
	v18 =	vmul.f32 v20, v20  }
0x139: {  	v45 =	vld.idx.msk [tilespmem:v26+s31+$0x0], $0xffff;
	v61 =	vunpack.i.l.bf16.f32 v19  }
0x13a: {  	v44 =	vld.idx.msk [tilespmem:v9+s31+$0x0], $0xffff;
	v17 =	vadd.f32 v17, v18;
	v18 =	vmul.f32 v61, v61  }
0x13b: {  	v42 =	vld.idx.msk [tilespmem:v10+s31+$0x0], $0xffff;
	v21 =	vsub.bf16 v60, v59;
	v19 =	vunpack.i.u.bf16.f32 v19  }
0x13c: {  	v41 =	vld.idx.msk [tilespmem:v11+s31+$0x0], $0xffff;
	v17 =	vadd.f32 v18, v17;
	v18 =	vmul.f32 v19, v19  }
0x13d: {  	v40 =	vld.idx.msk [tilespmem:v12+s31+$0x0], $0xffff;
	v19 =	vunpack.i.l.bf16.f32 v21  }
0x13e: {  	v39 =	vld.idx.msk [tilespmem:v13+s31+$0x0], $0xffff;
	v17 =	vadd.f32 v17, v18;
	v18 =	vmul.f32 v19, v19  }
0x13f: {  	v38 =	vld.idx.msk [tilespmem:v14+s31+$0x0], $0xffff;
	v20 =	vsub.bf16 v63, v62;
	v19 =	vunpack.i.u.bf16.f32 v21  }
0x140: {  	v37 =	vld.idx.msk [tilespmem:v15+s31+$0x0], $0xffff;
	v17 =	vadd.f32 v18, v17;
	v18 =	vmul.f32 v19, v19  }
0x141: {  	v36 =	vld [tilespmem:s29+$0x2010];
	v19 =	vunpack.i.l.bf16.f32 v20  }
0x142: {  	v0 =	vld [tilespmem:s29+$0x3010];
	v17 =	vadd.f32 v17, v18;
	v18 =	vmul.f32 v19, v19  }
0x143: {  	v52 =	vld.idx.msk [tilespmem:v33+s31+$0x0], $0xffff;
	v19 =	vunpack.i.u.bf16.f32 v20  }
0x144: {  	v47 =	vld.idx.msk [tilespmem:v25+s31+$0x0], $0xffff;
	v17 =	vadd.f32 v18, v17;
	v18 =	vmul.f32 v19, v19  }
0x145: {  	v51 =	vld.idx.msk [tilespmem:v6+s31+$0x0], $0xffff  }
0x146: {  	v49 =	vld.idx.msk [tilespmem:v7+s31+$0x0], $0xffff;
	v17 =	vadd.f32 v17, v18  }
0x147: {  	v48 =	vld.idx.msk [tilespmem:v32+s31+$0x0], $0xffff  }
0x148: {  	s0 =	simm.s32 $0x80;
	v50 =	vld.idx.msk [tilespmem:v35+s31+$0x0], $0xffff;
	[tilespmem:s31+$0x0] =	vst v17  }
0x149: {  	[tilespmem:$0x1FEE0] =	vst v0;
	s1 =	simm.s32 $0x400;
	v17 =	vld [tilespmem:s0+$0x9000]  }
.LBB2_7:
0x14a: {  	p0 =	sne.s32 s1, $0x1E00;
	v18 =	vld [tilespmem:s0+$0x5000]  }
0x14b: {  	v19 =	vld [tilespmem:s0+$0x9010]  }
0x14c: {  	v20 =	vld [tilespmem:s0+$0x5010];
	_ =	sdelay $0x2  }
0x14d: {  	v17 =	vsub.bf16 v18, v17;
	v18 =	vld [tilespmem:s0+$0x9020]  }
0x14e: {  	v21 =	vld [tilespmem:s0+$0x5020]  }
0x14f: {  	v22 =	vunpack.i.u.bf16.f32 v17;
	v17 =	vunpack.i.l.bf16.f32 v17;
	v19 =	vsub.bf16 v20, v19  }
0x150: {  	v17 =	vmul.f32 v17, v17;
	v20 =	vmul.f32 v22, v22  }
0x151: {  	v22 =	vunpack.i.l.bf16.f32 v19;
	v23 =	vld [tilespmem:s0+$0x9030]  }
0x152: {  	v17 =	vadd.f32 v17, v20;
	v20 =	vmul.f32 v22, v22;
	v22 =	vld [tilespmem:s0+$0x5030]  }
0x153: {  	v19 =	vunpack.i.u.bf16.f32 v19;
	v18 =	vsub.bf16 v21, v18  }
0x154: {  	v19 =	vmul.f32 v19, v19;
	v17 =	vadd.f32 v20, v17  }
0x155: {  	v20 =	vunpack.i.l.bf16.f32 v18;
	v21 =	vld [tilespmem:s0+$0x9040]  }
0x156: {  	v17 =	vadd.f32 v17, v19;
	v19 =	vmul.f32 v20, v20;
	v20 =	vld [tilespmem:s0+$0x5040]  }
0x157: {  	v18 =	vunpack.i.u.bf16.f32 v18;
	v22 =	vsub.bf16 v22, v23  }
0x158: {  	v18 =	vmul.f32 v18, v18;
	v17 =	vadd.f32 v19, v17  }
0x159: {  	v19 =	vunpack.i.l.bf16.f32 v22;
	v23 =	vld [tilespmem:s0+$0x9050]  }
0x15a: {  	v17 =	vadd.f32 v17, v18;
	v18 =	vmul.f32 v19, v19;
	v19 =	vld [tilespmem:s0+$0x5050]  }
0x15b: {  	v22 =	vunpack.i.u.bf16.f32 v22;
	v20 =	vsub.bf16 v20, v21  }
0x15c: {  	v17 =	vadd.f32 v18, v17;
	v18 =	vmul.f32 v22, v22  }
0x15d: {  	v21 =	vunpack.i.l.bf16.f32 v20;
	v22 =	vld [tilespmem:s0+$0x9060]  }
0x15e: {  	v17 =	vadd.f32 v17, v18;
	v18 =	vmul.f32 v21, v21;
	v21 =	vld [tilespmem:s0+$0x5060]  }
0x15f: {  	v20 =	vunpack.i.u.bf16.f32 v20;
	v19 =	vsub.bf16 v19, v23  }
0x160: {  	v17 =	vadd.f32 v18, v17;
	v18 =	vmul.f32 v20, v20  }
0x161: {  	v20 =	vunpack.i.l.bf16.f32 v19;
	v23 =	vld [tilespmem:s0+$0x9070]  }
0x162: {  	v17 =	vadd.f32 v17, v18;
	v18 =	vmul.f32 v20, v20;
	v20 =	vld [tilespmem:s0+$0x5070]  }
0x163: {  	v19 =	vunpack.i.u.bf16.f32 v19;
	v21 =	vsub.bf16 v21, v22  }
0x164: {  	v17 =	vadd.f32 v18, v17;
	v18 =	vmul.f32 v19, v19  }
0x165: {  	v19 =	vunpack.i.l.bf16.f32 v21  }
0x166: {  	v17 =	vadd.f32 v17, v18;
	v18 =	vmul.f32 v19, v19  }
0x167: {  	v19 =	vunpack.i.u.bf16.f32 v21;
	v20 =	vsub.bf16 v20, v23  }
0x168: {  	v17 =	vadd.f32 v18, v17;
	v18 =	vmul.f32 v19, v19  }
0x169: {  	v19 =	vunpack.i.l.bf16.f32 v20  }
0x16a: {  	v17 =	vadd.f32 v17, v18;
	v18 =	vmul.f32 v19, v19  }
0x16b: {  	v19 =	vunpack.i.u.bf16.f32 v20  }
0x16c: {  	v17 =	vadd.f32 v18, v17;
	v18 =	vmul.f32 v19, v19  }
.Ltmp2:
0x16d: {  	(pc) =	sbr.rel @p0 .LBB2_7-.Ltmp2, $4  }
0x16e: {  	v17 =	vadd.f32 v17, v18  }
0x16f: {  	s31 =	sadd.s32 $0x11, s31  }
0x170: {  	s0 =	sshra.s32 s1, $0x2;
	[tilespmem:s31+$0x0] =	vst v17  }
0x171: {  	s1 =	sadd.s32 $0x200, s1;
	v17 =	vld [tilespmem:s0+$0x9000]  }
0x172: {  	v18 =	vld [tilespmem:s0+$0x5000]  }
0x173: {  	v19 =	vld [tilespmem:s0+$0x9010]  }
0x174: {  	v20 =	vld [tilespmem:s0+$0x5010];
	_ =	sdelay $0x2  }
0x175: {  	v21 =	vld [tilespmem:s0+$0x5020];
	v17 =	vsub.bf16 v18, v17  }
0x176: {  	v18 =	vld [tilespmem:s0+$0x9020]  }
0x177: {  	v19 =	vsub.bf16 v20, v19;
	v22 =	vunpack.i.u.bf16.f32 v17;
	v17 =	vunpack.i.l.bf16.f32 v17  }
0x178: {  	v17 =	vmul.f32 v17, v17;
	v20 =	vmul.f32 v22, v22  }
0x179: {  	v23 =	vld [tilespmem:s0+$0x9030];
	v22 =	vunpack.i.l.bf16.f32 v19  }
0x17a: {  	v17 =	vadd.f32 v17, v20;
	v20 =	vmul.f32 v22, v22;
	v22 =	vld [tilespmem:s0+$0x5030]  }
0x17b: {  	v19 =	vunpack.i.u.bf16.f32 v19;
	v18 =	vsub.bf16 v21, v18  }
0x17c: {  	v19 =	vmul.f32 v19, v19;
	v17 =	vadd.f32 v20, v17  }
0x17d: {  	v21 =	vld [tilespmem:s0+$0x9040];
	v20 =	vunpack.i.l.bf16.f32 v18  }
0x17e: {  	v17 =	vadd.f32 v17, v19;
	v19 =	vmul.f32 v20, v20;
	v20 =	vld [tilespmem:s0+$0x5040]  }
0x17f: {  	v18 =	vunpack.i.u.bf16.f32 v18;
	v22 =	vsub.bf16 v22, v23  }
0x180: {  	v18 =	vmul.f32 v18, v18;
	v17 =	vadd.f32 v19, v17  }
0x181: {  	v23 =	vld [tilespmem:s0+$0x9050];
	v19 =	vunpack.i.l.bf16.f32 v22  }
0x182: {  	v17 =	vadd.f32 v17, v18;
	v18 =	vmul.f32 v19, v19;
	v19 =	vld [tilespmem:s0+$0x5050]  }
0x183: {  	v22 =	vunpack.i.u.bf16.f32 v22;
	v20 =	vsub.bf16 v20, v21  }
0x184: {  	v17 =	vadd.f32 v18, v17;
	v18 =	vmul.f32 v22, v22  }
0x185: {  	v22 =	vld [tilespmem:s0+$0x9060];
	v21 =	vunpack.i.l.bf16.f32 v20  }
0x186: {  	v17 =	vadd.f32 v17, v18;
	v18 =	vmul.f32 v21, v21;
	v21 =	vld [tilespmem:s0+$0x5060]  }
0x187: {  	v20 =	vunpack.i.u.bf16.f32 v20;
	v19 =	vsub.bf16 v19, v23  }
0x188: {  	v17 =	vadd.f32 v18, v17;
	v18 =	vmul.f32 v20, v20  }
0x189: {  	v23 =	vld [tilespmem:s0+$0x9070];
	v20 =	vunpack.i.l.bf16.f32 v19  }
0x18a: {  	v17 =	vadd.f32 v17, v18;
	v18 =	vmul.f32 v20, v20;
	v20 =	vld [tilespmem:s0+$0x5070]  }
0x18b: {  	v19 =	vunpack.i.u.bf16.f32 v19;
	v21 =	vsub.bf16 v21, v22  }
0x18c: {  	v17 =	vadd.f32 v18, v17;
	v18 =	vmul.f32 v19, v19  }
0x18d: {  	v19 =	vunpack.i.l.bf16.f32 v21  }
0x18e: {  	v17 =	vadd.f32 v17, v18;
	v18 =	vmul.f32 v19, v19  }
0x18f: {  	v19 =	vunpack.i.u.bf16.f32 v21;
	v20 =	vsub.bf16 v20, v23  }
0x190: {  	v17 =	vadd.f32 v18, v17;
	v18 =	vmul.f32 v19, v19  }
0x191: {  	v19 =	vunpack.i.l.bf16.f32 v20  }
0x192: {  	v17 =	vadd.f32 v17, v18;
	v18 =	vmul.f32 v19, v19  }
0x193: {  	v19 =	vunpack.i.u.bf16.f32 v20  }
0x194: {  	v17 =	vadd.f32 v18, v17;
	v18 =	vmul.f32 v19, v19;
	_ =	sdelay $0x1  }
0x195: {  	v17 =	vadd.f32 v17, v18  }
0x196: {  	s1 =	sadd.s32 $0x11, s31  }
0x197: {  	[tilespmem:s1+$0x0] =	vst v17;
	s1 =	simm.s32 $0x0  }
0x198: {  	v17 =	vld [tilespmem:s1+$0x9800]  }
0x199: {  	v18 =	vld [tilespmem:s1+$0x5800]  }
0x19a: {  	v19 =	vld [tilespmem:s1+$0x9810]  }
0x19b: {  	v20 =	vld [tilespmem:s1+$0x5810];
	_ =	sdelay $0x2  }
0x19c: {  	v21 =	vld [tilespmem:s1+$0x5820];
	v17 =	vsub.bf16 v18, v17  }
0x19d: {  	v18 =	vld [tilespmem:s1+$0x9820]  }
0x19e: {  	v19 =	vsub.bf16 v20, v19;
	v22 =	vunpack.i.u.bf16.f32 v17;
	v17 =	vunpack.i.l.bf16.f32 v17  }
0x19f: {  	v17 =	vmul.f32 v17, v17;
	v20 =	vmul.f32 v22, v22  }
0x1a0: {  	v23 =	vld [tilespmem:s1+$0x9830];
	v22 =	vunpack.i.l.bf16.f32 v19  }
0x1a1: {  	v17 =	vadd.f32 v17, v20;
	v20 =	vmul.f32 v22, v22;
	v22 =	vld [tilespmem:s1+$0x5830]  }
0x1a2: {  	v19 =	vunpack.i.u.bf16.f32 v19;
	v18 =	vsub.bf16 v21, v18  }
0x1a3: {  	v19 =	vmul.f32 v19, v19;
	v17 =	vadd.f32 v20, v17  }
0x1a4: {  	v21 =	vld [tilespmem:s1+$0x9840];
	v20 =	vunpack.i.l.bf16.f32 v18  }
0x1a5: {  	v17 =	vadd.f32 v17, v19;
	v19 =	vmul.f32 v20, v20;
	v20 =	vld [tilespmem:s1+$0x5840]  }
0x1a6: {  	s31 =	simm.s32 $0xC000;
	v18 =	vunpack.i.u.bf16.f32 v18;
	v23 =	vsub.bf16 v22, v23  }
0x1a7: {  	v63 =	vld.idx.msk [tilespmem:v24+s31+$0x0], $0xffff;
	v18 =	vmul.f32 v18, v18;
	v17 =	vadd.f32 v19, v17  }
0x1a8: {  	v24 =	vld [tilespmem:s1+$0x9850];
	v19 =	vunpack.i.l.bf16.f32 v23  }
0x1a9: {  	v17 =	vadd.f32 v17, v18;
	v18 =	vmul.f32 v19, v19;
	v19 =	vld [tilespmem:s1+$0x5850]  }
0x1aa: {  	v23 =	vunpack.i.u.bf16.f32 v23;
	v53 =	vsub.bf16 v20, v21  }
0x1ab: {  	v54 =	vld [tilespmem:s1+$0x9860];
	v17 =	vadd.f32 v18, v17;
	v18 =	vmul.f32 v23, v23  }
0x1ac: {  	v55 =	vld [tilespmem:s1+$0x5860];
	v21 =	vunpack.i.l.bf16.f32 v53  }
0x1ad: {  	v56 =	vld [tilespmem:s1+$0x5870];
	v17 =	vadd.f32 v17, v18;
	v23 =	vmul.f32 v21, v21  }
0x1ae: {  	v62 =	vld.idx.msk [tilespmem:v26+s31+$0x0], $0xffff;
	v53 =	vunpack.i.u.bf16.f32 v53;
	v19 =	vsub.bf16 v19, v24  }
0x1af: {  	v61 =	vld.idx.msk [tilespmem:v9+s31+$0x0], $0xffff;
	v17 =	vadd.f32 v23, v17;
	v23 =	vmul.f32 v53, v53  }
0x1b0: {  	v60 =	vld.idx.msk [tilespmem:v10+s31+$0x0], $0xffff;
	v24 =	vunpack.i.l.bf16.f32 v19  }
0x1b1: {  	v53 =	vld [tilespmem:s1+$0x9870];
	v17 =	vadd.f32 v17, v23;
	v24 =	vmul.f32 v24, v24  }
0x1b2: {  	v58 =	vld.idx.msk [tilespmem:v12+s31+$0x0], $0xffff;
	v54 =	vsub.bf16 v55, v54;
	v57 =	vunpack.i.u.bf16.f32 v19  }
0x1b3: {  	v22 =	vld.idx.msk [tilespmem:v32+s31+$0x0], $0xffff;
	v55 =	vmul.f32 v57, v57;
	v24 =	vadd.f32 v24, v17  }
0x1b4: {  	v20 =	vld.idx.msk [tilespmem:v34+s31+$0x0], $0xffff;
	v57 =	vunpack.i.l.bf16.f32 v54  }
0x1b5: {  	v21 =	vld.idx.msk [tilespmem:v33+s31+$0x0], $0xffff;
	v59 =	vmul.f32 v57, v57;
	v24 =	vadd.f32 v24, v55  }
0x1b6: {  	v18 =	vld.idx.msk [tilespmem:v35+s31+$0x0], $0xffff;
	v54 =	vunpack.i.u.bf16.f32 v54;
	v53 =	vsub.bf16 v56, v53  }
0x1b7: {  	v19 =	vld.idx.msk [tilespmem:v7+s31+$0x0], $0xffff;
	v54 =	vmul.f32 v54, v54;
	v24 =	vadd.f32 v59, v24  }
0x1b8: {  	v23 =	vld.idx.msk [tilespmem:v6+s31+$0x0], $0xffff;
	v55 =	vunpack.i.l.bf16.f32 v53  }
0x1b9: {  	v57 =	vld.idx.msk [tilespmem:v13+s31+$0x0], $0xffff;
	v24 =	vadd.f32 v24, v54;
	v54 =	vmul.f32 v55, v55  }
0x1ba: {  	v17 =	vld.idx.msk [tilespmem:v25+s31+$0x0], $0xffff;
	v53 =	vunpack.i.u.bf16.f32 v53  }
0x1bb: {  	v56 =	vld.idx.msk [tilespmem:v14+s31+$0x0], $0xffff;
	v53 =	vmul.f32 v53, v53;
	v24 =	vadd.f32 v54, v24  }
0x1bc: {  	v59 =	vld.idx.msk [tilespmem:v11+s31+$0x0], $0xffff  }
0x1bd: {  	v55 =	vld.idx.msk [tilespmem:v15+s31+$0x0], $0xffff;
	v24 =	vadd.f32 v24, v53  }
0x1be: {  	v54 =	vld [tilespmem:s29+$0x2020]  }
0x1bf: {  	s0 =	simm.s32 $0x80;
	v53 =	vld [tilespmem:s29+$0x3020];
	[tilespmem:s31+$0x0] =	vst v24  }
0x1c0: {  	s1 =	simm.s32 $0x400;
	v24 =	vld [tilespmem:s0+$0x9800]  }
.LBB2_9:
0x1c1: {  	p0 =	sne.s32 s1, $0x1E00;
	v25 =	vld [tilespmem:s0+$0x5800]  }
0x1c2: {  	v26 =	vld [tilespmem:s0+$0x9810]  }
0x1c3: {  	v27 =	vld [tilespmem:s0+$0x5810];
	_ =	sdelay $0x2  }
0x1c4: {  	v24 =	vsub.bf16 v25, v24;
	v25 =	vld [tilespmem:s0+$0x9820]  }
0x1c5: {  	v28 =	vld [tilespmem:s0+$0x5820]  }
0x1c6: {  	v29 =	vunpack.i.u.bf16.f32 v24;
	v24 =	vunpack.i.l.bf16.f32 v24;
	v26 =	vsub.bf16 v27, v26  }
0x1c7: {  	v24 =	vmul.f32 v24, v24;
	v27 =	vmul.f32 v29, v29  }
0x1c8: {  	v29 =	vunpack.i.l.bf16.f32 v26;
	v30 =	vld [tilespmem:s0+$0x9830]  }
0x1c9: {  	v24 =	vadd.f32 v24, v27;
	v27 =	vmul.f32 v29, v29;
	v29 =	vld [tilespmem:s0+$0x5830]  }
0x1ca: {  	v26 =	vunpack.i.u.bf16.f32 v26;
	v25 =	vsub.bf16 v28, v25  }
0x1cb: {  	v26 =	vmul.f32 v26, v26;
	v24 =	vadd.f32 v27, v24  }
0x1cc: {  	v27 =	vunpack.i.l.bf16.f32 v25;
	v28 =	vld [tilespmem:s0+$0x9840]  }
0x1cd: {  	v24 =	vadd.f32 v24, v26;
	v26 =	vmul.f32 v27, v27;
	v27 =	vld [tilespmem:s0+$0x5840]  }
0x1ce: {  	v25 =	vunpack.i.u.bf16.f32 v25;
	v29 =	vsub.bf16 v29, v30  }
0x1cf: {  	v25 =	vmul.f32 v25, v25;
	v24 =	vadd.f32 v26, v24  }
0x1d0: {  	v26 =	vunpack.i.l.bf16.f32 v29;
	v30 =	vld [tilespmem:s0+$0x9850]  }
0x1d1: {  	v24 =	vadd.f32 v24, v25;
	v25 =	vmul.f32 v26, v26;
	v26 =	vld [tilespmem:s0+$0x5850]  }
0x1d2: {  	v29 =	vunpack.i.u.bf16.f32 v29;
	v27 =	vsub.bf16 v27, v28  }
0x1d3: {  	v24 =	vadd.f32 v25, v24;
	v25 =	vmul.f32 v29, v29  }
0x1d4: {  	v28 =	vunpack.i.l.bf16.f32 v27;
	v29 =	vld [tilespmem:s0+$0x9860]  }
0x1d5: {  	v24 =	vadd.f32 v24, v25;
	v25 =	vmul.f32 v28, v28;
	v28 =	vld [tilespmem:s0+$0x5860]  }
0x1d6: {  	v27 =	vunpack.i.u.bf16.f32 v27;
	v26 =	vsub.bf16 v26, v30  }
0x1d7: {  	v24 =	vadd.f32 v25, v24;
	v25 =	vmul.f32 v27, v27  }
0x1d8: {  	v27 =	vunpack.i.l.bf16.f32 v26;
	v30 =	vld [tilespmem:s0+$0x9870]  }
0x1d9: {  	v24 =	vadd.f32 v24, v25;
	v25 =	vmul.f32 v27, v27;
	v27 =	vld [tilespmem:s0+$0x5870]  }
0x1da: {  	v26 =	vunpack.i.u.bf16.f32 v26;
	v28 =	vsub.bf16 v28, v29  }
0x1db: {  	v24 =	vadd.f32 v25, v24;
	v25 =	vmul.f32 v26, v26  }
0x1dc: {  	v26 =	vunpack.i.l.bf16.f32 v28  }
0x1dd: {  	v24 =	vadd.f32 v24, v25;
	v25 =	vmul.f32 v26, v26  }
0x1de: {  	v26 =	vunpack.i.u.bf16.f32 v28;
	v27 =	vsub.bf16 v27, v30  }
0x1df: {  	v24 =	vadd.f32 v25, v24;
	v25 =	vmul.f32 v26, v26  }
0x1e0: {  	v26 =	vunpack.i.l.bf16.f32 v27  }
0x1e1: {  	v24 =	vadd.f32 v24, v25;
	v25 =	vmul.f32 v26, v26  }
0x1e2: {  	v26 =	vunpack.i.u.bf16.f32 v27  }
0x1e3: {  	v24 =	vadd.f32 v25, v24;
	v25 =	vmul.f32 v26, v26  }
.Ltmp3:
0x1e4: {  	(pc) =	sbr.rel @p0 .LBB2_9-.Ltmp3, $4  }
0x1e5: {  	v24 =	vadd.f32 v24, v25  }
0x1e6: {  	s31 =	sadd.s32 $0x11, s31  }
0x1e7: {  	s0 =	sshra.s32 s1, $0x2;
	[tilespmem:s31+$0x0] =	vst v24  }
0x1e8: {  	s1 =	sadd.s32 $0x200, s1;
	v24 =	vld [tilespmem:s0+$0x9800]  }
0x1e9: {  	v25 =	vld [tilespmem:s0+$0x5800]  }
0x1ea: {  	v26 =	vld [tilespmem:s0+$0x9810]  }
0x1eb: {  	v27 =	vld [tilespmem:s0+$0x5810];
	_ =	sdelay $0x2  }
0x1ec: {  	v28 =	vld [tilespmem:s0+$0x5820];
	v24 =	vsub.bf16 v25, v24  }
0x1ed: {  	v25 =	vld [tilespmem:s0+$0x9820]  }
0x1ee: {  	v26 =	vsub.bf16 v27, v26;
	v29 =	vunpack.i.u.bf16.f32 v24;
	v24 =	vunpack.i.l.bf16.f32 v24  }
0x1ef: {  	v24 =	vmul.f32 v24, v24;
	v27 =	vmul.f32 v29, v29  }
0x1f0: {  	v30 =	vld [tilespmem:s0+$0x9830];
	v0 =	vunpack.i.l.bf16.f32 v26  }
0x1f1: {  	v0 =	vmul.f32 v0, v0;
	v29 =	vld [tilespmem:s0+$0x5830];
	v24 =	vadd.f32 v24, v27  }
0x1f2: {  	v26 =	vunpack.i.u.bf16.f32 v26;
	v25 =	vsub.bf16 v28, v25  }
0x1f3: {  	v26 =	vmul.f32 v26, v26;
	v24 =	vadd.f32 v0, v24  }
0x1f4: {  	v28 =	vld [tilespmem:s0+$0x9840];
	v0 =	vunpack.i.l.bf16.f32 v25  }
0x1f5: {  	v27 =	vld [tilespmem:s0+$0x5840];
	v0 =	vmul.f32 v0, v0;
	v24 =	vadd.f32 v24, v26  }
0x1f6: {  	v25 =	vunpack.i.u.bf16.f32 v25;
	v29 =	vsub.bf16 v29, v30  }
0x1f7: {  	v25 =	vmul.f32 v25, v25;
	v24 =	vadd.f32 v0, v24  }
0x1f8: {  	v30 =	vld [tilespmem:s0+$0x9850];
	v0 =	vunpack.i.l.bf16.f32 v29  }
0x1f9: {  	v26 =	vld [tilespmem:s0+$0x5850];
	v0 =	vmul.f32 v0, v0;
	v24 =	vadd.f32 v24, v25  }
0x1fa: {  	v27 =	vsub.bf16 v27, v28;
	v29 =	vunpack.i.u.bf16.f32 v29  }
0x1fb: {  	v24 =	vadd.f32 v0, v24;
	v0 =	vmul.f32 v29, v29  }
0x1fc: {  	v28 =	vunpack.i.l.bf16.f32 v27;
	v29 =	vld [tilespmem:s0+$0x9860]  }
0x1fd: {  	v24 =	vadd.f32 v24, v0;
	v0 =	vmul.f32 v28, v28;
	v28 =	vld [tilespmem:s0+$0x5860]  }
0x1fe: {  	v27 =	vunpack.i.u.bf16.f32 v27;
	v26 =	vsub.bf16 v26, v30  }
0x1ff: {  	v25 =	vmul.f32 v27, v27;
	v24 =	vadd.f32 v0, v24  }
0x200: {  	v27 =	vld [tilespmem:s0+$0x5870];
	v0 =	vunpack.i.l.bf16.f32 v26  }
0x201: {  	v30 =	vld [tilespmem:s0+$0x9870];
	v0 =	vmul.f32 v0, v0;
	v24 =	vadd.f32 v24, v25  }
0x202: {  	v26 =	vunpack.i.u.bf16.f32 v26;
	v28 =	vsub.bf16 v28, v29  }
0x203: {  	v24 =	vadd.f32 v0, v24;
	v0 =	vmul.f32 v26, v26  }
0x204: {  	v29 =	vunpack.i.l.bf16.f32 v28  }
0x205: {  	v24 =	vadd.f32 v24, v0;
	v0 =	vmul.f32 v29, v29  }
0x206: {  	v26 =	vsub.bf16 v27, v30;
	v30 =	vunpack.i.u.bf16.f32 v28  }
0x207: {  	v24 =	vadd.f32 v0, v24;
	v0 =	vmul.f32 v30, v30  }
0x208: {  	v30 =	vunpack.i.l.bf16.f32 v26  }
0x209: {  	v24 =	vadd.f32 v24, v0;
	v0 =	vmul.f32 v30, v30  }
0x20a: {  	v26 =	vunpack.i.u.bf16.f32 v26  }
0x20b: {  	v27 =	vld [tilespmem:$0x1FFD0];
	v29 =	vadd.f32 v2, v1;
	v28 =	vmul.f32 v26, v26;
	v24 =	vadd.f32 v0, v24  }
0x20c: {  	v26 =	vld [tilespmem:$0x1FEF0]  }
0x20d: {  	v30 =	vadd.f32 v3, v29;
	v29 =	vld [tilespmem:$0x1FFE0];
	v24 =	vadd.f32 v24, v28  }
0x20e: {  	s1 =	sadd.s32 $0x11, s31;
	v0 =	vld [tilespmem:$0x1FFB0]  }
0x20f: {  	[tilespmem:s1+$0x0] =	vst v24;
	v24 =	vadd.f32 v4, v30;
	v30 =	vld [tilespmem:$0x1FF00]  }
0x210: {  	v4 =	vld [tilespmem:$0x1FF10]  }
0x211: {  	v28 =	vld.idx.msk [tilespmem:v32+s22+$0x0], $0xffff;
	v24 =	vadd.f32 v8, v24  }
0x212: {  	v5 =	vmov v32;
	v32 =	vld.idx.msk [tilespmem:v34+s22+$0x0], $0xffff  }
0x213: {  	v24 =	vadd.f32 v31, v24;
	v31 =	vld [tilespmem:$0x1FFF0]  }
0x214: {  	v7 =	vmov v33;
	v33 =	vld.idx.msk [tilespmem:v33+s22+$0x0], $0xffff  }
0x215: {  	v6 =	vmov v34;
	v34 =	vld.idx.msk [tilespmem:v35+s22+$0x0], $0xffff  }
0x216: {  	v3 =	vld.idx.msk [tilespmem:v9+s22+$0x0], $0xffff  }
0x217: {  	v48 =	vadd.f32 v48, v43;
	v43 =	vld.idx.msk [tilespmem:v11+s22+$0x0], $0xffff  }
0x218: {  	v8 =	vmov v35;
	v35 =	vld [tilespmem:$0x1FFC0]  }
0x219: {  	v1 =	vld.idx.msk [tilespmem:v29+s22+$0x0], $0xffff  }
0x21a: {  	v29 =	vld.idx.msk [tilespmem:v14+s22+$0x0], $0xffff  }
0x21b: {  	v24 =	vadd.f32 v26, v24;
	v2 =	vld.idx.msk [tilespmem:v31+s22+$0x0], $0xffff  }
0x21c: {  	v31 =	vld [tilespmem:$0x1FF20]  }
0x21d: {  	v25 =	vld.idx.msk [tilespmem:v0+s22+$0x0], $0xffff;
	v24 =	vadd.f32 v30, v24  }
0x21e: {  	v26 =	vadd.f32 v46, v48;
	v46 =	vld [tilespmem:$0x1FF30]  }
0x21f: {  	v0 =	vld.idx.msk [tilespmem:v27+s22+$0x0], $0xffff;
	v24 =	vadd.f32 v4, v24  }
0x220: {  	v27 =	vld.idx.msk [tilespmem:v15+s22+$0x0], $0xffff  }
0x221: {  	v48 =	vld [tilespmem:$0x1FF40];
	v24 =	vadd.f32 v31, v24  }
0x222: {  	v30 =	vld.idx.msk [tilespmem:v13+s22+$0x0], $0xffff  }
0x223: {  	v24 =	vadd.f32 v46, v24;
	v46 =	vadd.f32 v52, v26;
	v52 =	vld [tilespmem:$0x1FF50]  }
0x224: {  	v35 =	vld.idx.msk [tilespmem:v35+s22+$0x0], $0xffff  }
0x225: {  	v4 =	vld.idx.msk [tilespmem:v10+s22+$0x0], $0xffff  }
0x226: {  	v31 =	vld.idx.msk [tilespmem:v12+s22+$0x0], $0xffff;
	v48 =	vadd.f32 v48, v24  }
0x227: {  	p0 =	seq.s32 s28, $0x1F;
	v26 =	vld [tilespmem:s29+$0x2030]  }
0x228: {  	s31 =	simm.s32 @!p0 $0x4000;
	s0 =	sadd.s32 @!p0 $0x80, s29;
	s1 =	simm.s32 @!p0 $0x40;
	v48 =	vadd.f32 v52, v48;
	v52 =	vld [tilespmem:$0x1FF60]  }
0x229: {  	v24 =	vld [tilespmem:s29+$0x3030];
	[tilespmem:s31], [sflag:$0x1] =	stream.indirect.gather @!p0 [hbm4b:s3+s1], $0x80, s0, s1, $0xb8  }
0x22a: {  	s0 =	sadd.s32 @!p0 $0x1080, s29;
	s31 =	simm.s32 @!p0 $0x8000  }
0x22b: {  	[tilespmem:s31], [sflag:$0x3] =	stream.indirect.gather @!p0 [hbm4b:s4+s1], $0x80, s0, s1, $0xb8;
	[tilespmem:$0xC120] =	vst v63  }
0x22c: {  	_ =	swait.ge [sflag:s23], $0x2000  }
0x22d: {  	v48 =	vadd.f32 v52, v48;
	v52 =	vld [tilespmem:$0x1FF70]  }
0x22e: {  	v22 =	vadd.f32 v22, v63;
	_ =	sdelay $0x1  }
0x22f: {  	v20 =	vadd.f32 v20, v22;
	[sflag:s23] =	ssyncset.done $0x0  }
0x230: {  	v46 =	vadd.f32 v50, v46;
	[sflag:s23] =	ssyncadd.s32 $0xFFFFE000  }
0x231: {  	v20 =	vadd.f32 v21, v20;
	v48 =	vadd.f32 v52, v48;
	v52 =	vld [tilespmem:$0x1FF80];
	_ =	swait.ge [sflag:s24], $0x2000  }
0x232: {  	v46 =	vadd.f32 v51, v46;
	[sflag:s24] =	ssyncset.done $0x0  }
0x233: {  	v18 =	vadd.f32 v18, v20;
	s1 =	simm.s32 $0x0;
	[sflag:s24] =	ssyncadd.s32 $0xFFFFE000  }
0x234: {  	v46 =	vadd.f32 v49, v46;
	v49 =	vld [tilespmem:s1+$0xA000]  }
0x235: {  	v18 =	vadd.f32 v23, v18;
	v50 =	vld [tilespmem:s1+$0x6000]  }
0x236: {  	v46 =	vadd.f32 v47, v46;
	v47 =	vadd.f32 v52, v48;
	v48 =	vld [tilespmem:$0x1FF90]  }
0x237: {  	v18 =	vadd.f32 v19, v18  }
0x238: {  	v63 =	vsub.f32 $5.000000000e+00, v47  }
0x239: {  	v17 =	vadd.f32 v17, v18;
	v52 =	vld [tilespmem:s1+$0xA010]  }
0x23a: {  	v45 =	vadd.f32 v45, v46;
	v21 =	vsub.bf16 v50, v49;
	v22 =	vmax.f32 v63, $0.0e+00;
	v63 =	vld [tilespmem:s1+$0x6010]  }
0x23b: {  	v51 =	vld [tilespmem:$0x1FFA0];
	v46 =	vmul.f32 v47, v48  }
0x23c: {  	v17 =	vadd.f32 v62, v17;
	v44 =	vadd.f32 v44, v45;
	v49 =	vunpack.i.u.bf16.f32 v21  }
0x23d: {  	v47 =	vld [tilespmem:s1+$0xA020];
	v21 =	vunpack.i.l.bf16.f32 v21;
	v16 =	vadd.f32 v46, v16;
	v46 =	vadd.f32 v28, v25  }
0x23e: {  	v17 =	vadd.f32 v61, v17;
	v42 =	vadd.f32 v42, v44;
	v48 =	vld [tilespmem:s1+$0x6020];
	v18 =	vmul.f32 v21, v21  }
0x23f: {  	v50 =	vmul.f32 v49, v49;
	v19 =	vadd.f32 v32, v46;
	v20 =	vsub.bf16 v63, v52  }
0x240: {  	v17 =	vadd.f32 v60, v17;
	v42 =	vadd.f32 v41, v42;
	v22 =	vmul.f32 v22, v51  }
0x241: {  	v18 =	vadd.f32 v18, v50;
	v52 =	vld [tilespmem:s1+$0xA030];
	v19 =	vadd.f32 v33, v19;
	v51 =	vunpack.i.l.bf16.f32 v20  }
0x242: {  	v16 =	vadd.f32 v22, v16;
	v22 =	vadd.f32 v40, v42;
	v33 =	vld [tilespmem:s1+$0x6030];
	v63 =	vmul.f32 v51, v51  }
0x243: {  	v23 =	vsub.bf16 v48, v47;
	v20 =	vunpack.i.u.bf16.f32 v20;
	v19 =	vadd.f32 v34, v19  }
0x244: {  	v17 =	vadd.f32 v59, v17;
	v20 =	vmul.f32 v20, v20;
	v18 =	vadd.f32 v63, v18  }
0x245: {  	v40 =	vld [tilespmem:s1+$0xA040];
	v22 =	vadd.f32 v39, v22;
	v39 =	vunpack.i.l.bf16.f32 v23;
	v19 =	vadd.f32 v35, v19  }
0x246: {  	v17 =	vadd.f32 v58, v17;
	v42 =	vld [tilespmem:s1+$0x6040];
	v41 =	vmul.f32 v39, v39;
	v18 =	vadd.f32 v18, v20  }
0x247: {  	v23 =	vunpack.i.u.bf16.f32 v23;
	v0 =	vadd.f32 v0, v19;
	v19 =	vsub.bf16 v33, v52  }
0x248: {  	v44 =	vmul.f32 v23, v23;
	v18 =	vadd.f32 v41, v18  }
0x249: {  	v17 =	vadd.f32 v57, v17;
	v0 =	vadd.f32 v1, v0;
	v45 =	vunpack.i.l.bf16.f32 v19  }
0x24a: {  	v46 =	vld [tilespmem:s1+$0xA050];
	v38 =	vadd.f32 v38, v22;
	v18 =	vadd.f32 v18, v44;
	v1 =	vmul.f32 v45, v45  }
0x24b: {  	v48 =	vld [tilespmem:s1+$0x6050];
	v49 =	vsub.bf16 v42, v40;
	v19 =	vunpack.i.u.bf16.f32 v19;
	v0 =	vadd.f32 v2, v0  }
0x24c: {  	v50 =	vld [tilespmem:$0x1FEE0];
	v21 =	vadd.f32 v37, v38;
	v1 =	vadd.f32 v1, v18;
	v18 =	vmul.f32 v19, v19  }
0x24d: {  	v17 =	vadd.f32 v56, v17;
	v19 =	vld [tilespmem:s1+$0xA060];
	v0 =	vadd.f32 v3, v0;
	v3 =	vunpack.i.l.bf16.f32 v49  }
0x24e: {  	v47 =	vmul.f32 v21, v36;
	v1 =	vadd.f32 v1, v18;
	v3 =	vmul.f32 v3, v3;
	v18 =	vld [tilespmem:s1+$0x6060]  }
0x24f: {  	v21 =	vsub.f32 $5.000000000e+00, v21;
	v2 =	vunpack.i.u.bf16.f32 v49;
	v0 =	vadd.f32 v4, v0  }
0x250: {  	v2 =	vmul.f32 v2, v2;
	v4 =	vsub.bf16 v48, v46;
	v1 =	vadd.f32 v3, v1  }
0x251: {  	v16 =	vadd.f32 v47, v16;
	v3 =	vmax.f32 v21, $0.0e+00;
	v0 =	vadd.f32 v43, v0  }
0x252: {  	v59 =	vld [tilespmem:s1+$0x6070];
	v3 =	vmul.f32 v3, v50;
	v51 =	vunpack.i.l.bf16.f32 v4;
	v1 =	vadd.f32 v1, v2  }
0x253: {  	v52 =	vld [tilespmem:s1+$0xA070];
	v58 =	vmul.f32 v51, v51;
	v0 =	vadd.f32 v31, v0;
	v18 =	vsub.bf16 v18, v19  }
0x254: {  	v4 =	vunpack.i.u.bf16.f32 v4;
	v3 =	vadd.f32 v3, v16;
	v16 =	vadd.f32 v55, v17  }
0x255: {  	v60 =	vmul.f32 v4, v4;
	v1 =	vadd.f32 v58, v1;
	v0 =	vadd.f32 v30, v0  }
0x256: {  	v4 =	vunpack.i.l.bf16.f32 v18;
	v17 =	vunpack.i.u.bf16.f32 v18;
	v62 =	vsub.f32 $5.000000000e+00, v16  }
0x257: {  	v1 =	vadd.f32 v1, v60;
	v61 =	vmul.f32 v4, v4;
	v0 =	vadd.f32 v29, v0  }
0x258: {  	v16 =	vmul.f32 v16, v54;
	v4 =	vsub.bf16 v59, v52;
	v17 =	vmul.f32 v17, v17  }
0x259: {  	v2 =	vmax.f32 v62, $0.0e+00;
	v1 =	vadd.f32 v61, v1;
	v0 =	vadd.f32 v27, v0  }
0x25a: {  	v3 =	vadd.f32 v16, v3;
	v18 =	vunpack.i.l.bf16.f32 v4;
	v2 =	vmul.f32 v2, v53  }
0x25b: {  	v1 =	vadd.f32 v1, v17;
	v17 =	vmul.f32 v18, v18;
	v16 =	vsub.f32 $5.000000000e+00, v0  }
0x25c: {  	v4 =	vunpack.i.u.bf16.f32 v4;
	v2 =	vadd.f32 v2, v3;
	v0 =	vmul.f32 v0, v26  }
0x25d: {  	v4 =	vmul.f32 v4, v4;
	v1 =	vadd.f32 v17, v1;
	v3 =	vmax.f32 v16, $0.0e+00  }
0x25e: {  	v0 =	vadd.f32 v0, v2;
	v63 =	vmul.f32 v3, v24  }
0x25f: {  	v1 =	vadd.f32 v1, v4  }
0x260: {  	s31 =	simm.s32 $0xC000;
	v0 =	vadd.f32 v63, v0  }
0x261: {  	s0 =	simm.s32 $0x80;
	[tilespmem:s31+$0x0] =	vst v1  }
0x262: {  	s1 =	simm.s32 $0x400;
	v16 =	vld [tilespmem:s0+$0xA000];
	[tilespmem:$0x1FED0] =	vst v0  }
.LBB2_11:
0x263: {  	p0 =	sne.s32 s1, $0x1E00;
	v0 =	vld [tilespmem:s0+$0x6000]  }
0x264: {  	v1 =	vld [tilespmem:s0+$0xA010]  }
0x265: {  	v2 =	vld [tilespmem:s0+$0x6010];
	_ =	sdelay $0x2  }
0x266: {  	v0 =	vsub.bf16 v0, v16;
	v3 =	vld [tilespmem:s0+$0xA020]  }
0x267: {  	v4 =	vld [tilespmem:s0+$0x6020]  }
0x268: {  	v16 =	vunpack.i.u.bf16.f32 v0;
	v0 =	vunpack.i.l.bf16.f32 v0;
	v1 =	vsub.bf16 v2, v1  }
0x269: {  	v0 =	vmul.f32 v0, v0;
	v2 =	vmul.f32 v16, v16  }
0x26a: {  	v16 =	vunpack.i.l.bf16.f32 v1;
	v17 =	vld [tilespmem:s0+$0xA030]  }
0x26b: {  	v0 =	vadd.f32 v0, v2;
	v2 =	vmul.f32 v16, v16;
	v16 =	vld [tilespmem:s0+$0x6030]  }
0x26c: {  	v1 =	vunpack.i.u.bf16.f32 v1;
	v3 =	vsub.bf16 v4, v3  }
0x26d: {  	v1 =	vmul.f32 v1, v1;
	v0 =	vadd.f32 v2, v0  }
0x26e: {  	v2 =	vunpack.i.l.bf16.f32 v3;
	v4 =	vld [tilespmem:s0+$0xA040]  }
0x26f: {  	v0 =	vadd.f32 v0, v1;
	v1 =	vmul.f32 v2, v2;
	v2 =	vld [tilespmem:s0+$0x6040]  }
0x270: {  	v3 =	vunpack.i.u.bf16.f32 v3;
	v16 =	vsub.bf16 v16, v17  }
0x271: {  	v0 =	vadd.f32 v1, v0;
	v1 =	vmul.f32 v3, v3  }
0x272: {  	v3 =	vunpack.i.l.bf16.f32 v16;
	v17 =	vld [tilespmem:s0+$0xA050]  }
0x273: {  	v0 =	vadd.f32 v0, v1;
	v1 =	vmul.f32 v3, v3;
	v3 =	vld [tilespmem:s0+$0x6050]  }
0x274: {  	v16 =	vunpack.i.u.bf16.f32 v16;
	v2 =	vsub.bf16 v2, v4  }
0x275: {  	v0 =	vadd.f32 v1, v0;
	v1 =	vmul.f32 v16, v16  }
0x276: {  	v4 =	vunpack.i.l.bf16.f32 v2;
	v16 =	vld [tilespmem:s0+$0xA060]  }
0x277: {  	v0 =	vadd.f32 v0, v1;
	v1 =	vmul.f32 v4, v4;
	v4 =	vld [tilespmem:s0+$0x6060]  }
0x278: {  	v2 =	vunpack.i.u.bf16.f32 v2;
	v3 =	vsub.bf16 v3, v17  }
0x279: {  	v0 =	vadd.f32 v1, v0;
	v1 =	vmul.f32 v2, v2  }
0x27a: {  	v2 =	vunpack.i.l.bf16.f32 v3;
	v17 =	vld [tilespmem:s0+$0xA070]  }
0x27b: {  	v0 =	vadd.f32 v0, v1;
	v1 =	vmul.f32 v2, v2;
	v2 =	vld [tilespmem:s0+$0x6070]  }
0x27c: {  	v3 =	vunpack.i.u.bf16.f32 v3;
	v4 =	vsub.bf16 v4, v16  }
0x27d: {  	v0 =	vadd.f32 v1, v0;
	v1 =	vmul.f32 v3, v3  }
0x27e: {  	v3 =	vunpack.i.l.bf16.f32 v4  }
0x27f: {  	v0 =	vadd.f32 v0, v1;
	v1 =	vmul.f32 v3, v3  }
0x280: {  	v3 =	vunpack.i.u.bf16.f32 v4;
	v2 =	vsub.bf16 v2, v17  }
0x281: {  	v0 =	vadd.f32 v1, v0;
	v1 =	vmul.f32 v3, v3  }
0x282: {  	v3 =	vunpack.i.l.bf16.f32 v2  }
0x283: {  	v0 =	vadd.f32 v0, v1;
	v1 =	vmul.f32 v3, v3  }
0x284: {  	v2 =	vunpack.i.u.bf16.f32 v2  }
0x285: {  	v0 =	vadd.f32 v1, v0;
	v1 =	vmul.f32 v2, v2  }
.Ltmp4:
0x286: {  	(pc) =	sbr.rel @p0 .LBB2_11-.Ltmp4, $4  }
0x287: {  	v0 =	vadd.f32 v0, v1  }
0x288: {  	s31 =	sadd.s32 $0x11, s31  }
0x289: {  	s0 =	sshra.s32 s1, $0x2;
	[tilespmem:s31+$0x0] =	vst v0  }
0x28a: {  	s1 =	sadd.s32 $0x200, s1;
	v16 =	vld [tilespmem:s0+$0xA000]  }
0x28b: {  	v0 =	vld [tilespmem:s0+$0x6000]  }
0x28c: {  	v1 =	vld [tilespmem:s0+$0xA010]  }
0x28d: {  	v2 =	vld [tilespmem:s0+$0x6010];
	_ =	sdelay $0x2  }
0x28e: {  	v3 =	vld [tilespmem:s0+$0xA020];
	v0 =	vsub.bf16 v0, v16  }
0x28f: {  	v4 =	vld [tilespmem:s0+$0x6020]  }
0x290: {  	v1 =	vsub.bf16 v2, v1;
	v16 =	vunpack.i.u.bf16.f32 v0;
	v0 =	vunpack.i.l.bf16.f32 v0  }
0x291: {  	v0 =	vmul.f32 v0, v0;
	v51 =	vmul.f32 v16, v16  }
0x292: {  	v17 =	vld [tilespmem:s0+$0xA030];
	v16 =	vunpack.i.l.bf16.f32 v1  }
0x293: {  	v52 =	vmul.f32 v16, v16;
	v16 =	vld [tilespmem:s0+$0x6030];
	v0 =	vadd.f32 v0, v51  }
0x294: {  	v3 =	vsub.bf16 v4, v3;
	v1 =	vunpack.i.u.bf16.f32 v1  }
0x295: {  	v55 =	vld [tilespmem:s0+$0x6040];
	v1 =	vmul.f32 v1, v1;
	v0 =	vadd.f32 v52, v0  }
0x296: {  	v4 =	vld [tilespmem:s0+$0xA040];
	v53 =	vunpack.i.l.bf16.f32 v3  }
0x297: {  	v54 =	vmul.f32 v53, v53;
	v0 =	vadd.f32 v0, v1  }
0x298: {  	v3 =	vunpack.i.u.bf16.f32 v3;
	v16 =	vsub.bf16 v16, v17  }
0x299: {  	v56 =	vmul.f32 v3, v3;
	v0 =	vadd.f32 v54, v0  }
0x29a: {  	v17 =	vld [tilespmem:s0+$0xA050];
	v3 =	vunpack.i.l.bf16.f32 v16  }
0x29b: {  	v2 =	vsub.bf16 v55, v4;
	v57 =	vmul.f32 v3, v3;
	v3 =	vld [tilespmem:s0+$0x6050];
	v0 =	vadd.f32 v0, v56  }
0x29c: {  	v16 =	vunpack.i.u.bf16.f32 v16  }
0x29d: {  	v4 =	vunpack.i.l.bf16.f32 v2;
	v58 =	vmul.f32 v16, v16;
	v0 =	vadd.f32 v57, v0  }
0x29e: {  	v59 =	vmul.f32 v4, v4;
	v4 =	vld [tilespmem:s0+$0x6060]  }
0x29f: {  	v16 =	vld [tilespmem:s0+$0xA060];
	v0 =	vadd.f32 v0, v58  }
0x2a0: {  	v2 =	vunpack.i.u.bf16.f32 v2;
	v3 =	vsub.bf16 v3, v17  }
0x2a1: {  	v60 =	vmul.f32 v2, v2;
	v0 =	vadd.f32 v59, v0  }
0x2a2: {  	v63 =	vld [tilespmem:s0+$0x6070];
	v61 =	vunpack.i.l.bf16.f32 v3  }
0x2a3: {  	v17 =	vld [tilespmem:s0+$0xA070];
	v62 =	vmul.f32 v61, v61;
	v0 =	vadd.f32 v0, v60  }
0x2a4: {  	v4 =	vsub.bf16 v4, v16;
	v3 =	vunpack.i.u.bf16.f32 v3  }
0x2a5: {  	v32 =	vmul.f32 v3, v3;
	v0 =	vadd.f32 v62, v0  }
0x2a6: {  	v3 =	vunpack.i.l.bf16.f32 v4  }
0x2a7: {  	v33 =	vmul.f32 v3, v3;
	v0 =	vadd.f32 v0, v32  }
0x2a8: {  	v3 =	vunpack.i.u.bf16.f32 v4;
	v2 =	vsub.bf16 v63, v17  }
0x2a9: {  	v34 =	vmul.f32 v3, v3;
	v0 =	vadd.f32 v33, v0  }
0x2aa: {  	v3 =	vunpack.i.l.bf16.f32 v2  }
0x2ab: {  	v35 =	vmul.f32 v3, v3;
	v0 =	vadd.f32 v0, v34  }
0x2ac: {  	v2 =	vunpack.i.u.bf16.f32 v2  }
0x2ad: {  	v36 =	vmul.f32 v2, v2;
	v0 =	vadd.f32 v35, v0;
	_ =	sdelay $0x1  }
0x2ae: {  	v0 =	vadd.f32 v0, v36  }
0x2af: {  	s1 =	sadd.s32 $0x11, s31  }
0x2b0: {  	[tilespmem:s1+$0x0] =	vst v0;
	s1 =	simm.s32 $0x0  }
0x2b1: {  	v0 =	vld [tilespmem:s1+$0xA800]  }
0x2b2: {  	v37 =	vld [tilespmem:s1+$0x6800]  }
0x2b3: {  	v38 =	vld [tilespmem:s1+$0xA810]  }
0x2b4: {  	v3 =	vld [tilespmem:s1+$0x6810];
	_ =	sdelay $0x2  }
0x2b5: {  	v0 =	vsub.bf16 v37, v0  }
0x2b6: {  	v18 =	vld [tilespmem:$0x1FFB0]  }
0x2b7: {  	v39 =	vld [tilespmem:s1+$0xA820];
	v2 =	vsub.bf16 v3, v38;
	v16 =	vunpack.i.u.bf16.f32 v0;
	v0 =	vunpack.i.l.bf16.f32 v0  }
0x2b8: {  	v4 =	vld [tilespmem:s1+$0x6820];
	v0 =	vmul.f32 v0, v0;
	v3 =	vmul.f32 v16, v16  }
0x2b9: {  	v17 =	vld [tilespmem:s1+$0xA830];
	v16 =	vunpack.i.l.bf16.f32 v2  }
0x2ba: {  	v0 =	vadd.f32 v0, v3;
	v3 =	vmul.f32 v16, v16;
	v16 =	vld [tilespmem:s1+$0x6830];
	_ =	sdelay $0x2  }
0x2bb: {  	v22 =	vld [tilespmem:$0x1FFC0];
	v1 =	vsub.bf16 v4, v39;
	v2 =	vunpack.i.u.bf16.f32 v2  }
0x2bc: {  	s31 =	simm.s32 $0xC000;
	v4 =	vld [tilespmem:s1+$0xA840];
	v2 =	vmul.f32 v2, v2;
	v0 =	vadd.f32 v3, v0  }
0x2bd: {  	v3 =	vunpack.i.l.bf16.f32 v1;
	v16 =	vsub.bf16 v16, v17;
	v17 =	vld.idx.msk [tilespmem:v18+s31+$0x0], $0xffff  }
0x2be: {  	v40 =	vmul.f32 v3, v3;
	v3 =	vld [tilespmem:s1+$0x6840];
	v0 =	vadd.f32 v0, v2  }
0x2bf: {  	v24 =	vld [tilespmem:$0x1FFD0];
	v1 =	vunpack.i.u.bf16.f32 v1  }
0x2c0: {  	v53 =	vld [tilespmem:$0x1FFE0];
	v1 =	vmul.f32 v1, v1;
	v0 =	vadd.f32 v40, v0  }
0x2c1: {  	v43 =	vld [tilespmem:s1+$0x6850];
	v41 =	vunpack.i.l.bf16.f32 v16  }
0x2c2: {  	v0 =	vadd.f32 v0, v1;
	v42 =	vmul.f32 v41, v41;
	[tilespmem:$0x1FE50] =	vst v17;
	v17 =	vld [tilespmem:s1+$0xA850]  }
0x2c3: {  	v54 =	vld [tilespmem:$0x1FFF0];
	v16 =	vunpack.i.u.bf16.f32 v16;
	v3 =	vsub.bf16 v3, v4  }
0x2c4: {  	v28 =	vld.idx.msk [tilespmem:v5+s31+$0x0], $0xffff;
	v44 =	vmul.f32 v16, v16;
	v0 =	vadd.f32 v42, v0  }
0x2c5: {  	v16 =	vld [tilespmem:s1+$0xA860];
	v4 =	vunpack.i.l.bf16.f32 v3  }
0x2c6: {  	v45 =	vmul.f32 v4, v4;
	v4 =	vld [tilespmem:s1+$0x6860];
	v0 =	vadd.f32 v0, v44  }
0x2c7: {  	v26 =	vld.idx.msk [tilespmem:v6+s31+$0x0], $0xffff;
	v3 =	vunpack.i.u.bf16.f32 v3;
	v2 =	vsub.bf16 v43, v17  }
0x2c8: {  	v31 =	vld.idx.msk [tilespmem:v7+s31+$0x0], $0xffff;
	v46 =	vmul.f32 v3, v3;
	v0 =	vadd.f32 v45, v0  }
0x2c9: {  	v17 =	vld [tilespmem:s1+$0xA870];
	v3 =	vunpack.i.l.bf16.f32 v2  }
0x2ca: {  	v0 =	vadd.f32 v0, v46;
	v47 =	vmul.f32 v3, v3;
	v3 =	vld [tilespmem:s1+$0x6870]  }
0x2cb: {  	v30 =	vld.idx.msk [tilespmem:v8+s31+$0x0], $0xffff;
	v4 =	vsub.bf16 v4, v16;
	v2 =	vunpack.i.u.bf16.f32 v2  }
0x2cc: {  	v34 =	vld.idx.msk [tilespmem:v22+s31+$0x0], $0xffff;
	v48 =	vmul.f32 v2, v2;
	v0 =	vadd.f32 v47, v0  }
0x2cd: {  	v55 =	vld.idx.msk [tilespmem:v11+s31+$0x0], $0xffff;
	v49 =	vunpack.i.l.bf16.f32 v4  }
0x2ce: {  	v58 =	vld.idx.msk [tilespmem:v13+s31+$0x0], $0xffff;
	v50 =	vmul.f32 v49, v49;
	v0 =	vadd.f32 v0, v48  }
0x2cf: {  	v61 =	vld.idx.msk [tilespmem:v15+s31+$0x0], $0xffff;
	v51 =	vunpack.i.u.bf16.f32 v4;
	v3 =	vsub.bf16 v3, v17  }
0x2d0: {  	v62 =	vld [tilespmem:s30+$0x2000];
	v52 =	vmul.f32 v51, v51;
	v0 =	vadd.f32 v50, v0  }
0x2d1: {  	v63 =	vld [tilespmem:s30+$0x3000];
	v56 =	vunpack.i.l.bf16.f32 v3  }
0x2d2: {  	[tilespmem:$0x1FE60] =	vst v55;
	v4 =	vld.idx.msk [tilespmem:v12+s31+$0x0], $0xffff;
	v0 =	vadd.f32 v0, v52;
	v57 =	vmul.f32 v56, v56  }
0x2d3: {  	v33 =	vld.idx.msk [tilespmem:v24+s31+$0x0], $0xffff;
	[tilespmem:$0x1FE80] =	vst v58;
	v59 =	vunpack.i.u.bf16.f32 v3  }
0x2d4: {  	[tilespmem:$0x1FEA0] =	vst v61;
	v3 =	vld.idx.msk [tilespmem:v14+s31+$0x0], $0xffff;
	v60 =	vmul.f32 v59, v59;
	v0 =	vadd.f32 v57, v0  }
0x2d5: {  	v32 =	vld.idx.msk [tilespmem:v53+s31+$0x0], $0xffff;
	[tilespmem:$0x1FEB0] =	vst v62  }
0x2d6: {  	v29 =	vld.idx.msk [tilespmem:v54+s31+$0x0], $0xffff;
	[tilespmem:$0x1FEC0] =	vst v63;
	v0 =	vadd.f32 v0, v60  }
0x2d7: {  	v27 =	vld.idx.msk [tilespmem:v9+s31+$0x0], $0xffff;
	[tilespmem:$0x1FE70] =	vst v4  }
0x2d8: {  	s0 =	simm.s32 $0x80;
	v25 =	vld.idx.msk [tilespmem:v10+s31+$0x0], $0xffff;
	[tilespmem:s31+$0x0] =	vst v0  }
0x2d9: {  	v19 =	vmov v5;
	v20 =	vmov v8;
	s1 =	simm.s32 $0x400;
	[tilespmem:$0x1FE90] =	vst v3;
	v16 =	vld [tilespmem:s0+$0xA800]  }
.LBB2_13:
0x2da: {  	p0 =	sne.s32 s1, $0x1E00;
	v0 =	vld [tilespmem:s0+$0x6800]  }
0x2db: {  	v1 =	vld [tilespmem:s0+$0xA810]  }
0x2dc: {  	v2 =	vld [tilespmem:s0+$0x6810];
	_ =	sdelay $0x2  }
0x2dd: {  	v0 =	vsub.bf16 v0, v16;
	v3 =	vld [tilespmem:s0+$0xA820]  }
0x2de: {  	v4 =	vld [tilespmem:s0+$0x6820]  }
0x2df: {  	v16 =	vunpack.i.u.bf16.f32 v0;
	v0 =	vunpack.i.l.bf16.f32 v0;
	v1 =	vsub.bf16 v2, v1  }
0x2e0: {  	v0 =	vmul.f32 v0, v0;
	v2 =	vmul.f32 v16, v16  }
0x2e1: {  	v16 =	vunpack.i.l.bf16.f32 v1;
	v17 =	vld [tilespmem:s0+$0xA830]  }
0x2e2: {  	v0 =	vadd.f32 v0, v2;
	v2 =	vmul.f32 v16, v16;
	v16 =	vld [tilespmem:s0+$0x6830]  }
0x2e3: {  	v1 =	vunpack.i.u.bf16.f32 v1;
	v3 =	vsub.bf16 v4, v3  }
0x2e4: {  	v1 =	vmul.f32 v1, v1;
	v0 =	vadd.f32 v2, v0  }
0x2e5: {  	v2 =	vunpack.i.l.bf16.f32 v3;
	v4 =	vld [tilespmem:s0+$0xA840]  }
0x2e6: {  	v0 =	vadd.f32 v0, v1;
	v1 =	vmul.f32 v2, v2;
	v2 =	vld [tilespmem:s0+$0x6840]  }
0x2e7: {  	v3 =	vunpack.i.u.bf16.f32 v3;
	v16 =	vsub.bf16 v16, v17  }
0x2e8: {  	v0 =	vadd.f32 v1, v0;
	v1 =	vmul.f32 v3, v3  }
0x2e9: {  	v3 =	vunpack.i.l.bf16.f32 v16;
	v17 =	vld [tilespmem:s0+$0xA850]  }
0x2ea: {  	v0 =	vadd.f32 v0, v1;
	v1 =	vmul.f32 v3, v3;
	v3 =	vld [tilespmem:s0+$0x6850]  }
0x2eb: {  	v16 =	vunpack.i.u.bf16.f32 v16;
	v2 =	vsub.bf16 v2, v4  }
0x2ec: {  	v0 =	vadd.f32 v1, v0;
	v1 =	vmul.f32 v16, v16  }
0x2ed: {  	v4 =	vunpack.i.l.bf16.f32 v2;
	v16 =	vld [tilespmem:s0+$0xA860]  }
0x2ee: {  	v0 =	vadd.f32 v0, v1;
	v1 =	vmul.f32 v4, v4;
	v4 =	vld [tilespmem:s0+$0x6860]  }
0x2ef: {  	v2 =	vunpack.i.u.bf16.f32 v2;
	v3 =	vsub.bf16 v3, v17  }
0x2f0: {  	v0 =	vadd.f32 v1, v0;
	v1 =	vmul.f32 v2, v2  }
0x2f1: {  	v2 =	vunpack.i.l.bf16.f32 v3;
	v17 =	vld [tilespmem:s0+$0xA870]  }
0x2f2: {  	v0 =	vadd.f32 v0, v1;
	v1 =	vmul.f32 v2, v2;
	v2 =	vld [tilespmem:s0+$0x6870]  }
0x2f3: {  	v3 =	vunpack.i.u.bf16.f32 v3;
	v4 =	vsub.bf16 v4, v16  }
0x2f4: {  	v0 =	vadd.f32 v1, v0;
	v1 =	vmul.f32 v3, v3  }
0x2f5: {  	v3 =	vunpack.i.l.bf16.f32 v4  }
0x2f6: {  	v0 =	vadd.f32 v0, v1;
	v1 =	vmul.f32 v3, v3  }
0x2f7: {  	v3 =	vunpack.i.u.bf16.f32 v4;
	v2 =	vsub.bf16 v2, v17  }
0x2f8: {  	v0 =	vadd.f32 v1, v0;
	v1 =	vmul.f32 v3, v3  }
0x2f9: {  	v3 =	vunpack.i.l.bf16.f32 v2  }
0x2fa: {  	v0 =	vadd.f32 v0, v1;
	v1 =	vmul.f32 v3, v3  }
0x2fb: {  	v2 =	vunpack.i.u.bf16.f32 v2  }
0x2fc: {  	v0 =	vadd.f32 v1, v0;
	v1 =	vmul.f32 v2, v2  }
.Ltmp5:
0x2fd: {  	(pc) =	sbr.rel @p0 .LBB2_13-.Ltmp5, $4  }
0x2fe: {  	v0 =	vadd.f32 v0, v1  }
0x2ff: {  	s31 =	sadd.s32 $0x11, s31  }
0x300: {  	s0 =	sshra.s32 s1, $0x2;
	[tilespmem:s31+$0x0] =	vst v0  }
0x301: {  	s1 =	sadd.s32 $0x200, s1;
	v16 =	vld [tilespmem:s0+$0xA800]  }
0x302: {  	v0 =	vld [tilespmem:s0+$0x6800]  }
0x303: {  	v1 =	vld [tilespmem:s0+$0xA810]  }
0x304: {  	v2 =	vld [tilespmem:s0+$0x6810];
	_ =	sdelay $0x2  }
0x305: {  	v3 =	vld [tilespmem:s0+$0xA820];
	v0 =	vsub.bf16 v0, v16  }
0x306: {  	v4 =	vld [tilespmem:s0+$0x6820]  }
0x307: {  	v1 =	vsub.bf16 v2, v1;
	v16 =	vunpack.i.u.bf16.f32 v0;
	v0 =	vunpack.i.l.bf16.f32 v0  }
0x308: {  	v0 =	vmul.f32 v0, v0;
	v43 =	vmul.f32 v16, v16  }
0x309: {  	v17 =	vld [tilespmem:s0+$0xA830];
	v16 =	vunpack.i.l.bf16.f32 v1  }
0x30a: {  	v44 =	vmul.f32 v16, v16;
	v16 =	vld [tilespmem:s0+$0x6830];
	v0 =	vadd.f32 v0, v43  }
0x30b: {  	v3 =	vsub.bf16 v4, v3;
	v1 =	vunpack.i.u.bf16.f32 v1  }
0x30c: {  	v47 =	vld [tilespmem:s0+$0x6840];
	v1 =	vmul.f32 v1, v1;
	v0 =	vadd.f32 v44, v0  }
0x30d: {  	v4 =	vld [tilespmem:s0+$0xA840];
	v45 =	vunpack.i.l.bf16.f32 v3  }
0x30e: {  	v46 =	vmul.f32 v45, v45;
	v0 =	vadd.f32 v0, v1  }
0x30f: {  	v3 =	vunpack.i.u.bf16.f32 v3;
	v16 =	vsub.bf16 v16, v17  }
0x310: {  	v48 =	vmul.f32 v3, v3;
	v0 =	vadd.f32 v46, v0  }
0x311: {  	v17 =	vld [tilespmem:s0+$0xA850];
	v3 =	vunpack.i.l.bf16.f32 v16  }
0x312: {  	v2 =	vsub.bf16 v47, v4;
	v49 =	vmul.f32 v3, v3;
	v3 =	vld [tilespmem:s0+$0x6850];
	v0 =	vadd.f32 v0, v48  }
0x313: {  	v16 =	vunpack.i.u.bf16.f32 v16  }
0x314: {  	v4 =	vunpack.i.l.bf16.f32 v2;
	v50 =	vmul.f32 v16, v16;
	v0 =	vadd.f32 v49, v0  }
0x315: {  	v51 =	vmul.f32 v4, v4;
	v4 =	vld [tilespmem:s0+$0x6860]  }
0x316: {  	v16 =	vld [tilespmem:s0+$0xA860];
	v0 =	vadd.f32 v0, v50  }
0x317: {  	v2 =	vunpack.i.u.bf16.f32 v2;
	v3 =	vsub.bf16 v3, v17  }
0x318: {  	v52 =	vmul.f32 v2, v2;
	v0 =	vadd.f32 v51, v0  }
0x319: {  	v57 =	vld [tilespmem:s0+$0x6870];
	v55 =	vunpack.i.l.bf16.f32 v3  }
0x31a: {  	v17 =	vld [tilespmem:s0+$0xA870];
	v56 =	vmul.f32 v55, v55;
	v0 =	vadd.f32 v0, v52  }
0x31b: {  	v4 =	vsub.bf16 v4, v16;
	v3 =	vunpack.i.u.bf16.f32 v3  }
0x31c: {  	v58 =	vmul.f32 v3, v3;
	v0 =	vadd.f32 v56, v0  }
0x31d: {  	v3 =	vunpack.i.l.bf16.f32 v4  }
0x31e: {  	v59 =	vmul.f32 v3, v3;
	v0 =	vadd.f32 v0, v58  }
0x31f: {  	v3 =	vunpack.i.u.bf16.f32 v4;
	v2 =	vsub.bf16 v57, v17  }
0x320: {  	v60 =	vmul.f32 v3, v3;
	v0 =	vadd.f32 v59, v0  }
0x321: {  	v3 =	vunpack.i.l.bf16.f32 v2  }
0x322: {  	v61 =	vmul.f32 v3, v3;
	v0 =	vadd.f32 v0, v60  }
0x323: {  	v2 =	vunpack.i.u.bf16.f32 v2  }
0x324: {  	v62 =	vmul.f32 v2, v2;
	v0 =	vadd.f32 v61, v0;
	_ =	sdelay $0x1  }
0x325: {  	v0 =	vadd.f32 v0, v62  }
0x326: {  	s1 =	sadd.s32 $0x11, s31  }
0x327: {  	s31 =	simm.s32 $0x0;
	[tilespmem:s1+$0x0] =	vst v0  }
0x328: {  	v0 =	vld [tilespmem:s31+$0xB000]  }
0x329: {  	v63 =	vld [tilespmem:s31+$0x7000]  }
0x32a: {  	v35 =	vld [tilespmem:s31+$0xB010]  }
0x32b: {  	v3 =	vld [tilespmem:s31+$0x7010];
	_ =	sdelay $0x2  }
0x32c: {  	v36 =	vld [tilespmem:s31+$0xB020];
	v0 =	vsub.bf16 v63, v0  }
0x32d: {  	v4 =	vld [tilespmem:s31+$0x7020]  }
0x32e: {  	v2 =	vsub.bf16 v3, v35;
	v16 =	vunpack.i.u.bf16.f32 v0;
	v0 =	vunpack.i.l.bf16.f32 v0  }
0x32f: {  	v0 =	vmul.f32 v0, v0;
	v3 =	vmul.f32 v16, v16  }
0x330: {  	v17 =	vld [tilespmem:s31+$0xB030];
	v16 =	vunpack.i.l.bf16.f32 v2  }
0x331: {  	v0 =	vadd.f32 v0, v3;
	v3 =	vmul.f32 v16, v16;
	v16 =	vld [tilespmem:s31+$0x7030]  }
0x332: {  	v1 =	vsub.bf16 v4, v36;
	v2 =	vunpack.i.u.bf16.f32 v2  }
0x333: {  	v2 =	vmul.f32 v2, v2;
	v0 =	vadd.f32 v3, v0  }
0x334: {  	v4 =	vld [tilespmem:s31+$0xB040];
	v3 =	vunpack.i.l.bf16.f32 v1  }
0x335: {  	v37 =	vmul.f32 v3, v3;
	v3 =	vld [tilespmem:s31+$0x7040];
	v0 =	vadd.f32 v0, v2  }
0x336: {  	v1 =	vunpack.i.u.bf16.f32 v1;
	v16 =	vsub.bf16 v16, v17  }
0x337: {  	v1 =	vmul.f32 v1, v1;
	v0 =	vadd.f32 v37, v0  }
0x338: {  	v40 =	vld [tilespmem:s31+$0x7050];
	v38 =	vunpack.i.l.bf16.f32 v16  }
0x339: {  	s30 =	simm.s32 $0xC000;
	v17 =	vld [tilespmem:s31+$0xB050];
	v0 =	vadd.f32 v0, v1;
	v39 =	vmul.f32 v38, v38  }
0x33a: {  	v41 =	vld.idx.msk [tilespmem:v18+s30+$0x0], $0xffff;
	v16 =	vunpack.i.u.bf16.f32 v16;
	v3 =	vsub.bf16 v3, v4  }
0x33b: {  	v46 =	vld.idx.msk [tilespmem:v19+s30+$0x0], $0xffff;
	v42 =	vmul.f32 v16, v16;
	v0 =	vadd.f32 v39, v0  }
0x33c: {  	v16 =	vld [tilespmem:s31+$0xB060];
	v4 =	vunpack.i.l.bf16.f32 v3  }
0x33d: {  	v43 =	vmul.f32 v4, v4;
	v4 =	vld [tilespmem:s31+$0x7060];
	v0 =	vadd.f32 v0, v42  }
0x33e: {  	v45 =	vld.idx.msk [tilespmem:v6+s30+$0x0], $0xffff;
	v3 =	vunpack.i.u.bf16.f32 v3;
	v2 =	vsub.bf16 v40, v17  }
0x33f: {  	v50 =	vld.idx.msk [tilespmem:v7+s30+$0x0], $0xffff;
	v44 =	vmul.f32 v3, v3;
	v0 =	vadd.f32 v43, v0  }
0x340: {  	v17 =	vld [tilespmem:s31+$0xB070];
	v3 =	vunpack.i.l.bf16.f32 v2  }
0x341: {  	v47 =	vmul.f32 v3, v3;
	v3 =	vld [tilespmem:s31+$0x7070];
	v0 =	vadd.f32 v0, v44  }
0x342: {  	v48 =	vld.idx.msk [tilespmem:v20+s30+$0x0], $0xffff;
	v2 =	vunpack.i.u.bf16.f32 v2;
	v4 =	vsub.bf16 v4, v16  }
0x343: {  	v52 =	vld.idx.msk [tilespmem:v22+s30+$0x0], $0xffff;
	v55 =	vmul.f32 v2, v2;
	v0 =	vadd.f32 v47, v0  }
0x344: {  	v51 =	vld.idx.msk [tilespmem:v24+s30+$0x0], $0xffff;
	v56 =	vunpack.i.l.bf16.f32 v4  }
0x345: {  	v49 =	vld.idx.msk [tilespmem:v53+s30+$0x0], $0xffff;
	v57 =	vmul.f32 v56, v56;
	v0 =	vadd.f32 v0, v55  }
0x346: {  	v36 =	vld [tilespmem:s29+$0x2050];
	v58 =	vunpack.i.u.bf16.f32 v4;
	v3 =	vsub.bf16 v3, v17  }
0x347: {  	v35 =	vld [tilespmem:s29+$0x3050];
	v59 =	vmul.f32 v58, v58;
	v0 =	vadd.f32 v57, v0  }
0x348: {  	v37 =	vld.idx.msk [tilespmem:v15+s30+$0x0], $0xffff;
	v60 =	vunpack.i.l.bf16.f32 v3  }
0x349: {  	v38 =	vld.idx.msk [tilespmem:v14+s30+$0x0], $0xffff;
	v61 =	vmul.f32 v60, v60;
	v0 =	vadd.f32 v0, v59  }
0x34a: {  	v40 =	vld.idx.msk [tilespmem:v12+s30+$0x0], $0xffff;
	v62 =	vunpack.i.u.bf16.f32 v3  }
0x34b: {  	v39 =	vld.idx.msk [tilespmem:v13+s30+$0x0], $0xffff;
	v63 =	vmul.f32 v62, v62;
	v0 =	vadd.f32 v61, v0  }
0x34c: {  	v42 =	vld.idx.msk [tilespmem:v11+s30+$0x0], $0xffff  }
0x34d: {  	v43 =	vld.idx.msk [tilespmem:v10+s30+$0x0], $0xffff;
	v0 =	vadd.f32 v0, v63  }
0x34e: {  	v44 =	vld.idx.msk [tilespmem:v9+s30+$0x0], $0xffff  }
0x34f: {  	s0 =	simm.s32 $0x80;
	v47 =	vld.idx.msk [tilespmem:v54+s30+$0x0], $0xffff;
	[tilespmem:s30+$0x0] =	vst v0  }
0x350: {  	s1 =	simm.s32 $0x400;
	v16 =	vld [tilespmem:s0+$0xB000]  }
.LBB2_15:
0x351: {  	p0 =	sne.s32 s1, $0x1E00;
	v0 =	vld [tilespmem:s0+$0x7000]  }
0x352: {  	v1 =	vld [tilespmem:s0+$0xB010]  }
0x353: {  	v2 =	vld [tilespmem:s0+$0x7010];
	_ =	sdelay $0x2  }
0x354: {  	v0 =	vsub.bf16 v0, v16;
	v3 =	vld [tilespmem:s0+$0xB020]  }
0x355: {  	v4 =	vld [tilespmem:s0+$0x7020]  }
0x356: {  	v16 =	vunpack.i.u.bf16.f32 v0;
	v0 =	vunpack.i.l.bf16.f32 v0;
	v1 =	vsub.bf16 v2, v1  }
0x357: {  	v0 =	vmul.f32 v0, v0;
	v2 =	vmul.f32 v16, v16  }
0x358: {  	v16 =	vunpack.i.l.bf16.f32 v1;
	v17 =	vld [tilespmem:s0+$0xB030]  }
0x359: {  	v0 =	vadd.f32 v0, v2;
	v2 =	vmul.f32 v16, v16;
	v16 =	vld [tilespmem:s0+$0x7030]  }
0x35a: {  	v1 =	vunpack.i.u.bf16.f32 v1;
	v3 =	vsub.bf16 v4, v3  }
0x35b: {  	v1 =	vmul.f32 v1, v1;
	v0 =	vadd.f32 v2, v0  }
0x35c: {  	v2 =	vunpack.i.l.bf16.f32 v3;
	v4 =	vld [tilespmem:s0+$0xB040]  }
0x35d: {  	v0 =	vadd.f32 v0, v1;
	v1 =	vmul.f32 v2, v2;
	v2 =	vld [tilespmem:s0+$0x7040]  }
0x35e: {  	v3 =	vunpack.i.u.bf16.f32 v3;
	v16 =	vsub.bf16 v16, v17  }
0x35f: {  	v0 =	vadd.f32 v1, v0;
	v1 =	vmul.f32 v3, v3  }
0x360: {  	v3 =	vunpack.i.l.bf16.f32 v16;
	v17 =	vld [tilespmem:s0+$0xB050]  }
0x361: {  	v0 =	vadd.f32 v0, v1;
	v1 =	vmul.f32 v3, v3;
	v3 =	vld [tilespmem:s0+$0x7050]  }
0x362: {  	v16 =	vunpack.i.u.bf16.f32 v16;
	v2 =	vsub.bf16 v2, v4  }
0x363: {  	v0 =	vadd.f32 v1, v0;
	v1 =	vmul.f32 v16, v16  }
0x364: {  	v4 =	vunpack.i.l.bf16.f32 v2;
	v16 =	vld [tilespmem:s0+$0xB060]  }
0x365: {  	v0 =	vadd.f32 v0, v1;
	v1 =	vmul.f32 v4, v4;
	v4 =	vld [tilespmem:s0+$0x7060]  }
0x366: {  	v2 =	vunpack.i.u.bf16.f32 v2;
	v3 =	vsub.bf16 v3, v17  }
0x367: {  	v0 =	vadd.f32 v1, v0;
	v1 =	vmul.f32 v2, v2  }
0x368: {  	v2 =	vunpack.i.l.bf16.f32 v3;
	v17 =	vld [tilespmem:s0+$0xB070]  }
0x369: {  	v0 =	vadd.f32 v0, v1;
	v1 =	vmul.f32 v2, v2;
	v2 =	vld [tilespmem:s0+$0x7070]  }
0x36a: {  	v3 =	vunpack.i.u.bf16.f32 v3;
	v4 =	vsub.bf16 v4, v16  }
0x36b: {  	v0 =	vadd.f32 v1, v0;
	v1 =	vmul.f32 v3, v3  }
0x36c: {  	v3 =	vunpack.i.l.bf16.f32 v4  }
0x36d: {  	v0 =	vadd.f32 v0, v1;
	v1 =	vmul.f32 v3, v3  }
0x36e: {  	v3 =	vunpack.i.u.bf16.f32 v4;
	v2 =	vsub.bf16 v2, v17  }
0x36f: {  	v0 =	vadd.f32 v1, v0;
	v1 =	vmul.f32 v3, v3  }
0x370: {  	v3 =	vunpack.i.l.bf16.f32 v2  }
0x371: {  	v0 =	vadd.f32 v0, v1;
	v1 =	vmul.f32 v3, v3  }
0x372: {  	v2 =	vunpack.i.u.bf16.f32 v2  }
0x373: {  	v0 =	vadd.f32 v1, v0;
	v1 =	vmul.f32 v2, v2  }
.Ltmp6:
0x374: {  	(pc) =	sbr.rel @p0 .LBB2_15-.Ltmp6, $4  }
0x375: {  	v0 =	vadd.f32 v0, v1  }
0x376: {  	s30 =	sadd.s32 $0x11, s30  }
0x377: {  	s0 =	sshra.s32 s1, $0x2;
	[tilespmem:s30+$0x0] =	vst v0  }
0x378: {  	s1 =	sadd.s32 $0x200, s1;
	v16 =	vld [tilespmem:s0+$0xB000]  }
0x379: {  	v0 =	vld [tilespmem:s0+$0x7000]  }
0x37a: {  	v1 =	vld [tilespmem:s0+$0xB010]  }
0x37b: {  	v2 =	vld [tilespmem:s0+$0x7010];
	_ =	sdelay $0x2  }
0x37c: {  	v3 =	vld [tilespmem:s0+$0xB020];
	v0 =	vsub.bf16 v0, v16  }
0x37d: {  	v4 =	vld [tilespmem:s0+$0x7020]  }
0x37e: {  	v1 =	vsub.bf16 v2, v1;
	v16 =	vunpack.i.u.bf16.f32 v0;
	v0 =	vunpack.i.l.bf16.f32 v0  }
0x37f: {  	v0 =	vmul.f32 v0, v0;
	v63 =	vmul.f32 v16, v16  }
0x380: {  	v17 =	vld [tilespmem:s0+$0xB030];
	v16 =	vunpack.i.l.bf16.f32 v1  }
0x381: {  	v55 =	vmul.f32 v16, v16;
	v16 =	vld [tilespmem:s0+$0x7030];
	v0 =	vadd.f32 v0, v63  }
0x382: {  	v3 =	vsub.bf16 v4, v3;
	v1 =	vunpack.i.u.bf16.f32 v1  }
0x383: {  	v58 =	vld [tilespmem:s0+$0x7040];
	v1 =	vmul.f32 v1, v1;
	v0 =	vadd.f32 v55, v0  }
0x384: {  	v4 =	vld [tilespmem:s0+$0xB040];
	v56 =	vunpack.i.l.bf16.f32 v3  }
0x385: {  	v57 =	vmul.f32 v56, v56;
	v0 =	vadd.f32 v0, v1  }
0x386: {  	v3 =	vunpack.i.u.bf16.f32 v3;
	v16 =	vsub.bf16 v16, v17  }
0x387: {  	v59 =	vmul.f32 v3, v3;
	v0 =	vadd.f32 v57, v0  }
0x388: {  	v17 =	vld [tilespmem:s0+$0xB050];
	v3 =	vunpack.i.l.bf16.f32 v16  }
0x389: {  	v2 =	vsub.bf16 v58, v4;
	v60 =	vmul.f32 v3, v3;
	v3 =	vld [tilespmem:s0+$0x7050];
	v0 =	vadd.f32 v0, v59  }
0x38a: {  	v16 =	vunpack.i.u.bf16.f32 v16  }
0x38b: {  	v4 =	vunpack.i.l.bf16.f32 v2;
	v61 =	vmul.f32 v16, v16;
	v0 =	vadd.f32 v60, v0  }
0x38c: {  	v62 =	vmul.f32 v4, v4;
	v4 =	vld [tilespmem:s0+$0x7060]  }
0x38d: {  	v16 =	vld [tilespmem:s0+$0xB060];
	v0 =	vadd.f32 v0, v61  }
0x38e: {  	v2 =	vunpack.i.u.bf16.f32 v2;
	v3 =	vsub.bf16 v3, v17  }
0x38f: {  	v63 =	vmul.f32 v2, v2;
	v0 =	vadd.f32 v62, v0  }
0x390: {  	v57 =	vld [tilespmem:s0+$0x7070];
	v55 =	vunpack.i.l.bf16.f32 v3  }
0x391: {  	v17 =	vld [tilespmem:s0+$0xB070];
	v56 =	vmul.f32 v55, v55;
	v0 =	vadd.f32 v0, v63  }
0x392: {  	v4 =	vsub.bf16 v4, v16;
	v3 =	vunpack.i.u.bf16.f32 v3  }
0x393: {  	v58 =	vmul.f32 v3, v3;
	v0 =	vadd.f32 v56, v0  }
0x394: {  	v3 =	vunpack.i.l.bf16.f32 v4  }
0x395: {  	v59 =	vmul.f32 v3, v3;
	v0 =	vadd.f32 v0, v58  }
0x396: {  	v3 =	vunpack.i.u.bf16.f32 v4;
	v2 =	vsub.bf16 v57, v17  }
0x397: {  	v60 =	vmul.f32 v3, v3;
	v0 =	vadd.f32 v59, v0  }
0x398: {  	v3 =	vunpack.i.l.bf16.f32 v2  }
0x399: {  	v61 =	vmul.f32 v3, v3;
	v0 =	vadd.f32 v0, v60  }
0x39a: {  	v2 =	vunpack.i.u.bf16.f32 v2  }
0x39b: {  	v62 =	vmul.f32 v2, v2;
	v0 =	vadd.f32 v61, v0;
	_ =	sdelay $0x1  }
0x39c: {  	v0 =	vadd.f32 v0, v62  }
0x39d: {  	s1 =	sadd.s32 $0x11, s30  }
0x39e: {  	s31 =	simm.s32 $0x0;
	[tilespmem:s1+$0x0] =	vst v0  }
0x39f: {  	v0 =	vld [tilespmem:s31+$0xB800]  }
0x3a0: {  	v63 =	vld [tilespmem:s31+$0x7800]  }
0x3a1: {  	v55 =	vld [tilespmem:s31+$0xB810]  }
0x3a2: {  	v3 =	vld [tilespmem:s31+$0x7810];
	_ =	sdelay $0x2  }
0x3a3: {  	v56 =	vld [tilespmem:s31+$0xB820];
	v0 =	vsub.bf16 v63, v0  }
0x3a4: {  	v4 =	vld [tilespmem:s31+$0x7820]  }
0x3a5: {  	v2 =	vsub.bf16 v3, v55;
	v16 =	vunpack.i.u.bf16.f32 v0;
	v0 =	vunpack.i.l.bf16.f32 v0  }
0x3a6: {  	v0 =	vmul.f32 v0, v0;
	v3 =	vmul.f32 v16, v16  }
0x3a7: {  	v17 =	vld [tilespmem:s31+$0xB830];
	v16 =	vunpack.i.l.bf16.f32 v2  }
0x3a8: {  	v0 =	vadd.f32 v0, v3;
	v3 =	vmul.f32 v16, v16;
	v16 =	vld [tilespmem:s31+$0x7830]  }
0x3a9: {  	v1 =	vsub.bf16 v4, v56;
	v2 =	vunpack.i.u.bf16.f32 v2  }
0x3aa: {  	v2 =	vmul.f32 v2, v2;
	v0 =	vadd.f32 v3, v0  }
0x3ab: {  	v4 =	vld [tilespmem:s31+$0xB840];
	v3 =	vunpack.i.l.bf16.f32 v1  }
0x3ac: {  	v57 =	vmul.f32 v3, v3;
	v3 =	vld [tilespmem:s31+$0x7840];
	v0 =	vadd.f32 v0, v2  }
0x3ad: {  	s30 =	simm.s32 $0xC000;
	v1 =	vunpack.i.u.bf16.f32 v1;
	v16 =	vsub.bf16 v16, v17  }
0x3ae: {  	v60 =	vld.idx.msk [tilespmem:v18+s30+$0x0], $0xffff;
	v1 =	vmul.f32 v1, v1;
	v0 =	vadd.f32 v57, v0  }
0x3af: {  	v18 =	vld [tilespmem:s31+$0xB850];
	v58 =	vunpack.i.l.bf16.f32 v16  }
0x3b0: {  	v61 =	vld [tilespmem:s31+$0x7850];
	v0 =	vadd.f32 v0, v1;
	v59 =	vmul.f32 v58, v58  }
0x3b1: {  	v19 =	vunpack.i.u.bf16.f32 v16;
	v3 =	vsub.bf16 v3, v4  }
0x3b2: {  	v20 =	vld [tilespmem:s31+$0xB860];
	v62 =	vmul.f32 v19, v19;
	v0 =	vadd.f32 v59, v0  }
0x3b3: {  	v21 =	vld.idx.msk [tilespmem:v7+s30+$0x0], $0xffff;
	v4 =	vunpack.i.l.bf16.f32 v3  }
0x3b4: {  	v63 =	vmul.f32 v4, v4;
	v4 =	vld [tilespmem:s31+$0x7860];
	v0 =	vadd.f32 v0, v62  }
0x3b5: {  	v23 =	vld [tilespmem:s31+$0xB870];
	v2 =	vsub.bf16 v61, v18;
	v3 =	vunpack.i.u.bf16.f32 v3  }
0x3b6: {  	v22 =	vld.idx.msk [tilespmem:v22+s30+$0x0], $0xffff;
	v55 =	vmul.f32 v3, v3;
	v0 =	vadd.f32 v63, v0  }
0x3b7: {  	v18 =	vld.idx.msk [tilespmem:v53+s30+$0x0], $0xffff;
	v3 =	vunpack.i.l.bf16.f32 v2  }
0x3b8: {  	v56 =	vmul.f32 v3, v3;
	v3 =	vld [tilespmem:s31+$0x7870];
	v0 =	vadd.f32 v0, v55  }
0x3b9: {  	v61 =	vld.idx.msk [tilespmem:v10+s30+$0x0], $0xffff;
	v2 =	vunpack.i.u.bf16.f32 v2;
	v4 =	vsub.bf16 v4, v20  }
0x3ba: {  	v17 =	vld.idx.msk [tilespmem:v5+s30+$0x0], $0xffff;
	v57 =	vmul.f32 v2, v2;
	v0 =	vadd.f32 v56, v0  }
0x3bb: {  	v16 =	vld.idx.msk [tilespmem:v6+s30+$0x0], $0xffff;
	v58 =	vunpack.i.l.bf16.f32 v4  }
0x3bc: {  	v19 =	vld.idx.msk [tilespmem:v8+s30+$0x0], $0xffff;
	v59 =	vmul.f32 v58, v58;
	v0 =	vadd.f32 v0, v57  }
0x3bd: {  	v62 =	vld.idx.msk [tilespmem:v9+s30+$0x0], $0xffff;
	v3 =	vsub.bf16 v3, v23;
	v53 =	vunpack.i.u.bf16.f32 v4  }
0x3be: {  	v63 =	vld.idx.msk [tilespmem:v54+s30+$0x0], $0xffff;
	v54 =	vmul.f32 v53, v53;
	v0 =	vadd.f32 v59, v0  }
0x3bf: {  	v20 =	vld.idx.msk [tilespmem:v24+s30+$0x0], $0xffff;
	v55 =	vunpack.i.l.bf16.f32 v3  }
0x3c0: {  	v56 =	vld.idx.msk [tilespmem:v14+s30+$0x0], $0xffff;
	v1 =	vmul.f32 v55, v55;
	v0 =	vadd.f32 v0, v54  }
0x3c1: {  	v58 =	vld.idx.msk [tilespmem:v12+s30+$0x0], $0xffff;
	v53 =	vunpack.i.u.bf16.f32 v3  }
0x3c2: {  	v57 =	vld.idx.msk [tilespmem:v13+s30+$0x0], $0xffff;
	v0 =	vadd.f32 v1, v0;
	v1 =	vmul.f32 v53, v53  }
0x3c3: {  	v55 =	vld.idx.msk [tilespmem:v15+s30+$0x0], $0xffff  }
0x3c4: {  	v59 =	vld.idx.msk [tilespmem:v11+s30+$0x0], $0xffff;
	v0 =	vadd.f32 v0, v1  }
0x3c5: {  	v54 =	vld [tilespmem:s29+$0x2060]  }
0x3c6: {  	s0 =	simm.s32 $0x80;
	v53 =	vld [tilespmem:s29+$0x3060];
	[tilespmem:s30+$0x0] =	vst v0  }
0x3c7: {  	s1 =	simm.s32 $0x400;
	v23 =	vld [tilespmem:s0+$0xB800]  }
.LBB2_17:
0x3c8: {  	p0 =	sne.s32 s1, $0x1E00;
	v0 =	vld [tilespmem:s0+$0x7800]  }
0x3c9: {  	v1 =	vld [tilespmem:s0+$0xB810]  }
0x3ca: {  	v2 =	vld [tilespmem:s0+$0x7810];
	_ =	sdelay $0x2  }
0x3cb: {  	v0 =	vsub.bf16 v0, v23;
	v3 =	vld [tilespmem:s0+$0xB820]  }
0x3cc: {  	v4 =	vld [tilespmem:s0+$0x7820]  }
0x3cd: {  	v23 =	vunpack.i.u.bf16.f32 v0;
	v0 =	vunpack.i.l.bf16.f32 v0;
	v1 =	vsub.bf16 v2, v1  }
0x3ce: {  	v0 =	vmul.f32 v0, v0;
	v2 =	vmul.f32 v23, v23  }
0x3cf: {  	v23 =	vunpack.i.l.bf16.f32 v1;
	v24 =	vld [tilespmem:s0+$0xB830]  }
0x3d0: {  	v0 =	vadd.f32 v0, v2;
	v2 =	vmul.f32 v23, v23;
	v23 =	vld [tilespmem:s0+$0x7830]  }
0x3d1: {  	v1 =	vunpack.i.u.bf16.f32 v1;
	v3 =	vsub.bf16 v4, v3  }
0x3d2: {  	v1 =	vmul.f32 v1, v1;
	v0 =	vadd.f32 v2, v0  }
0x3d3: {  	v2 =	vunpack.i.l.bf16.f32 v3;
	v4 =	vld [tilespmem:s0+$0xB840]  }
0x3d4: {  	v0 =	vadd.f32 v0, v1;
	v1 =	vmul.f32 v2, v2;
	v2 =	vld [tilespmem:s0+$0x7840]  }
0x3d5: {  	v3 =	vunpack.i.u.bf16.f32 v3;
	v23 =	vsub.bf16 v23, v24  }
0x3d6: {  	v0 =	vadd.f32 v1, v0;
	v1 =	vmul.f32 v3, v3  }
0x3d7: {  	v3 =	vunpack.i.l.bf16.f32 v23;
	v24 =	vld [tilespmem:s0+$0xB850]  }
0x3d8: {  	v0 =	vadd.f32 v0, v1;
	v1 =	vmul.f32 v3, v3;
	v3 =	vld [tilespmem:s0+$0x7850]  }
0x3d9: {  	v23 =	vunpack.i.u.bf16.f32 v23;
	v2 =	vsub.bf16 v2, v4  }
0x3da: {  	v0 =	vadd.f32 v1, v0;
	v1 =	vmul.f32 v23, v23  }
0x3db: {  	v4 =	vunpack.i.l.bf16.f32 v2;
	v23 =	vld [tilespmem:s0+$0xB860]  }
0x3dc: {  	v0 =	vadd.f32 v0, v1;
	v1 =	vmul.f32 v4, v4;
	v4 =	vld [tilespmem:s0+$0x7860]  }
0x3dd: {  	v2 =	vunpack.i.u.bf16.f32 v2;
	v3 =	vsub.bf16 v3, v24  }
0x3de: {  	v0 =	vadd.f32 v1, v0;
	v1 =	vmul.f32 v2, v2  }
0x3df: {  	v2 =	vunpack.i.l.bf16.f32 v3;
	v24 =	vld [tilespmem:s0+$0xB870]  }
0x3e0: {  	v0 =	vadd.f32 v0, v1;
	v1 =	vmul.f32 v2, v2;
	v2 =	vld [tilespmem:s0+$0x7870]  }
0x3e1: {  	v3 =	vunpack.i.u.bf16.f32 v3;
	v4 =	vsub.bf16 v4, v23  }
0x3e2: {  	v0 =	vadd.f32 v1, v0;
	v1 =	vmul.f32 v3, v3  }
0x3e3: {  	v3 =	vunpack.i.l.bf16.f32 v4  }
0x3e4: {  	v0 =	vadd.f32 v0, v1;
	v1 =	vmul.f32 v3, v3  }
0x3e5: {  	v3 =	vunpack.i.u.bf16.f32 v4;
	v2 =	vsub.bf16 v2, v24  }
0x3e6: {  	v0 =	vadd.f32 v1, v0;
	v1 =	vmul.f32 v3, v3  }
0x3e7: {  	v3 =	vunpack.i.l.bf16.f32 v2  }
0x3e8: {  	v0 =	vadd.f32 v0, v1;
	v1 =	vmul.f32 v3, v3  }
0x3e9: {  	v2 =	vunpack.i.u.bf16.f32 v2  }
0x3ea: {  	v0 =	vadd.f32 v1, v0;
	v1 =	vmul.f32 v2, v2  }
.Ltmp7:
0x3eb: {  	(pc) =	sbr.rel @p0 .LBB2_17-.Ltmp7, $4  }
0x3ec: {  	v0 =	vadd.f32 v0, v1  }
0x3ed: {  	s30 =	sadd.s32 $0x11, s30  }
0x3ee: {  	s0 =	sshra.s32 s1, $0x2;
	[tilespmem:s30+$0x0] =	vst v0  }
0x3ef: {  	s1 =	sadd.s32 $0x200, s1;
	v23 =	vld [tilespmem:s0+$0xB800]  }
0x3f0: {  	v0 =	vld [tilespmem:s0+$0x7800]  }
0x3f1: {  	v1 =	vld [tilespmem:s0+$0xB810]  }
0x3f2: {  	v2 =	vld [tilespmem:s0+$0x7810];
	_ =	sdelay $0x2  }
0x3f3: {  	v3 =	vld [tilespmem:s0+$0xB820];
	v0 =	vsub.bf16 v0, v23  }
0x3f4: {  	v4 =	vld [tilespmem:s0+$0x7820]  }
0x3f5: {  	v1 =	vsub.bf16 v2, v1;
	v23 =	vunpack.i.u.bf16.f32 v0;
	v0 =	vunpack.i.l.bf16.f32 v0  }
0x3f6: {  	v0 =	vmul.f32 v0, v0;
	v2 =	vmul.f32 v23, v23  }
0x3f7: {  	v24 =	vld [tilespmem:s0+$0xB830];
	v23 =	vunpack.i.l.bf16.f32 v1  }
0x3f8: {  	v0 =	vadd.f32 v0, v2;
	v2 =	vmul.f32 v23, v23;
	v23 =	vld [tilespmem:s0+$0x7830]  }
0x3f9: {  	v3 =	vsub.bf16 v4, v3;
	v1 =	vunpack.i.u.bf16.f32 v1  }
0x3fa: {  	v1 =	vmul.f32 v1, v1;
	v0 =	vadd.f32 v2, v0  }
0x3fb: {  	v4 =	vld [tilespmem:s0+$0xB840];
	v2 =	vunpack.i.l.bf16.f32 v3  }
0x3fc: {  	v0 =	vadd.f32 v0, v1;
	v1 =	vmul.f32 v2, v2;
	v2 =	vld [tilespmem:s0+$0x7840]  }
0x3fd: {  	v3 =	vunpack.i.u.bf16.f32 v3;
	v23 =	vsub.bf16 v23, v24  }
0x3fe: {  	v0 =	vadd.f32 v1, v0;
	v1 =	vmul.f32 v3, v3  }
0x3ff: {  	v24 =	vld [tilespmem:s0+$0xB850];
	v3 =	vunpack.i.l.bf16.f32 v23  }
0x400: {  	v0 =	vadd.f32 v0, v1;
	v1 =	vmul.f32 v3, v3;
	v3 =	vld [tilespmem:s0+$0x7850]  }
0x401: {  	v23 =	vunpack.i.u.bf16.f32 v23;
	v2 =	vsub.bf16 v2, v4  }
0x402: {  	v0 =	vadd.f32 v1, v0;
	v1 =	vmul.f32 v23, v23  }
0x403: {  	v23 =	vld [tilespmem:s0+$0xB860];
	v4 =	vunpack.i.l.bf16.f32 v2  }
0x404: {  	v0 =	vadd.f32 v0, v1;
	v1 =	vmul.f32 v4, v4;
	v4 =	vld [tilespmem:s0+$0x7860]  }
0x405: {  	v2 =	vunpack.i.u.bf16.f32 v2;
	v3 =	vsub.bf16 v3, v24  }
0x406: {  	v0 =	vadd.f32 v1, v0;
	v1 =	vmul.f32 v2, v2  }
0x407: {  	v24 =	vld [tilespmem:s0+$0xB870];
	v2 =	vunpack.i.l.bf16.f32 v3  }
0x408: {  	v0 =	vadd.f32 v0, v1;
	v1 =	vmul.f32 v2, v2;
	v2 =	vld [tilespmem:s0+$0x7870]  }
0x409: {  	v3 =	vunpack.i.u.bf16.f32 v3;
	v4 =	vsub.bf16 v4, v23  }
0x40a: {  	v0 =	vadd.f32 v1, v0;
	v1 =	vmul.f32 v3, v3  }
0x40b: {  	v23 =	vunpack.i.l.bf16.f32 v4  }
0x40c: {  	v0 =	vadd.f32 v0, v1;
	v1 =	vmul.f32 v23, v23  }
0x40d: {  	v23 =	vunpack.i.u.bf16.f32 v4;
	v2 =	vsub.bf16 v2, v24  }
0x40e: {  	v0 =	vadd.f32 v1, v0;
	v1 =	vmul.f32 v23, v23  }
0x40f: {  	v23 =	vunpack.i.l.bf16.f32 v2  }
0x410: {  	v0 =	vadd.f32 v0, v1;
	v1 =	vmul.f32 v23, v23;
	v23 =	vld [tilespmem:$0x1FE50];
	_ =	sdelay $0x3  }
0x411: {  	v2 =	vunpack.i.u.bf16.f32 v2  }
0x412: {  	v0 =	vadd.f32 v1, v0;
	v3 =	vadd.f32 v28, v23;
	v28 =	vmul.f32 v2, v2;
	_ =	sdelay $0x1  }
0x413: {  	v0 =	vadd.f32 v0, v28;
	v28 =	vadd.f32 v46, v41;
	_ =	sdelay $0x1  }
0x414: {  	v41 =	vadd.f32 v45, v28  }
0x415: {  	s31 =	sadd.s32 $0x11, s30;
	v23 =	vadd.f32 v26, v3  }
0x416: {  	[tilespmem:s31+$0x0] =	vst v0;
	v0 =	vadd.f32 v50, v41;
	v50 =	vadd.f32 v17, v60  }
0x417: {  	v2 =	vadd.f32 v31, v23  }
0x418: {  	v24 =	vld [tilespmem:$0x1FFB0];
	v3 =	vadd.f32 v16, v50  }
0x419: {  	v45 =	vadd.f32 v30, v2  }
0x41a: {  	v3 =	vadd.f32 v21, v3  }
0x41b: {  	v1 =	vadd.f32 v34, v45  }
0x41c: {  	v3 =	vadd.f32 v19, v3  }
0x41d: {  	v1 =	vadd.f32 v33, v1  }
0x41e: {  	v3 =	vadd.f32 v22, v3  }
0x41f: {  	v1 =	vadd.f32 v32, v1  }
0x420: {  	v46 =	vld.idx.msk [tilespmem:v24+s22+$0x0], $0xffff;
	v3 =	vadd.f32 v20, v3  }
0x421: {  	v16 =	vld.idx.msk [tilespmem:v6+s22+$0x0], $0xffff;
	v1 =	vadd.f32 v29, v1  }
0x422: {  	v3 =	vadd.f32 v18, v3;
	v18 =	vld [tilespmem:$0x1FE60]  }
0x423: {  	v34 =	vmov v6;
	v6 =	vld [tilespmem:$0x1FFC0];
	v1 =	vadd.f32 v27, v1  }
0x424: {  	v4 =	vld.idx.msk [tilespmem:v5+s22+$0x0], $0xffff  }
0x425: {  	v17 =	vld.idx.msk [tilespmem:v7+s22+$0x0], $0xffff;
	v1 =	vadd.f32 v25, v1  }
0x426: {  	v33 =	vmov v7;
	v7 =	vld [tilespmem:$0x1FFD0]  }
0x427: {  	v1 =	vadd.f32 v18, v1;
	v18 =	vld [tilespmem:$0x1FE70]  }
0x428: {  	v25 =	vld [tilespmem:$0x1FFE0]  }
0x429: {  	v26 =	vld [tilespmem:$0x1FFF0];
	v2 =	vadd.f32 v4, v46  }
0x42a: {  	v4 =	vld.idx.msk [tilespmem:v8+s22+$0x0], $0xffff  }
0x42b: {  	v2 =	vadd.f32 v16, v2;
	v16 =	vld.idx.msk [tilespmem:v6+s22+$0x0], $0xffff  }
0x42c: {  	v1 =	vadd.f32 v18, v1;
	v18 =	vld [tilespmem:$0x1FE80]  }
0x42d: {  	v2 =	vadd.f32 v17, v2  }
0x42e: {  	v17 =	vld.idx.msk [tilespmem:v7+s22+$0x0], $0xffff  }
0x42f: {  	v2 =	vadd.f32 v4, v2  }
0x430: {  	v0 =	vadd.f32 v48, v0;
	v4 =	vld.idx.msk [tilespmem:v25+s22+$0x0], $0xffff  }
0x431: {  	v2 =	vadd.f32 v16, v2;
	v1 =	vadd.f32 v18, v1;
	v18 =	vld [tilespmem:$0x1FE90]  }
0x432: {  	v0 =	vadd.f32 v52, v0;
	v16 =	vld.idx.msk [tilespmem:v26+s22+$0x0], $0xffff  }
0x433: {  	v2 =	vadd.f32 v17, v2  }
0x434: {  	v0 =	vadd.f32 v51, v0;
	v17 =	vld.idx.msk [tilespmem:v9+s22+$0x0], $0xffff  }
0x435: {  	v2 =	vadd.f32 v4, v2;
	v4 =	vld.idx.msk [tilespmem:v10+s22+$0x0], $0xffff  }
0x436: {  	v0 =	vadd.f32 v49, v0;
	v1 =	vadd.f32 v18, v1;
	v18 =	vld [tilespmem:$0x1FEA0]  }
0x437: {  	v2 =	vadd.f32 v16, v2  }
0x438: {  	v0 =	vadd.f32 v47, v0;
	v16 =	vld.idx.msk [tilespmem:v11+s22+$0x0], $0xffff  }
0x439: {  	v2 =	vadd.f32 v17, v2  }
0x43a: {  	v0 =	vadd.f32 v44, v0;
	v3 =	vadd.f32 v63, v3  }
0x43b: {  	v2 =	vadd.f32 v4, v2;
	v1 =	vadd.f32 v18, v1;
	v18 =	vld [tilespmem:$0x1FEB0]  }
0x43c: {  	v0 =	vadd.f32 v43, v0  }
0x43d: {  	v3 =	vadd.f32 v62, v3;
	v2 =	vadd.f32 v16, v2;
	v16 =	vld [tilespmem:$0x1FED0]  }
0x43e: {  	v0 =	vadd.f32 v42, v0  }
0x43f: {  	v3 =	vadd.f32 v61, v3  }
0x440: {  	v0 =	vadd.f32 v40, v0;
	v4 =	vsub.f32 $5.000000000e+00, v1;
	v1 =	vmul.f32 v1, v18  }
0x441: {  	v3 =	vadd.f32 v59, v3  }
0x442: {  	v0 =	vadd.f32 v39, v0;
	v1 =	vadd.f32 v1, v16;
	v16 =	vld [tilespmem:$0x1FEC0]  }
0x443: {  	v3 =	vadd.f32 v58, v3;
	v17 =	vld.idx.msk [tilespmem:v12+s22+$0x0], $0xffff  }
0x444: {  	v0 =	vadd.f32 v38, v0  }
0x445: {  	v3 =	vadd.f32 v57, v3;
	v18 =	vld.idx.msk [tilespmem:v13+s22+$0x0], $0xffff  }
0x446: {  	v0 =	vadd.f32 v37, v0;
	v4 =	vmax.f32 v4, $0.0e+00  }
0x447: {  	v3 =	vadd.f32 v56, v3;
	v4 =	vmul.f32 v4, v16;
	v16 =	vld.idx.msk [tilespmem:v14+s22+$0x0], $0xffff  }
0x448: {  	v2 =	vadd.f32 v17, v2;
	v17 =	vsub.f32 $5.000000000e+00, v0  }
0x449: {  	v0 =	vmul.f32 v0, v36;
	v1 =	vadd.f32 v4, v1;
	v4 =	vld.idx.msk [tilespmem:v15+s22+$0x0], $0xffff  }
0x44a: {  	v3 =	vadd.f32 v55, v3;
	v17 =	vmax.f32 v17, $0.0e+00;
	v2 =	vadd.f32 v18, v2  }
0x44b: {  	v56 =	vmul.f32 v17, v35;
	v0 =	vadd.f32 v0, v1  }
0x44c: {  	v17 =	vsub.f32 $5.000000000e+00, v3;
	v2 =	vadd.f32 v16, v2;
	v16 =	vld [tilespmem:s29+$0x2070]  }
0x44d: {  	v57 =	vmul.f32 v3, v54;
	v0 =	vadd.f32 v56, v0  }
0x44e: {  	v58 =	vmax.f32 v17, $0.0e+00;
	v2 =	vadd.f32 v4, v2;
	v4 =	vld [tilespmem:s29+$0x3070]  }
0x44f: {  	s28 =	sadd.s32 $0x1, s28;
	v59 =	vmul.f32 v58, v53;
	v0 =	vadd.f32 v57, v0  }
0x450: {  	p0 =	sne.s32 s28, $0x20;
	v60 =	vsub.f32 $5.000000000e+00, v2  }
.Ltmp8:
0x451: {  	v0 =	vadd.f32 v59, v0;
	v61 =	vmul.f32 v2, v16;
	(pc) =	sbr.rel @p0 .LBB2_2-.Ltmp8, $3  }
0x452: {  	v62 =	vmax.f32 v60, $0.0e+00  }
0x453: {  	v0 =	vadd.f32 v61, v0;
	v63 =	vmul.f32 v62, v4;
	_ =	sdelay $0x1  }
0x454: {  	v32 =	vmov v5;
	v35 =	vmov v8;
	v16 =	vadd.f32 v63, v0  }
0x455: {  	s26 =	sadd.s32 $0x1, s26  }
0x456: {  	p0 =	sne.s32 s26, s10  }
.Ltmp9:
0x457: {  	[tilespmem:$0xC110] =	vst v16;
	(pc) =	sbr.rel @p0 .LBB2_1-.Ltmp9, $4  }
0x458: {  	[hbm4b:s9+s2] =	stream.linear.scatter [tilespmem:s25], [sflag:$0x5], $0x10, $0x38;
	[tilespmem:$0xC120] =	vst v63  }
0x459: {  	_ =	swait.ge [sflag:s11], $0x10  }
0x45a: {  	[sflag:s11] =	ssyncset.done $0x0  }
0x45b: {  	[sflag:s11] =	ssyncadd.s32 $0xFFFFFFF0  }
0x45c: {  	_ =	sfence.sel $0x180000  }
0x45d: {  	[bflag:$0x0] =	sbarrier.arrive $0xFFFF  }
0x45e: {  	_ =	strace $0x90000047  }
0x45f: {  	s0 =	stileid.u32;
	[bflag:$0x2] =	sbarrier.arrive $0xFFFF  }
0x460: {  	p0 =	sne.s32 s0, $0x0;
	s0 =	rddreg [dreg:$0x1]  }
0x461: {  	s0 =	sadd.s32 @!p0 $0x100000, s0  }
0x462: {  	[sflag:s0] =	ssyncadd.tile.s32 @!p0 $0x1;
	_ =	shalt  }
.Lfunc_end2:
_tile_overlayer_lowered:
.L_overlay_start_2:
0x463: {  	(tag) =	ssettag $0x2  }
0x464: {  	s0 =	rddreg [dreg:$0x0];
	s2 =	stileid.u32  }
0x465: {  	s1 =	rddreg [dreg:$0x1];
	p0 =	sne.s32 s2, $0x0  }
0x466: {  	s3 =	rddreg [dreg:$0x2];
	[bflag:$0x3] =	sbarrier.arrive $0xFFFF;
	s2 =	simm.s32 @!p0 $0x1C05  }
0x467: {  	[timem:s3], [sflag:s2] =	dma.local @!p0 [hbm:s0], s1  }
0x468: {  	s0 =	simm.s32 @!p0 $0x5  }
0x469: {  	_ =	swait.ge @!p0 [sflag:s0], s1  }
0x46a: {  	s1 =	ssub.s32 @!p0 $0x0, s1;
	[sflag:s0] =	ssyncset.done @!p0 $0x0  }
0x46b: {  	[sflag:s0] =	ssyncadd.s32 @!p0 s1  }
0x46c: {  	[bflag:$0x3] =	sbarrier.arrive $0xFFFF  }
0x46d: {  	_ =	shalt  }

</sc_bundles>
